<compile_context>
chip_gen: v7x
topology: tpu7x:2x2x1
jax: 0.10.2.dev20260603
libtpu: 0.0.44.dev20260713+nightly
codegen_flags: <defaults>
</compile_context>

<pallas_src>
import functools

import jax
import jax.numpy as jnp
from jax import lax
from jax.experimental import pallas as pl
from jax.experimental.pallas import tpu as pltpu
from jax.experimental.pallas import tpu_sc as plsc

N = 10000
E = 320000
D = 128

NC = 2
NS = 16

ZROWS = 80
NBLOCKS = N // ZROWS

CH2 = 125
ROWS2 = E // CH2
TCH2 = ROWS2 // NS
GCH2 = 32
NG2 = TCH2 // GCH2

CH4 = 80
EPT4 = E // (NC * NS)
TCH4 = EPT4 // CH4


def _bn(x, g, b, eps=1e-5):
    mu = jnp.mean(x, axis=0, keepdims=True)
    var = jnp.mean((x - mu) ** 2, axis=0, keepdims=True)
    return (x - mu) / jnp.sqrt(var + eps) * g + b


def _mlp_bn_relu(x, W1, b1, g1, be1, W2, b2, go, bo):
    h = lax.dot_general(x, W1, (((1,), (1,)), ((), ())),
                        preferred_element_type=jnp.float32) + b1
    h = jax.nn.relu(_bn(h, g1, be1))
    y = lax.dot_general(h, W2, (((1,), (1,)), ((), ())),
                        preferred_element_type=jnp.float32) + b2
    return jax.nn.relu(_bn(y, go, bo))


def _stage1_body(feat, *refs):
    (w1s, b1s, g1s, be1s, w2s, b2s, gs, bs,
     w1d, b1d, g1d, be1d, w2d, b2d, gd, bd, srcf, dstf, zref) = refs
    x = feat[...]
    srcf[...] = _mlp_bn_relu(x, w1s[...], b1s[...], g1s[...], be1s[...],
                             w2s[...], b2s[...], gs[...], bs[...])
    dstf[...] = _mlp_bn_relu(x, w1d[...], b1d[...], g1d[...], be1d[...],
                             w2d[...], b2d[...], gd[...], bd[...])
    zref[...] = jnp.zeros_like(x)


def _stage3_body(aggA, aggB, *refs):
    (w1r, b1r, g1r, be1r, w2r, b2r, g3, b3,
     w1s, b1s, g1s, be1s, w2s, b2s, g4, b4,
     w1d, b1d, g1d, be1d, w2d, b2d, g5, b5, cat2) = refs
    h = (lax.dot_general(aggA[...], w1r[:, :D], (((1,), (1,)), ((), ())),
                         preferred_element_type=jnp.float32)
         + lax.dot_general(aggB[...], w1r[:, D:], (((1,), (1,)), ((), ())),
                           preferred_element_type=jnp.float32) + b1r[...])
    h = jax.nn.relu(_bn(h, g1r[...], be1r[...]))
    y = lax.dot_general(h, w2r[...], (((1,), (1,)), ((), ())),
                        preferred_element_type=jnp.float32) + b2r[...]
    node = jax.nn.relu(_bn(y, g3[...], b3[...]))
    cat2[:, :D] = _mlp_bn_relu(node, w1s[...], b1s[...], g1s[...], be1s[...],
                               w2s[...], b2s[...], g4[...], b4[...])
    cat2[:, D:] = _mlp_bn_relu(node, w1d[...], b1d[...], g1d[...], be1d[...],
                               w2d[...], b2d[...], g5[...], b5[...])


def _pipelined(nchunks, start, drain, bufs):
    nbuf = len(bufs)
    assert nchunks % nbuf == 0
    for b in range(nbuf - 1):
        start(b, bufs[b])

    def body(g, _):
        j0 = g * nbuf
        for b in range(nbuf):
            i = j0 + b

            @pl.when(i + nbuf - 1 < nchunks)
            def _():
                start(i + nbuf - 1, bufs[(b + nbuf - 1) % nbuf])

            drain(i, bufs[b])
        return 0

    lax.fori_loop(0, nchunks // nbuf, body, 0)


_SC_MESH = plsc.VectorSubcoreMesh(core_axis_name="c", subcore_axis_name="s")


@functools.partial(
    pl.kernel,
    out_type=(jax.ShapeDtypeStruct((N, D), jnp.float32),
              jax.ShapeDtypeStruct((N, D), jnp.float32)),
    mesh=_SC_MESH,
    scratch_types=[
        pltpu.VMEM((GCH2, CH2), jnp.int32),
        pltpu.VMEM((GCH2, CH2), jnp.int32),
        pltpu.VMEM((GCH2, CH2), jnp.int32),
        pltpu.VMEM((GCH2, CH2), jnp.int32),
        pltpu.VMEM((CH2, D), jnp.float32),
        pltpu.VMEM((CH2, D), jnp.float32),
        pltpu.VMEM_SHARED((N, D), jnp.float32),
        pltpu.SemaphoreType.DMA,
        pltpu.SemaphoreType.DMA,
        pltpu.SemaphoreType.DMA,
        pltpu.SemaphoreType.DMA,
    ],
)
def _segment_sum_sc(srcf_hbm, dstf_hbm, zeros_hbm, src2d_hbm, dst2d_hbm,
                    aggA_hbm, aggB_hbm,
                    idxs0, idxd0, idxs1, idxd1, rows0, rows1, acc_sh,
                    sem0, sem1, isem0, isem1):
    c = lax.axis_index("c")
    s = lax.axis_index("s")
    zbuf_v = rows1.at[pl.ds(0, ZROWS)]

    def over_blocks(fn):
        def body(j, _):
            blk = s + j * NS

            @pl.when(blk < NBLOCKS)
            def _():
                fn(blk * ZROWS)

            return 0

        lax.fori_loop(0, (NBLOCKS + NS - 1) // NS, body, 0)

    idx_sets = ((idxs0, idxd0, isem0), (idxs1, idxd1, isem1))

    def idx_copies(g, iset):
        idxs, idxd, isem = iset
        base = s * TCH2 + g * GCH2
        return (pltpu.make_async_copy(
                    src2d_hbm.at[pl.ds(base, GCH2)], idxs, isem),
                pltpu.make_async_copy(
                    dst2d_hbm.at[pl.ds(base, GCH2)], idxd, isem))

    def load_idx(g, iset):
        for cp in idx_copies(g, iset):
            cp.start()

    def wait_idx(g, iset):
        for cp in idx_copies(g, iset):
            cp.wait()

    def run(table_hbm):
        def run_group(iset):
            idxs, idxd, _ = iset

            def start(i, bufsem):
                buf, sem = bufsem
                pltpu.async_copy(table_hbm.at[idxs.at[i]], buf, sem)

            def drain(i, bufsem):
                buf, sem = bufsem
                pltpu.make_async_copy(
                    table_hbm.at[idxs.at[i]], buf, sem).wait()
                pltpu.sync_copy(buf, acc_sh.at[idxd.at[i]], add=True)

            _pipelined(GCH2, start, drain, ((rows0, sem0), (rows1, sem1)))

        load_idx(0, idx_sets[0])

        def zinit(base):
            pltpu.sync_copy(zeros_hbm.at[pl.ds(base, ZROWS)], zbuf_v)
            pltpu.sync_copy(zbuf_v, acc_sh.at[pl.ds(base, ZROWS)])

        over_blocks(zinit)
        plsc.subcore_barrier()

        def group(g, _):
            for par in (0, 1):
                @pl.when(lax.rem(g, 2) == par)
                def _():
                    wait_idx(g, idx_sets[par])

                    @pl.when(g + 1 < NG2)
                    def _():
                        load_idx(g + 1, idx_sets[1 - par])

                    run_group(idx_sets[par])

            return 0

        lax.fori_loop(0, NG2, group, 0)

    @pl.when(c == 0)
    def _():
        run(srcf_hbm)

    @pl.when(c == 1)
    def _():
        run(dstf_hbm)

    plsc.subcore_barrier()

    def wb(out_hbm):
        def step(base):
            pltpu.sync_copy(acc_sh.at[pl.ds(base, ZROWS)], zbuf_v)
            pltpu.sync_copy(zbuf_v, out_hbm.at[pl.ds(base, ZROWS)])

        over_blocks(step)

    @pl.when(c == 0)
    def _():
        wb(aggA_hbm)

    @pl.when(c == 1)
    def _():
        wb(aggB_hbm)


@functools.partial(
    pl.kernel,
    out_type=jax.ShapeDtypeStruct((E, 2 * D), jnp.float32),
    mesh=_SC_MESH,
    scratch_types=[
        pltpu.VMEM((EPT4,), jnp.int32),
    ] + [pltpu.VMEM((CH4, 2 * D), jnp.float32)] * 5
      + [pltpu.SemaphoreType.DMA] * 5,
)
def _edge_gather_sc(cat2_hbm, src_hbm, out_hbm, idx_v, *bufsems):
    c = lax.axis_index("c")
    s = lax.axis_index("s")
    wid = s * NC + c
    e0 = wid * EPT4

    pltpu.sync_copy(src_hbm.at[pl.ds(e0, EPT4)], idx_v)

    def start(i, bufsem):
        buf, sem = bufsem
        pltpu.async_copy(cat2_hbm.at[idx_v.at[pl.ds(i * CH4, CH4)]], buf, sem)

    def drain(i, bufsem):
        buf, sem = bufsem
        pltpu.make_async_copy(
            cat2_hbm.at[idx_v.at[pl.ds(i * CH4, CH4)]], buf, sem).wait()
        pltpu.sync_copy(buf, out_hbm.at[pl.ds(e0 + i * CH4, CH4)])

    rows = bufsems[:5]
    sems = bufsems[5:]
    _pipelined(TCH4, start, drain, tuple(zip(rows, sems)))


def _mlp_args(p):
    return (p["W1"], p["b1"].reshape(1, D), p["g1"].reshape(1, D),
            p["be1"].reshape(1, D), p["W2"], p["b2"].reshape(1, D))


def kernel(feat, edge_index, params):
    src = edge_index[0]
    dst = edge_index[1]
    bn = params["bn"]

    def bnv(i):
        return (bn["g%d" % i].reshape(1, D), bn["b%d" % i].reshape(1, D))

    stage1_in = (feat, *_mlp_args(params["src1"]), *bnv(1),
                 *_mlp_args(params["dst1"]), *bnv(2))
    srcf, dstf, zeros = pl.pallas_call(
        _stage1_body,
        out_shape=(jax.ShapeDtypeStruct((N, D), jnp.float32),
                   jax.ShapeDtypeStruct((N, D), jnp.float32),
                   jax.ShapeDtypeStruct((N, D), jnp.float32)),
    )(*stage1_in)

    src2d = src.reshape(ROWS2, CH2)
    dst2d = dst.reshape(ROWS2, CH2)
    aggA, aggB = _segment_sum_sc(srcf, dstf, zeros, src2d, dst2d)

    pr = params["res"]
    stage3_in = (aggA, aggB, pr["W1"], pr["b1"].reshape(1, D),
                 pr["g1"].reshape(1, D), pr["be1"].reshape(1, D),
                 pr["W2"], pr["b2"].reshape(1, D), *bnv(3),
                 *_mlp_args(params["src2"]), *bnv(4),
                 *_mlp_args(params["dst2"]), *bnv(5))
    cat2 = pl.pallas_call(
        _stage3_body,
        out_shape=jax.ShapeDtypeStruct((N, 2 * D), jnp.float32),
    )(*stage3_in)

    return _edge_gather_sc(cat2, src)

# --- scband reference (transcript-rebuilt; emitter-appended) ---
"""Pipeline reference for scband-nriencoder-25142738550928 (READ-ONLY COPY).

The authoritative reference and input builder live on the scoring server;
editing this copy changes nothing except your own understanding.
"""

import jax, jax.numpy as jnp
import numpy as np

N = 10000
E = 320000
D = 128


def _mlp_params(key, din, dh, dout):
    k1, k2 = jax.random.split(key)
    return {
        "W1": jax.random.normal(k1, (dh, din), dtype=jnp.float32) * 0.05,
        "b1": jnp.zeros((dh,), jnp.float32),
        "g1": jnp.ones((dh,), jnp.float32),
        "be1": jnp.zeros((dh,), jnp.float32),
        "W2": jax.random.normal(k2, (dout, dh), dtype=jnp.float32) * 0.05,
        "b2": jnp.zeros((dout,), jnp.float32),
    }


def setup_inputs(seed: int = 0):
    key = jax.random.key(seed)
    ks = jax.random.split(key, 8)
    feat = jax.random.normal(ks[0], (N, D), dtype=jnp.float32)
    edge_index = jax.random.randint(ks[1], (2, E), 0, N, dtype=jnp.int32)
    bn = {}
    for i in range(1, 7):
        bn["g%d" % i] = jnp.ones((D,), jnp.float32)
        bn["b%d" % i] = jnp.zeros((D,), jnp.float32)
    params = {
        "src1": _mlp_params(ks[2], D, D, D),
        "dst1": _mlp_params(ks[3], D, D, D),
        "res": _mlp_params(ks[4], 2 * D, D, D),
        "src2": _mlp_params(ks[5], D, D, D),
        "dst2": _mlp_params(ks[6], D, D, D),
        "bn": bn,
    }
    return {"feat": feat, "edge_index": edge_index, "params": params}


def _bn(x, g, b, eps=1e-5):
    # BatchNorm1d in training mode: batch statistics, biased variance
    mu = jnp.mean(x, axis=0)
    var = jnp.mean((x - mu) ** 2, axis=0)
    return (x - mu) / jnp.sqrt(var + eps) * g + b


def _mlp(p, x):
    h = x @ p["W1"].T + p["b1"]
    h = _bn(h, p["g1"], p["be1"])
    h = jax.nn.relu(h)
    return h @ p["W2"].T + p["b2"]


def reference(feat, edge_index, params):
    src = edge_index[0]
    dst = edge_index[1]
    bn = params["bn"]
    src_feat = jax.nn.relu(_bn(_mlp(params["src1"], feat), bn["g1"], bn["b1"]))
    dst_feat = jax.nn.relu(_bn(_mlp(params["dst1"], feat), bn["g2"], bn["b2"]))
    # NOTE: faithful to original u_cat_v, which reads BOTH feats from edges.src
    msg = jnp.concatenate(
        [jnp.take(src_feat, src, axis=0), jnp.take(dst_feat, src, axis=0)], axis=-1
    )
    agg = jax.ops.segment_sum(msg, dst, num_segments=feat.shape[0])
    node_feat = jax.nn.relu(_bn(_mlp(params["res"], agg), bn["g3"], bn["b3"]))
    src2 = jax.nn.relu(_bn(_mlp(params["src2"], node_feat), bn["g4"], bn["b4"]))
    dst2 = jax.nn.relu(_bn(_mlp(params["dst2"], node_feat), bn["g5"], bn["b5"]))
    edge_feat = jnp.concatenate(
        [jnp.take(src2, src, axis=0), jnp.take(dst2, src, axis=0)], axis=-1
    )
    return edge_feat

if __name__ == "__main__":
    import jax
    _d = setup_inputs()
    print(jax.jit(kernel)(*tuple(_d.values())))

</pallas_src>

<mosaic_0001>
#map = affine_map<(d0, d1) -> (0, 0)>
module attributes {stable_mosaic.version = 14 : i64} {
  func.func @_segment_sum_sc(%arg0: i32, %arg1: i32, %arg2: memref<10000x128xf32, #tpu.memory_space<hbm>>, %arg3: memref<10000x128xf32, #tpu.memory_space<hbm>>, %arg4: memref<10000x128xf32, #tpu.memory_space<hbm>>, %arg5: memref<2560x125xi32, #tpu.memory_space<hbm>>, %arg6: memref<2560x125xi32, #tpu.memory_space<hbm>>, %arg7: memref<10000x128xf32, #tpu.memory_space<hbm>>, %arg8: memref<10000x128xf32, #tpu.memory_space<hbm>>, %arg9: memref<32x125xi32, #tpu.memory_space<vmem>>, %arg10: memref<32x125xi32, #tpu.memory_space<vmem>>, %arg11: memref<32x125xi32, #tpu.memory_space<vmem>>, %arg12: memref<32x125xi32, #tpu.memory_space<vmem>>, %arg13: memref<125x128xf32, #tpu.memory_space<vmem>>, %arg14: memref<125x128xf32, #tpu.memory_space<vmem>>, %arg15: memref<10000x128xf32, #tpu.memory_space<vmem_shared>>, %arg16: memref<!tpu.dma_semaphore, #tpu.memory_space<semaphore_mem>>, %arg17: memref<!tpu.dma_semaphore, #tpu.memory_space<semaphore_mem>>, %arg18: memref<!tpu.dma_semaphore, #tpu.memory_space<semaphore_mem>>, %arg19: memref<!tpu.dma_semaphore, #tpu.memory_space<semaphore_mem>>) attributes {dimension_semantics = [#tpu.dimension_semantics<core_parallel>, #tpu.dimension_semantics<subcore_parallel>], iteration_bounds = array<i64: 2, 16>, scalar_prefetch = 0 : i64, scratch_operands = 11 : i64, tpu.core_type = #tpu.core_type<sc_vector_subcore>, window_params = [{transform_indices = #map}, {transform_indices = #map}, {transform_indices = #map}, {transform_indices = #map}, {transform_indices = #map}, {transform_indices = #map}, {transform_indices = #map}]} {
    %eq3A = arith.constant 0 : i32
    %eq3A_0 = arith.cmpi eq, %arg0, %eq3A : i32
    %convert_element_type3A = arith.extui %eq3A_0 : i1 to i32
    %cond3A = arith.constant 0 : i32
    %cond3A_1 = arith.cmpi ne, %convert_element_type3A, %cond3A : i32
    scf.if %cond3A_1 {
      %mul3A = arith.constant 160 : i32
      %mul3A_17 = arith.muli %arg1, %mul3A : i32
      %add3A = arith.constant 0 : i32
      %add3A_18 = arith.addi %mul3A_17, %add3A : i32
      %dma_start3A = arith.constant 0 : i32
      %dma_start3A_19 = tpu.memref_slice %arg5[%add3A_18, %dma_start3A] : memref<2560x125xi32, #tpu.memory_space<hbm>> -> memref<32x125xi32, #tpu.memory_space<hbm>>
      %dma_start3A_20 = arith.constant 0 : i32
      %dma_start3A_21 = tpu.memref_slice %arg5[%add3A_18, %dma_start3A_20] : memref<2560x125xi32, #tpu.memory_space<hbm>> -> memref<32x125xi32, #tpu.memory_space<hbm>>
      tpu.enqueue_dma source(%dma_start3A_21 : memref<32x125xi32, #tpu.memory_space<hbm>>) target(%arg9 : memref<32x125xi32, #tpu.memory_space<vmem>>) target_semaphore(%arg18 : memref<!tpu.dma_semaphore, #tpu.memory_space<semaphore_mem>>)
      %dma_start3A_22 = arith.constant 0 : i32
      %dma_start3A_23 = tpu.memref_slice %arg6[%add3A_18, %dma_start3A_22] : memref<2560x125xi32, #tpu.memory_space<hbm>> -> memref<32x125xi32, #tpu.memory_space<hbm>>
      %dma_start3A_24 = arith.constant 0 : i32
      %dma_start3A_25 = tpu.memref_slice %arg6[%add3A_18, %dma_start3A_24] : memref<2560x125xi32, #tpu.memory_space<hbm>> -> memref<32x125xi32, #tpu.memory_space<hbm>>
      tpu.enqueue_dma source(%dma_start3A_25 : memref<32x125xi32, #tpu.memory_space<hbm>>) target(%arg10 : memref<32x125xi32, #tpu.memory_space<vmem>>) target_semaphore(%arg18 : memref<!tpu.dma_semaphore, #tpu.memory_space<semaphore_mem>>)
      %scan3A = arith.constant 0 : i32
      %scan3A_26 = arith.constant 0 : i32
      %scan3A_27 = arith.constant 8 : i32
      %scan3A_28 = arith.addi %scan3A_26, %scan3A_27 : i32
      %scan3A_29 = arith.constant 1 : i32
      %scan3A_30 = scf.for %scan3A_40 = %scan3A_26 to %scan3A_28 step %scan3A_29 iter_args(%scan3A_41 = %scan3A) -> (i32)  : i32 {
        %mul3A_42 = arith.constant 16 : i32
        %mul3A_43 = arith.muli %scan3A_40, %mul3A_42 : i32
        %add3A_44 = arith.addi %arg1, %mul3A_43 : i32
        %lt3A = arith.constant 125 : i32
        %lt3A_45 = arith.cmpi slt, %add3A_44, %lt3A : i32
        %convert_element_type3A_46 = arith.extui %lt3A_45 : i1 to i32
        %cond3A_47 = arith.constant 0 : i32
        %cond3A_48 = arith.cmpi ne, %convert_element_type3A_46, %cond3A_47 : i32
        scf.if %cond3A_48 {
          %mul3A_50 = arith.constant 80 : i32
          %mul3A_51 = arith.muli %add3A_44, %mul3A_50 : i32
          "tpu.region"() ({
            %run_scoped3A = tpu.sem_alloc : memref<!tpu.dma_semaphore, #tpu.memory_space<semaphore_mem>>
            %dma_start3A_52 = arith.constant 0 : i32
            %dma_start3A_53 = arith.constant 0 : i32
            %dma_start3A_54 = tpu.memref_slice %arg14[%dma_start3A_52, %dma_start3A_53] : memref<125x128xf32, #tpu.memory_space<vmem>> -> memref<80x128xf32, #tpu.memory_space<vmem>>
            %dma_start3A_55 = arith.constant 0 : i32
            %dma_start3A_56 = tpu.memref_slice %arg4[%mul3A_51, %dma_start3A_55] : memref<10000x128xf32, #tpu.memory_space<hbm>> -> memref<80x128xf32, #tpu.memory_space<hbm>>
            %dma_start3A_57 = arith.constant 0 : i32
            %dma_start3A_58 = arith.constant 0 : i32
            %dma_start3A_59 = tpu.memref_slice %arg14[%dma_start3A_57, %dma_start3A_58] : memref<125x128xf32, #tpu.memory_space<vmem>> -> memref<80x128xf32, #tpu.memory_space<vmem>>
            %dma_start3A_60 = arith.constant 0 : i32
            %dma_start3A_61 = tpu.memref_slice %arg4[%mul3A_51, %dma_start3A_60] : memref<10000x128xf32, #tpu.memory_space<hbm>> -> memref<80x128xf32, #tpu.memory_space<hbm>>
            tpu.enqueue_dma source(%dma_start3A_61 : memref<80x128xf32, #tpu.memory_space<hbm>>) target(%dma_start3A_59 : memref<80x128xf32, #tpu.memory_space<vmem>>) target_semaphore(%run_scoped3A : memref<!tpu.dma_semaphore, #tpu.memory_space<semaphore_mem>>)
            %dma_wait3A = arith.constant 0 : i32
            %dma_wait3A_62 = arith.constant 0 : i32
            %dma_wait3A_63 = tpu.memref_slice %arg14[%dma_wait3A, %dma_wait3A_62] : memref<125x128xf32, #tpu.memory_space<vmem>> -> memref<80x128xf32, #tpu.memory_space<vmem>>
            %dma_wait3A_64 = arith.constant 0 : i32
            %dma_wait3A_65 = tpu.memref_slice %arg4[%mul3A_51, %dma_wait3A_64] : memref<10000x128xf32, #tpu.memory_space<hbm>> -> memref<80x128xf32, #tpu.memory_space<hbm>>
            %dma_wait3A_66 = arith.constant 0 : i32
            %dma_wait3A_67 = arith.constant 0 : i32
            %dma_wait3A_68 = tpu.memref_slice %arg14[%dma_wait3A_66, %dma_wait3A_67] : memref<125x128xf32, #tpu.memory_space<vmem>> -> memref<80x128xf32, #tpu.memory_space<vmem>>
            %dma_wait3A_69 = arith.constant 0 : i32
            %dma_wait3A_70 = tpu.memref_slice %arg4[%mul3A_51, %dma_wait3A_69] : memref<10000x128xf32, #tpu.memory_space<hbm>> -> memref<80x128xf32, #tpu.memory_space<hbm>>
            tpu.wait_dma2 semaphore(%run_scoped3A : memref<!tpu.dma_semaphore, #tpu.memory_space<semaphore_mem>>) src(%dma_wait3A_70 : memref<80x128xf32, #tpu.memory_space<hbm>>) dst(%dma_wait3A_68 : memref<80x128xf32, #tpu.memory_space<vmem>>)
            tpu.yield
          }) : () -> ()
          "tpu.region"() ({
            %run_scoped3A = tpu.sem_alloc : memref<!tpu.dma_semaphore, #tpu.memory_space<semaphore_mem>>
            %dma_start3A_52 = arith.constant 0 : i32
            %dma_start3A_53 = arith.constant 0 : i32
            %dma_start3A_54 = tpu.memref_slice %arg14[%dma_start3A_52, %dma_start3A_53] : memref<125x128xf32, #tpu.memory_space<vmem>> -> memref<80x128xf32, #tpu.memory_space<vmem>>
            %dma_start3A_55 = arith.constant 0 : i32
            %dma_start3A_56 = tpu.memref_slice %arg15[%mul3A_51, %dma_start3A_55] : memref<10000x128xf32, #tpu.memory_space<vmem_shared>> -> memref<80x128xf32, #tpu.memory_space<vmem_shared>>
            %dma_start3A_57 = arith.constant 0 : i32
            %dma_start3A_58 = tpu.memref_slice %arg15[%mul3A_51, %dma_start3A_57] : memref<10000x128xf32, #tpu.memory_space<vmem_shared>> -> memref<80x128xf32, #tpu.memory_space<vmem_shared>>
            %dma_start3A_59 = arith.constant 0 : i32
            %dma_start3A_60 = arith.constant 0 : i32
            %dma_start3A_61 = tpu.memref_slice %arg14[%dma_start3A_59, %dma_start3A_60] : memref<125x128xf32, #tpu.memory_space<vmem>> -> memref<80x128xf32, #tpu.memory_space<vmem>>
            tpu.enqueue_dma source(%dma_start3A_61 : memref<80x128xf32, #tpu.memory_space<vmem>>) target(%dma_start3A_58 : memref<80x128xf32, #tpu.memory_space<vmem_shared>>) target_semaphore(%run_scoped3A : memref<!tpu.dma_semaphore, #tpu.memory_space<semaphore_mem>>)
            %dma_wait3A = arith.constant 0 : i32
            %dma_wait3A_62 = arith.constant 0 : i32
            %dma_wait3A_63 = tpu.memref_slice %arg14[%dma_wait3A, %dma_wait3A_62] : memref<125x128xf32, #tpu.memory_space<vmem>> -> memref<80x128xf32, #tpu.memory_space<vmem>>
            %dma_wait3A_64 = arith.constant 0 : i32
            %dma_wait3A_65 = tpu.memref_slice %arg15[%mul3A_51, %dma_wait3A_64] : memref<10000x128xf32, #tpu.memory_space<vmem_shared>> -> memref<80x128xf32, #tpu.memory_space<vmem_shared>>
            %dma_wait3A_66 = arith.constant 0 : i32
            %dma_wait3A_67 = tpu.memref_slice %arg15[%mul3A_51, %dma_wait3A_66] : memref<10000x128xf32, #tpu.memory_space<vmem_shared>> -> memref<80x128xf32, #tpu.memory_space<vmem_shared>>
            %dma_wait3A_68 = arith.constant 0 : i32
            %dma_wait3A_69 = arith.constant 0 : i32
            %dma_wait3A_70 = tpu.memref_slice %arg14[%dma_wait3A_68, %dma_wait3A_69] : memref<125x128xf32, #tpu.memory_space<vmem>> -> memref<80x128xf32, #tpu.memory_space<vmem>>
            tpu.wait_dma2 semaphore(%run_scoped3A : memref<!tpu.dma_semaphore, #tpu.memory_space<semaphore_mem>>) src(%dma_wait3A_70 : memref<80x128xf32, #tpu.memory_space<vmem>>) dst(%dma_wait3A_67 : memref<80x128xf32, #tpu.memory_space<vmem_shared>>)
            tpu.yield
          }) : () -> ()
        } else {
        }
        %scan3A_49 = arith.constant 0 : i32
        scf.yield %scan3A_49 : i32
      }
      %scan3A_31 = arith.constant 8 : i32
      %barrier3A_32 = arith.constant 0 : index
      tpu.barrier barrier_id(%barrier3A_32)
      %scan3A_33 = arith.constant 0 : i32
      %scan3A_34 = arith.constant 0 : i32
      %scan3A_35 = arith.constant 5 : i32
      %scan3A_36 = arith.addi %scan3A_34, %scan3A_35 : i32
      %scan3A_37 = arith.constant 1 : i32
      %scan3A_38 = scf.for %scan3A_40 = %scan3A_34 to %scan3A_36 step %scan3A_37 iter_args(%scan3A_41 = %scan3A_33) -> (i32)  : i32 {
        %rem3A = arith.constant 2 : i32
        %rem3A_42 = arith.remsi %scan3A_40, %rem3A : i32
        %eq3A_43 = arith.constant 0 : i32
        %eq3A_44 = arith.cmpi eq, %rem3A_42, %eq3A_43 : i32
        %convert_element_type3A_45 = arith.extui %eq3A_44 : i1 to i32
        %cond3A_46 = arith.constant 0 : i32
        %cond3A_47 = arith.cmpi ne, %convert_element_type3A_45, %cond3A_46 : i32
        scf.if %cond3A_47 {
          %mul3A_56 = arith.constant 160 : i32
          %mul3A_57 = arith.muli %arg1, %mul3A_56 : i32
          %mul3A_58 = arith.constant 32 : i32
          %mul3A_59 = arith.muli %scan3A_40, %mul3A_58 : i32
          %add3A_60 = arith.addi %mul3A_57, %mul3A_59 : i32
          %dma_wait3A = arith.constant 0 : i32
          %dma_wait3A_61 = tpu.memref_slice %arg5[%add3A_60, %dma_wait3A] : memref<2560x125xi32, #tpu.memory_space<hbm>> -> memref<32x125xi32, #tpu.memory_space<hbm>>
          %dma_wait3A_62 = arith.constant 0 : i32
          %dma_wait3A_63 = tpu.memref_slice %arg5[%add3A_60, %dma_wait3A_62] : memref<2560x125xi32, #tpu.memory_space<hbm>> -> memref<32x125xi32, #tpu.memory_space<hbm>>
          tpu.wait_dma2 semaphore(%arg18 : memref<!tpu.dma_semaphore, #tpu.memory_space<semaphore_mem>>) src(%dma_wait3A_63 : memref<32x125xi32, #tpu.memory_space<hbm>>) dst(%arg9 : memref<32x125xi32, #tpu.memory_space<vmem>>)
          %dma_wait3A_64 = arith.constant 0 : i32
          %dma_wait3A_65 = tpu.memref_slice %arg6[%add3A_60, %dma_wait3A_64] : memref<2560x125xi32, #tpu.memory_space<hbm>> -> memref<32x125xi32, #tpu.memory_space<hbm>>
          %dma_wait3A_66 = arith.constant 0 : i32
          %dma_wait3A_67 = tpu.memref_slice %arg6[%add3A_60, %dma_wait3A_66] : memref<2560x125xi32, #tpu.memory_space<hbm>> -> memref<32x125xi32, #tpu.memory_space<hbm>>
          tpu.wait_dma2 semaphore(%arg18 : memref<!tpu.dma_semaphore, #tpu.memory_space<semaphore_mem>>) src(%dma_wait3A_67 : memref<32x125xi32, #tpu.memory_space<hbm>>) dst(%arg10 : memref<32x125xi32, #tpu.memory_space<vmem>>)
          %add3A_68 = arith.constant 1 : i32
          %add3A_69 = arith.addi %scan3A_40, %add3A_68 : i32
          %lt3A = arith.constant 5 : i32
          %lt3A_70 = arith.cmpi slt, %add3A_69, %lt3A : i32
          %convert_element_type3A_71 = arith.extui %lt3A_70 : i1 to i32
          %cond3A_72 = arith.constant 0 : i32
          %cond3A_73 = arith.cmpi ne, %convert_element_type3A_71, %cond3A_72 : i32
          scf.if %cond3A_73 {
            %add3A_88 = arith.constant 1 : i32
            %add3A_89 = arith.addi %scan3A_40, %add3A_88 : i32
            %mul3A_90 = arith.constant 160 : i32
            %mul3A_91 = arith.muli %arg1, %mul3A_90 : i32
            %mul3A_92 = arith.constant 32 : i32
            %mul3A_93 = arith.muli %add3A_89, %mul3A_92 : i32
            %add3A_94 = arith.addi %mul3A_91, %mul3A_93 : i32
            %dma_start3A_95 = arith.constant 0 : i32
            %dma_start3A_96 = tpu.memref_slice %arg5[%add3A_94, %dma_start3A_95] : memref<2560x125xi32, #tpu.memory_space<hbm>> -> memref<32x125xi32, #tpu.memory_space<hbm>>
            %dma_start3A_97 = arith.constant 0 : i32
            %dma_start3A_98 = tpu.memref_slice %arg5[%add3A_94, %dma_start3A_97] : memref<2560x125xi32, #tpu.memory_space<hbm>> -> memref<32x125xi32, #tpu.memory_space<hbm>>
            tpu.enqueue_dma source(%dma_start3A_98 : memref<32x125xi32, #tpu.memory_space<hbm>>) target(%arg11 : memref<32x125xi32, #tpu.memory_space<vmem>>) target_semaphore(%arg19 : memref<!tpu.dma_semaphore, #tpu.memory_space<semaphore_mem>>)
            %dma_start3A_99 = arith.constant 0 : i32
            %dma_start3A_100 = tpu.memref_slice %arg6[%add3A_94, %dma_start3A_99] : memref<2560x125xi32, #tpu.memory_space<hbm>> -> memref<32x125xi32, #tpu.memory_space<hbm>>
            %dma_start3A_101 = arith.constant 0 : i32
            %dma_start3A_102 = tpu.memref_slice %arg6[%add3A_94, %dma_start3A_101] : memref<2560x125xi32, #tpu.memory_space<hbm>> -> memref<32x125xi32, #tpu.memory_space<hbm>>
            tpu.enqueue_dma source(%dma_start3A_102 : memref<32x125xi32, #tpu.memory_space<hbm>>) target(%arg12 : memref<32x125xi32, #tpu.memory_space<vmem>>) target_semaphore(%arg19 : memref<!tpu.dma_semaphore, #tpu.memory_space<semaphore_mem>>)
          } else {
          }
          %dma_start3A_74 = arith.constant 0 : i32
          %dma_start3A_75 = arith.constant 0 : i32
          %dma_start3A_76 = tpu.memref_slice %arg9[%dma_start3A_74, %dma_start3A_75] : memref<32x125xi32, #tpu.memory_space<vmem>> -> memref<1x125xi32, #tpu.memory_space<vmem>>
          %dma_start3A_77 = tpu.memref_squeeze %dma_start3A_76 : memref<1x125xi32, #tpu.memory_space<vmem>> -> memref<125xi32, #tpu.memory_space<vmem>>
          %dma_start3A_78 = arith.constant 0 : i32
          %dma_start3A_79 = arith.constant 0 : i32
          %dma_start3A_80 = tpu.memref_slice %arg2[%dma_start3A_78, %dma_start3A_79] : memref<10000x128xf32, #tpu.memory_space<hbm>> -> memref<10000x128xf32, #tpu.memory_space<hbm>>
          tpu.enqueue_indirect_dma source(%dma_start3A_80 : memref<10000x128xf32, #tpu.memory_space<hbm>>) target(%arg13 : memref<125x128xf32, #tpu.memory_space<vmem>>) offsets(%dma_start3A_77 : memref<125xi32, #tpu.memory_space<vmem>>) semaphore(%arg16 : memref<!tpu.dma_semaphore, #tpu.memory_space<semaphore_mem>>)
          %scan3A_81 = arith.constant 0 : i32
          %scan3A_82 = arith.constant 0 : i32
          %scan3A_83 = arith.constant 16 : i32
          %scan3A_84 = arith.addi %scan3A_82, %scan3A_83 : i32
          %scan3A_85 = arith.constant 1 : i32
          %scan3A_86 = scf.for %scan3A_88 = %scan3A_82 to %scan3A_84 step %scan3A_85 iter_args(%scan3A_89 = %scan3A_81) -> (i32)  : i32 {
            %mul3A_90 = arith.constant 2 : i32
            %mul3A_91 = arith.muli %scan3A_88, %mul3A_90 : i32
            %add3A_92 = arith.constant 0 : i32
            %add3A_93 = arith.addi %mul3A_91, %add3A_92 : i32
            %add3A_94 = arith.constant 2 : i32
            %add3A_95 = arith.addi %add3A_93, %add3A_94 : i32
            %sub3A = arith.constant 1 : i32
            %sub3A_96 = arith.subi %add3A_95, %sub3A : i32
            %lt3A_97 = arith.constant 32 : i32
            %lt3A_98 = arith.cmpi slt, %sub3A_96, %lt3A_97 : i32
            %convert_element_type3A_99 = arith.extui %lt3A_98 : i1 to i32
            %cond3A_100 = arith.constant 0 : i32
            %cond3A_101 = arith.cmpi ne, %convert_element_type3A_99, %cond3A_100 : i32
            scf.if %cond3A_101 {
              %add3A_126 = arith.constant 2 : i32
              %add3A_127 = arith.addi %add3A_93, %add3A_126 : i32
              %sub3A_128 = arith.constant 1 : i32
              %sub3A_129 = arith.subi %add3A_127, %sub3A_128 : i32
              %dma_start3A_130 = arith.constant 0 : i32
              %dma_start3A_131 = tpu.memref_slice %arg9[%sub3A_129, %dma_start3A_130] : memref<32x125xi32, #tpu.memory_space<vmem>> -> memref<1x125xi32, #tpu.memory_space<vmem>>
              %dma_start3A_132 = tpu.memref_squeeze %dma_start3A_131 : memref<1x125xi32, #tpu.memory_space<vmem>> -> memref<125xi32, #tpu.memory_space<vmem>>
              %dma_start3A_133 = arith.constant 0 : i32
              %dma_start3A_134 = arith.constant 0 : i32
              %dma_start3A_135 = tpu.memref_slice %arg2[%dma_start3A_133, %dma_start3A_134] : memref<10000x128xf32, #tpu.memory_space<hbm>> -> memref<10000x128xf32, #tpu.memory_space<hbm>>
              tpu.enqueue_indirect_dma source(%dma_start3A_135 : memref<10000x128xf32, #tpu.memory_space<hbm>>) target(%arg14 : memref<125x128xf32, #tpu.memory_space<vmem>>) offsets(%dma_start3A_132 : memref<125xi32, #tpu.memory_space<vmem>>) semaphore(%arg17 : memref<!tpu.dma_semaphore, #tpu.memory_space<semaphore_mem>>)
            } else {
            }
            %dma_wait3A_102 = arith.constant 0 : i32
            %dma_wait3A_103 = tpu.memref_slice %arg9[%add3A_93, %dma_wait3A_102] : memref<32x125xi32, #tpu.memory_space<vmem>> -> memref<1x125xi32, #tpu.memory_space<vmem>>
            %dma_wait3A_104 = tpu.memref_squeeze %dma_wait3A_103 : memref<1x125xi32, #tpu.memory_space<vmem>> -> memref<125xi32, #tpu.memory_space<vmem>>
            %dma_wait3A_105 = arith.constant 0 : i32
            %dma_wait3A_106 = arith.constant 0 : i32
            %dma_wait3A_107 = tpu.memref_slice %arg2[%dma_wait3A_105, %dma_wait3A_106] : memref<10000x128xf32, #tpu.memory_space<hbm>> -> memref<10000x128xf32, #tpu.memory_space<hbm>>
            tpu.wait_indirect_dma semaphore(%arg16 : memref<!tpu.dma_semaphore, #tpu.memory_space<semaphore_mem>>) src(%dma_wait3A_107 : memref<10000x128xf32, #tpu.memory_space<hbm>>) dst(%arg13 : memref<125x128xf32, #tpu.memory_space<vmem>>)
            "tpu.region"() ({
              %run_scoped3A = tpu.sem_alloc : memref<!tpu.dma_semaphore, #tpu.memory_space<semaphore_mem>>
              %dma_start3A_126 = arith.constant 0 : i32
              %dma_start3A_127 = tpu.memref_slice %arg10[%add3A_93, %dma_start3A_126] : memref<32x125xi32, #tpu.memory_space<vmem>> -> memref<1x125xi32, #tpu.memory_space<vmem>>
              %dma_start3A_128 = tpu.memref_squeeze %dma_start3A_127 : memref<1x125xi32, #tpu.memory_space<vmem>> -> memref<125xi32, #tpu.memory_space<vmem>>
              %dma_start3A_129 = arith.constant 0 : i32
              %dma_start3A_130 = arith.constant 0 : i32
              %dma_start3A_131 = tpu.memref_slice %arg15[%dma_start3A_129, %dma_start3A_130] : memref<10000x128xf32, #tpu.memory_space<vmem_shared>> -> memref<10000x128xf32, #tpu.memory_space<vmem_shared>>
              tpu.enqueue_indirect_dma source(%arg13 : memref<125x128xf32, #tpu.memory_space<vmem>>) target(%dma_start3A_131 : memref<10000x128xf32, #tpu.memory_space<vmem_shared>>) offsets(%dma_start3A_128 : memref<125xi32, #tpu.memory_space<vmem>>) semaphore(%run_scoped3A : memref<!tpu.dma_semaphore, #tpu.memory_space<semaphore_mem>>) {add = true}
              %dma_wait3A_132 = arith.constant 0 : i32
              %dma_wait3A_133 = tpu.memref_slice %arg10[%add3A_93, %dma_wait3A_132] : memref<32x125xi32, #tpu.memory_space<vmem>> -> memref<1x125xi32, #tpu.memory_space<vmem>>
              %dma_wait3A_134 = tpu.memref_squeeze %dma_wait3A_133 : memref<1x125xi32, #tpu.memory_space<vmem>> -> memref<125xi32, #tpu.memory_space<vmem>>
              %dma_wait3A_135 = arith.constant 0 : i32
              %dma_wait3A_136 = arith.constant 0 : i32
              %dma_wait3A_137 = tpu.memref_slice %arg15[%dma_wait3A_135, %dma_wait3A_136] : memref<10000x128xf32, #tpu.memory_space<vmem_shared>> -> memref<10000x128xf32, #tpu.memory_space<vmem_shared>>
              tpu.wait_indirect_dma semaphore(%run_scoped3A : memref<!tpu.dma_semaphore, #tpu.memory_space<semaphore_mem>>) src(%arg13 : memref<125x128xf32, #tpu.memory_space<vmem>>) dst(%dma_wait3A_137 : memref<10000x128xf32, #tpu.memory_space<vmem_shared>>)
              tpu.yield
            }) : () -> ()
            %add3A_108 = arith.constant 1 : i32
            %add3A_109 = arith.addi %mul3A_91, %add3A_108 : i32
            %add3A_110 = arith.constant 2 : i32
            %add3A_111 = arith.addi %add3A_109, %add3A_110 : i32
            %sub3A_112 = arith.constant 1 : i32
            %sub3A_113 = arith.subi %add3A_111, %sub3A_112 : i32
            %lt3A_114 = arith.constant 32 : i32
            %lt3A_115 = arith.cmpi slt, %sub3A_113, %lt3A_114 : i32
            %convert_element_type3A_116 = arith.extui %lt3A_115 : i1 to i32
            %cond3A_117 = arith.constant 0 : i32
            %cond3A_118 = arith.cmpi ne, %convert_element_type3A_116, %cond3A_117 : i32
            scf.if %cond3A_118 {
              %add3A_126 = arith.constant 2 : i32
              %add3A_127 = arith.addi %add3A_109, %add3A_126 : i32
              %sub3A_128 = arith.constant 1 : i32
              %sub3A_129 = arith.subi %add3A_127, %sub3A_128 : i32
              %dma_start3A_130 = arith.constant 0 : i32
              %dma_start3A_131 = tpu.memref_slice %arg9[%sub3A_129, %dma_start3A_130] : memref<32x125xi32, #tpu.memory_space<vmem>> -> memref<1x125xi32, #tpu.memory_space<vmem>>
              %dma_start3A_132 = tpu.memref_squeeze %dma_start3A_131 : memref<1x125xi32, #tpu.memory_space<vmem>> -> memref<125xi32, #tpu.memory_space<vmem>>
              %dma_start3A_133 = arith.constant 0 : i32
              %dma_start3A_134 = arith.constant 0 : i32
              %dma_start3A_135 = tpu.memref_slice %arg2[%dma_start3A_133, %dma_start3A_134] : memref<10000x128xf32, #tpu.memory_space<hbm>> -> memref<10000x128xf32, #tpu.memory_space<hbm>>
              tpu.enqueue_indirect_dma source(%dma_start3A_135 : memref<10000x128xf32, #tpu.memory_space<hbm>>) target(%arg13 : memref<125x128xf32, #tpu.memory_space<vmem>>) offsets(%dma_start3A_132 : memref<125xi32, #tpu.memory_space<vmem>>) semaphore(%arg16 : memref<!tpu.dma_semaphore, #tpu.memory_space<semaphore_mem>>)
            } else {
            }
            %dma_wait3A_119 = arith.constant 0 : i32
            %dma_wait3A_120 = tpu.memref_slice %arg9[%add3A_109, %dma_wait3A_119] : memref<32x125xi32, #tpu.memory_space<vmem>> -> memref<1x125xi32, #tpu.memory_space<vmem>>
            %dma_wait3A_121 = tpu.memref_squeeze %dma_wait3A_120 : memref<1x125xi32, #tpu.memory_space<vmem>> -> memref<125xi32, #tpu.memory_space<vmem>>
            %dma_wait3A_122 = arith.constant 0 : i32
            %dma_wait3A_123 = arith.constant 0 : i32
            %dma_wait3A_124 = tpu.memref_slice %arg2[%dma_wait3A_122, %dma_wait3A_123] : memref<10000x128xf32, #tpu.memory_space<hbm>> -> memref<10000x128xf32, #tpu.memory_space<hbm>>
            tpu.wait_indirect_dma semaphore(%arg17 : memref<!tpu.dma_semaphore, #tpu.memory_space<semaphore_mem>>) src(%dma_wait3A_124 : memref<10000x128xf32, #tpu.memory_space<hbm>>) dst(%arg14 : memref<125x128xf32, #tpu.memory_space<vmem>>)
            "tpu.region"() ({
              %run_scoped3A = tpu.sem_alloc : memref<!tpu.dma_semaphore, #tpu.memory_space<semaphore_mem>>
              %dma_start3A_126 = arith.constant 0 : i32
              %dma_start3A_127 = tpu.memref_slice %arg10[%add3A_109, %dma_start3A_126] : memref<32x125xi32, #tpu.memory_space<vmem>> -> memref<1x125xi32, #tpu.memory_space<vmem>>
              %dma_start3A_128 = tpu.memref_squeeze %dma_start3A_127 : memref<1x125xi32, #tpu.memory_space<vmem>> -> memref<125xi32, #tpu.memory_space<vmem>>
              %dma_start3A_129 = arith.constant 0 : i32
              %dma_start3A_130 = arith.constant 0 : i32
              %dma_start3A_131 = tpu.memref_slice %arg15[%dma_start3A_129, %dma_start3A_130] : memref<10000x128xf32, #tpu.memory_space<vmem_shared>> -> memref<10000x128xf32, #tpu.memory_space<vmem_shared>>
              tpu.enqueue_indirect_dma source(%arg14 : memref<125x128xf32, #tpu.memory_space<vmem>>) target(%dma_start3A_131 : memref<10000x128xf32, #tpu.memory_space<vmem_shared>>) offsets(%dma_start3A_128 : memref<125xi32, #tpu.memory_space<vmem>>) semaphore(%run_scoped3A : memref<!tpu.dma_semaphore, #tpu.memory_space<semaphore_mem>>) {add = true}
              %dma_wait3A_132 = arith.constant 0 : i32
              %dma_wait3A_133 = tpu.memref_slice %arg10[%add3A_109, %dma_wait3A_132] : memref<32x125xi32, #tpu.memory_space<vmem>> -> memref<1x125xi32, #tpu.memory_space<vmem>>
              %dma_wait3A_134 = tpu.memref_squeeze %dma_wait3A_133 : memref<1x125xi32, #tpu.memory_space<vmem>> -> memref<125xi32, #tpu.memory_space<vmem>>
              %dma_wait3A_135 = arith.constant 0 : i32
              %dma_wait3A_136 = arith.constant 0 : i32
              %dma_wait3A_137 = tpu.memref_slice %arg15[%dma_wait3A_135, %dma_wait3A_136] : memref<10000x128xf32, #tpu.memory_space<vmem_shared>> -> memref<10000x128xf32, #tpu.memory_space<vmem_shared>>
              tpu.wait_indirect_dma semaphore(%run_scoped3A : memref<!tpu.dma_semaphore, #tpu.memory_space<semaphore_mem>>) src(%arg14 : memref<125x128xf32, #tpu.memory_space<vmem>>) dst(%dma_wait3A_137 : memref<10000x128xf32, #tpu.memory_space<vmem_shared>>)
              tpu.yield
            }) : () -> ()
            %scan3A_125 = arith.constant 0 : i32
            scf.yield %scan3A_125 : i32
          }
          %scan3A_87 = arith.constant 16 : i32
        } else {
        }
        %rem3A_48 = arith.constant 2 : i32
        %rem3A_49 = arith.remsi %scan3A_40, %rem3A_48 : i32
        %eq3A_50 = arith.constant 1 : i32
        %eq3A_51 = arith.cmpi eq, %rem3A_49, %eq3A_50 : i32
        %convert_element_type3A_52 = arith.extui %eq3A_51 : i1 to i32
        %cond3A_53 = arith.constant 0 : i32
        %cond3A_54 = arith.cmpi ne, %convert_element_type3A_52, %cond3A_53 : i32
        scf.if %cond3A_54 {
          %mul3A_56 = arith.constant 160 : i32
          %mul3A_57 = arith.muli %arg1, %mul3A_56 : i32
          %mul3A_58 = arith.constant 32 : i32
          %mul3A_59 = arith.muli %scan3A_40, %mul3A_58 : i32
          %add3A_60 = arith.addi %mul3A_57, %mul3A_59 : i32
          %dma_wait3A = arith.constant 0 : i32
          %dma_wait3A_61 = tpu.memref_slice %arg5[%add3A_60, %dma_wait3A] : memref<2560x125xi32, #tpu.memory_space<hbm>> -> memref<32x125xi32, #tpu.memory_space<hbm>>
          %dma_wait3A_62 = arith.constant 0 : i32
          %dma_wait3A_63 = tpu.memref_slice %arg5[%add3A_60, %dma_wait3A_62] : memref<2560x125xi32, #tpu.memory_space<hbm>> -> memref<32x125xi32, #tpu.memory_space<hbm>>
          tpu.wait_dma2 semaphore(%arg19 : memref<!tpu.dma_semaphore, #tpu.memory_space<semaphore_mem>>) src(%dma_wait3A_63 : memref<32x125xi32, #tpu.memory_space<hbm>>) dst(%arg11 : memref<32x125xi32, #tpu.memory_space<vmem>>)
          %dma_wait3A_64 = arith.constant 0 : i32
          %dma_wait3A_65 = tpu.memref_slice %arg6[%add3A_60, %dma_wait3A_64] : memref<2560x125xi32, #tpu.memory_space<hbm>> -> memref<32x125xi32, #tpu.memory_space<hbm>>
          %dma_wait3A_66 = arith.constant 0 : i32
          %dma_wait3A_67 = tpu.memref_slice %arg6[%add3A_60, %dma_wait3A_66] : memref<2560x125xi32, #tpu.memory_space<hbm>> -> memref<32x125xi32, #tpu.memory_space<hbm>>
          tpu.wait_dma2 semaphore(%arg19 : memref<!tpu.dma_semaphore, #tpu.memory_space<semaphore_mem>>) src(%dma_wait3A_67 : memref<32x125xi32, #tpu.memory_space<hbm>>) dst(%arg12 : memref<32x125xi32, #tpu.memory_space<vmem>>)
          %add3A_68 = arith.constant 1 : i32
          %add3A_69 = arith.addi %scan3A_40, %add3A_68 : i32
          %lt3A = arith.constant 5 : i32
          %lt3A_70 = arith.cmpi slt, %add3A_69, %lt3A : i32
          %convert_element_type3A_71 = arith.extui %lt3A_70 : i1 to i32
          %cond3A_72 = arith.constant 0 : i32
          %cond3A_73 = arith.cmpi ne, %convert_element_type3A_71, %cond3A_72 : i32
          scf.if %cond3A_73 {
            %add3A_88 = arith.constant 1 : i32
            %add3A_89 = arith.addi %scan3A_40, %add3A_88 : i32
            %mul3A_90 = arith.constant 160 : i32
            %mul3A_91 = arith.muli %arg1, %mul3A_90 : i32
            %mul3A_92 = arith.constant 32 : i32
            %mul3A_93 = arith.muli %add3A_89, %mul3A_92 : i32
            %add3A_94 = arith.addi %mul3A_91, %mul3A_93 : i32
            %dma_start3A_95 = arith.constant 0 : i32
            %dma_start3A_96 = tpu.memref_slice %arg5[%add3A_94, %dma_start3A_95] : memref<2560x125xi32, #tpu.memory_space<hbm>> -> memref<32x125xi32, #tpu.memory_space<hbm>>
            %dma_start3A_97 = arith.constant 0 : i32
            %dma_start3A_98 = tpu.memref_slice %arg5[%add3A_94, %dma_start3A_97] : memref<2560x125xi32, #tpu.memory_space<hbm>> -> memref<32x125xi32, #tpu.memory_space<hbm>>
            tpu.enqueue_dma source(%dma_start3A_98 : memref<32x125xi32, #tpu.memory_space<hbm>>) target(%arg9 : memref<32x125xi32, #tpu.memory_space<vmem>>) target_semaphore(%arg18 : memref<!tpu.dma_semaphore, #tpu.memory_space<semaphore_mem>>)
            %dma_start3A_99 = arith.constant 0 : i32
            %dma_start3A_100 = tpu.memref_slice %arg6[%add3A_94, %dma_start3A_99] : memref<2560x125xi32, #tpu.memory_space<hbm>> -> memref<32x125xi32, #tpu.memory_space<hbm>>
            %dma_start3A_101 = arith.constant 0 : i32
            %dma_start3A_102 = tpu.memref_slice %arg6[%add3A_94, %dma_start3A_101] : memref<2560x125xi32, #tpu.memory_space<hbm>> -> memref<32x125xi32, #tpu.memory_space<hbm>>
            tpu.enqueue_dma source(%dma_start3A_102 : memref<32x125xi32, #tpu.memory_space<hbm>>) target(%arg10 : memref<32x125xi32, #tpu.memory_space<vmem>>) target_semaphore(%arg18 : memref<!tpu.dma_semaphore, #tpu.memory_space<semaphore_mem>>)
          } else {
          }
          %dma_start3A_74 = arith.constant 0 : i32
          %dma_start3A_75 = arith.constant 0 : i32
          %dma_start3A_76 = tpu.memref_slice %arg11[%dma_start3A_74, %dma_start3A_75] : memref<32x125xi32, #tpu.memory_space<vmem>> -> memref<1x125xi32, #tpu.memory_space<vmem>>
          %dma_start3A_77 = tpu.memref_squeeze %dma_start3A_76 : memref<1x125xi32, #tpu.memory_space<vmem>> -> memref<125xi32, #tpu.memory_space<vmem>>
          %dma_start3A_78 = arith.constant 0 : i32
          %dma_start3A_79 = arith.constant 0 : i32
          %dma_start3A_80 = tpu.memref_slice %arg2[%dma_start3A_78, %dma_start3A_79] : memref<10000x128xf32, #tpu.memory_space<hbm>> -> memref<10000x128xf32, #tpu.memory_space<hbm>>
          tpu.enqueue_indirect_dma source(%dma_start3A_80 : memref<10000x128xf32, #tpu.memory_space<hbm>>) target(%arg13 : memref<125x128xf32, #tpu.memory_space<vmem>>) offsets(%dma_start3A_77 : memref<125xi32, #tpu.memory_space<vmem>>) semaphore(%arg16 : memref<!tpu.dma_semaphore, #tpu.memory_space<semaphore_mem>>)
          %scan3A_81 = arith.constant 0 : i32
          %scan3A_82 = arith.constant 0 : i32
          %scan3A_83 = arith.constant 16 : i32
          %scan3A_84 = arith.addi %scan3A_82, %scan3A_83 : i32
          %scan3A_85 = arith.constant 1 : i32
          %scan3A_86 = scf.for %scan3A_88 = %scan3A_82 to %scan3A_84 step %scan3A_85 iter_args(%scan3A_89 = %scan3A_81) -> (i32)  : i32 {
            %mul3A_90 = arith.constant 2 : i32
            %mul3A_91 = arith.muli %scan3A_88, %mul3A_90 : i32
            %add3A_92 = arith.constant 0 : i32
            %add3A_93 = arith.addi %mul3A_91, %add3A_92 : i32
            %add3A_94 = arith.constant 2 : i32
            %add3A_95 = arith.addi %add3A_93, %add3A_94 : i32
            %sub3A = arith.constant 1 : i32
            %sub3A_96 = arith.subi %add3A_95, %sub3A : i32
            %lt3A_97 = arith.constant 32 : i32
            %lt3A_98 = arith.cmpi slt, %sub3A_96, %lt3A_97 : i32
            %convert_element_type3A_99 = arith.extui %lt3A_98 : i1 to i32
            %cond3A_100 = arith.constant 0 : i32
            %cond3A_101 = arith.cmpi ne, %convert_element_type3A_99, %cond3A_100 : i32
            scf.if %cond3A_101 {
              %add3A_126 = arith.constant 2 : i32
              %add3A_127 = arith.addi %add3A_93, %add3A_126 : i32
              %sub3A_128 = arith.constant 1 : i32
              %sub3A_129 = arith.subi %add3A_127, %sub3A_128 : i32
              %dma_start3A_130 = arith.constant 0 : i32
              %dma_start3A_131 = tpu.memref_slice %arg11[%sub3A_129, %dma_start3A_130] : memref<32x125xi32, #tpu.memory_space<vmem>> -> memref<1x125xi32, #tpu.memory_space<vmem>>
              %dma_start3A_132 = tpu.memref_squeeze %dma_start3A_131 : memref<1x125xi32, #tpu.memory_space<vmem>> -> memref<125xi32, #tpu.memory_space<vmem>>
              %dma_start3A_133 = arith.constant 0 : i32
              %dma_start3A_134 = arith.constant 0 : i32
              %dma_start3A_135 = tpu.memref_slice %arg2[%dma_start3A_133, %dma_start3A_134] : memref<10000x128xf32, #tpu.memory_space<hbm>> -> memref<10000x128xf32, #tpu.memory_space<hbm>>
              tpu.enqueue_indirect_dma source(%dma_start3A_135 : memref<10000x128xf32, #tpu.memory_space<hbm>>) target(%arg14 : memref<125x128xf32, #tpu.memory_space<vmem>>) offsets(%dma_start3A_132 : memref<125xi32, #tpu.memory_space<vmem>>) semaphore(%arg17 : memref<!tpu.dma_semaphore, #tpu.memory_space<semaphore_mem>>)
            } else {
            }
            %dma_wait3A_102 = arith.constant 0 : i32
            %dma_wait3A_103 = tpu.memref_slice %arg11[%add3A_93, %dma_wait3A_102] : memref<32x125xi32, #tpu.memory_space<vmem>> -> memref<1x125xi32, #tpu.memory_space<vmem>>
            %dma_wait3A_104 = tpu.memref_squeeze %dma_wait3A_103 : memref<1x125xi32, #tpu.memory_space<vmem>> -> memref<125xi32, #tpu.memory_space<vmem>>
            %dma_wait3A_105 = arith.constant 0 : i32
            %dma_wait3A_106 = arith.constant 0 : i32
            %dma_wait3A_107 = tpu.memref_slice %arg2[%dma_wait3A_105, %dma_wait3A_106] : memref<10000x128xf32, #tpu.memory_space<hbm>> -> memref<10000x128xf32, #tpu.memory_space<hbm>>
            tpu.wait_indirect_dma semaphore(%arg16 : memref<!tpu.dma_semaphore, #tpu.memory_space<semaphore_mem>>) src(%dma_wait3A_107 : memref<10000x128xf32, #tpu.memory_space<hbm>>) dst(%arg13 : memref<125x128xf32, #tpu.memory_space<vmem>>)
            "tpu.region"() ({
              %run_scoped3A = tpu.sem_alloc : memref<!tpu.dma_semaphore, #tpu.memory_space<semaphore_mem>>
              %dma_start3A_126 = arith.constant 0 : i32
              %dma_start3A_127 = tpu.memref_slice %arg12[%add3A_93, %dma_start3A_126] : memref<32x125xi32, #tpu.memory_space<vmem>> -> memref<1x125xi32, #tpu.memory_space<vmem>>
              %dma_start3A_128 = tpu.memref_squeeze %dma_start3A_127 : memref<1x125xi32, #tpu.memory_space<vmem>> -> memref<125xi32, #tpu.memory_space<vmem>>
              %dma_start3A_129 = arith.constant 0 : i32
              %dma_start3A_130 = arith.constant 0 : i32
              %dma_start3A_131 = tpu.memref_slice %arg15[%dma_start3A_129, %dma_start3A_130] : memref<10000x128xf32, #tpu.memory_space<vmem_shared>> -> memref<10000x128xf32, #tpu.memory_space<vmem_shared>>
              tpu.enqueue_indirect_dma source(%arg13 : memref<125x128xf32, #tpu.memory_space<vmem>>) target(%dma_start3A_131 : memref<10000x128xf32, #tpu.memory_space<vmem_shared>>) offsets(%dma_start3A_128 : memref<125xi32, #tpu.memory_space<vmem>>) semaphore(%run_scoped3A : memref<!tpu.dma_semaphore, #tpu.memory_space<semaphore_mem>>) {add = true}
              %dma_wait3A_132 = arith.constant 0 : i32
              %dma_wait3A_133 = tpu.memref_slice %arg12[%add3A_93, %dma_wait3A_132] : memref<32x125xi32, #tpu.memory_space<vmem>> -> memref<1x125xi32, #tpu.memory_space<vmem>>
              %dma_wait3A_134 = tpu.memref_squeeze %dma_wait3A_133 : memref<1x125xi32, #tpu.memory_space<vmem>> -> memref<125xi32, #tpu.memory_space<vmem>>
              %dma_wait3A_135 = arith.constant 0 : i32
              %dma_wait3A_136 = arith.constant 0 : i32
              %dma_wait3A_137 = tpu.memref_slice %arg15[%dma_wait3A_135, %dma_wait3A_136] : memref<10000x128xf32, #tpu.memory_space<vmem_shared>> -> memref<10000x128xf32, #tpu.memory_space<vmem_shared>>
              tpu.wait_indirect_dma semaphore(%run_scoped3A : memref<!tpu.dma_semaphore, #tpu.memory_space<semaphore_mem>>) src(%arg13 : memref<125x128xf32, #tpu.memory_space<vmem>>) dst(%dma_wait3A_137 : memref<10000x128xf32, #tpu.memory_space<vmem_shared>>)
              tpu.yield
            }) : () -> ()
            %add3A_108 = arith.constant 1 : i32
            %add3A_109 = arith.addi %mul3A_91, %add3A_108 : i32
            %add3A_110 = arith.constant 2 : i32
            %add3A_111 = arith.addi %add3A_109, %add3A_110 : i32
            %sub3A_112 = arith.constant 1 : i32
            %sub3A_113 = arith.subi %add3A_111, %sub3A_112 : i32
            %lt3A_114 = arith.constant 32 : i32
            %lt3A_115 = arith.cmpi slt, %sub3A_113, %lt3A_114 : i32
            %convert_element_type3A_116 = arith.extui %lt3A_115 : i1 to i32
            %cond3A_117 = arith.constant 0 : i32
            %cond3A_118 = arith.cmpi ne, %convert_element_type3A_116, %cond3A_117 : i32
            scf.if %cond3A_118 {
              %add3A_126 = arith.constant 2 : i32
              %add3A_127 = arith.addi %add3A_109, %add3A_126 : i32
              %sub3A_128 = arith.constant 1 : i32
              %sub3A_129 = arith.subi %add3A_127, %sub3A_128 : i32
              %dma_start3A_130 = arith.constant 0 : i32
              %dma_start3A_131 = tpu.memref_slice %arg11[%sub3A_129, %dma_start3A_130] : memref<32x125xi32, #tpu.memory_space<vmem>> -> memref<1x125xi32, #tpu.memory_space<vmem>>
              %dma_start3A_132 = tpu.memref_squeeze %dma_start3A_131 : memref<1x125xi32, #tpu.memory_space<vmem>> -> memref<125xi32, #tpu.memory_space<vmem>>
              %dma_start3A_133 = arith.constant 0 : i32
              %dma_start3A_134 = arith.constant 0 : i32
              %dma_start3A_135 = tpu.memref_slice %arg2[%dma_start3A_133, %dma_start3A_134] : memref<10000x128xf32, #tpu.memory_space<hbm>> -> memref<10000x128xf32, #tpu.memory_space<hbm>>
              tpu.enqueue_indirect_dma source(%dma_start3A_135 : memref<10000x128xf32, #tpu.memory_space<hbm>>) target(%arg13 : memref<125x128xf32, #tpu.memory_space<vmem>>) offsets(%dma_start3A_132 : memref<125xi32, #tpu.memory_space<vmem>>) semaphore(%arg16 : memref<!tpu.dma_semaphore, #tpu.memory_space<semaphore_mem>>)
            } else {
            }
            %dma_wait3A_119 = arith.constant 0 : i32
            %dma_wait3A_120 = tpu.memref_slice %arg11[%add3A_109, %dma_wait3A_119] : memref<32x125xi32, #tpu.memory_space<vmem>> -> memref<1x125xi32, #tpu.memory_space<vmem>>
            %dma_wait3A_121 = tpu.memref_squeeze %dma_wait3A_120 : memref<1x125xi32, #tpu.memory_space<vmem>> -> memref<125xi32, #tpu.memory_space<vmem>>
            %dma_wait3A_122 = arith.constant 0 : i32
            %dma_wait3A_123 = arith.constant 0 : i32
            %dma_wait3A_124 = tpu.memref_slice %arg2[%dma_wait3A_122, %dma_wait3A_123] : memref<10000x128xf32, #tpu.memory_space<hbm>> -> memref<10000x128xf32, #tpu.memory_space<hbm>>
            tpu.wait_indirect_dma semaphore(%arg17 : memref<!tpu.dma_semaphore, #tpu.memory_space<semaphore_mem>>) src(%dma_wait3A_124 : memref<10000x128xf32, #tpu.memory_space<hbm>>) dst(%arg14 : memref<125x128xf32, #tpu.memory_space<vmem>>)
            "tpu.region"() ({
              %run_scoped3A = tpu.sem_alloc : memref<!tpu.dma_semaphore, #tpu.memory_space<semaphore_mem>>
              %dma_start3A_126 = arith.constant 0 : i32
              %dma_start3A_127 = tpu.memref_slice %arg12[%add3A_109, %dma_start3A_126] : memref<32x125xi32, #tpu.memory_space<vmem>> -> memref<1x125xi32, #tpu.memory_space<vmem>>
              %dma_start3A_128 = tpu.memref_squeeze %dma_start3A_127 : memref<1x125xi32, #tpu.memory_space<vmem>> -> memref<125xi32, #tpu.memory_space<vmem>>
              %dma_start3A_129 = arith.constant 0 : i32
              %dma_start3A_130 = arith.constant 0 : i32
              %dma_start3A_131 = tpu.memref_slice %arg15[%dma_start3A_129, %dma_start3A_130] : memref<10000x128xf32, #tpu.memory_space<vmem_shared>> -> memref<10000x128xf32, #tpu.memory_space<vmem_shared>>
              tpu.enqueue_indirect_dma source(%arg14 : memref<125x128xf32, #tpu.memory_space<vmem>>) target(%dma_start3A_131 : memref<10000x128xf32, #tpu.memory_space<vmem_shared>>) offsets(%dma_start3A_128 : memref<125xi32, #tpu.memory_space<vmem>>) semaphore(%run_scoped3A : memref<!tpu.dma_semaphore, #tpu.memory_space<semaphore_mem>>) {add = true}
              %dma_wait3A_132 = arith.constant 0 : i32
              %dma_wait3A_133 = tpu.memref_slice %arg12[%add3A_109, %dma_wait3A_132] : memref<32x125xi32, #tpu.memory_space<vmem>> -> memref<1x125xi32, #tpu.memory_space<vmem>>
              %dma_wait3A_134 = tpu.memref_squeeze %dma_wait3A_133 : memref<1x125xi32, #tpu.memory_space<vmem>> -> memref<125xi32, #tpu.memory_space<vmem>>
              %dma_wait3A_135 = arith.constant 0 : i32
              %dma_wait3A_136 = arith.constant 0 : i32
              %dma_wait3A_137 = tpu.memref_slice %arg15[%dma_wait3A_135, %dma_wait3A_136] : memref<10000x128xf32, #tpu.memory_space<vmem_shared>> -> memref<10000x128xf32, #tpu.memory_space<vmem_shared>>
              tpu.wait_indirect_dma semaphore(%run_scoped3A : memref<!tpu.dma_semaphore, #tpu.memory_space<semaphore_mem>>) src(%arg14 : memref<125x128xf32, #tpu.memory_space<vmem>>) dst(%dma_wait3A_137 : memref<10000x128xf32, #tpu.memory_space<vmem_shared>>)
              tpu.yield
            }) : () -> ()
            %scan3A_125 = arith.constant 0 : i32
            scf.yield %scan3A_125 : i32
          }
          %scan3A_87 = arith.constant 16 : i32
        } else {
        }
        %scan3A_55 = arith.constant 0 : i32
        scf.yield %scan3A_55 : i32
      }
      %scan3A_39 = arith.constant 5 : i32
    } else {
    }
    %eq3A_2 = arith.constant 1 : i32
    %eq3A_3 = arith.cmpi eq, %arg0, %eq3A_2 : i32
    %convert_element_type3A_4 = arith.extui %eq3A_3 : i1 to i32
    %cond3A_5 = arith.constant 0 : i32
    %cond3A_6 = arith.cmpi ne, %convert_element_type3A_4, %cond3A_5 : i32
    scf.if %cond3A_6 {
      %mul3A = arith.constant 160 : i32
      %mul3A_17 = arith.muli %arg1, %mul3A : i32
      %add3A = arith.constant 0 : i32
      %add3A_18 = arith.addi %mul3A_17, %add3A : i32
      %dma_start3A = arith.constant 0 : i32
      %dma_start3A_19 = tpu.memref_slice %arg5[%add3A_18, %dma_start3A] : memref<2560x125xi32, #tpu.memory_space<hbm>> -> memref<32x125xi32, #tpu.memory_space<hbm>>
      %dma_start3A_20 = arith.constant 0 : i32
      %dma_start3A_21 = tpu.memref_slice %arg5[%add3A_18, %dma_start3A_20] : memref<2560x125xi32, #tpu.memory_space<hbm>> -> memref<32x125xi32, #tpu.memory_space<hbm>>
      tpu.enqueue_dma source(%dma_start3A_21 : memref<32x125xi32, #tpu.memory_space<hbm>>) target(%arg9 : memref<32x125xi32, #tpu.memory_space<vmem>>) target_semaphore(%arg18 : memref<!tpu.dma_semaphore, #tpu.memory_space<semaphore_mem>>)
      %dma_start3A_22 = arith.constant 0 : i32
      %dma_start3A_23 = tpu.memref_slice %arg6[%add3A_18, %dma_start3A_22] : memref<2560x125xi32, #tpu.memory_space<hbm>> -> memref<32x125xi32, #tpu.memory_space<hbm>>
      %dma_start3A_24 = arith.constant 0 : i32
      %dma_start3A_25 = tpu.memref_slice %arg6[%add3A_18, %dma_start3A_24] : memref<2560x125xi32, #tpu.memory_space<hbm>> -> memref<32x125xi32, #tpu.memory_space<hbm>>
      tpu.enqueue_dma source(%dma_start3A_25 : memref<32x125xi32, #tpu.memory_space<hbm>>) target(%arg10 : memref<32x125xi32, #tpu.memory_space<vmem>>) target_semaphore(%arg18 : memref<!tpu.dma_semaphore, #tpu.memory_space<semaphore_mem>>)
      %scan3A = arith.constant 0 : i32
      %scan3A_26 = arith.constant 0 : i32
      %scan3A_27 = arith.constant 8 : i32
      %scan3A_28 = arith.addi %scan3A_26, %scan3A_27 : i32
      %scan3A_29 = arith.constant 1 : i32
      %scan3A_30 = scf.for %scan3A_40 = %scan3A_26 to %scan3A_28 step %scan3A_29 iter_args(%scan3A_41 = %scan3A) -> (i32)  : i32 {
        %mul3A_42 = arith.constant 16 : i32
        %mul3A_43 = arith.muli %scan3A_40, %mul3A_42 : i32
        %add3A_44 = arith.addi %arg1, %mul3A_43 : i32
        %lt3A = arith.constant 125 : i32
        %lt3A_45 = arith.cmpi slt, %add3A_44, %lt3A : i32
        %convert_element_type3A_46 = arith.extui %lt3A_45 : i1 to i32
        %cond3A_47 = arith.constant 0 : i32
        %cond3A_48 = arith.cmpi ne, %convert_element_type3A_46, %cond3A_47 : i32
        scf.if %cond3A_48 {
          %mul3A_50 = arith.constant 80 : i32
          %mul3A_51 = arith.muli %add3A_44, %mul3A_50 : i32
          "tpu.region"() ({
            %run_scoped3A = tpu.sem_alloc : memref<!tpu.dma_semaphore, #tpu.memory_space<semaphore_mem>>
            %dma_start3A_52 = arith.constant 0 : i32
            %dma_start3A_53 = arith.constant 0 : i32
            %dma_start3A_54 = tpu.memref_slice %arg14[%dma_start3A_52, %dma_start3A_53] : memref<125x128xf32, #tpu.memory_space<vmem>> -> memref<80x128xf32, #tpu.memory_space<vmem>>
            %dma_start3A_55 = arith.constant 0 : i32
            %dma_start3A_56 = tpu.memref_slice %arg4[%mul3A_51, %dma_start3A_55] : memref<10000x128xf32, #tpu.memory_space<hbm>> -> memref<80x128xf32, #tpu.memory_space<hbm>>
            %dma_start3A_57 = arith.constant 0 : i32
            %dma_start3A_58 = arith.constant 0 : i32
            %dma_start3A_59 = tpu.memref_slice %arg14[%dma_start3A_57, %dma_start3A_58] : memref<125x128xf32, #tpu.memory_space<vmem>> -> memref<80x128xf32, #tpu.memory_space<vmem>>
            %dma_start3A_60 = arith.constant 0 : i32
            %dma_start3A_61 = tpu.memref_slice %arg4[%mul3A_51, %dma_start3A_60] : memref<10000x128xf32, #tpu.memory_space<hbm>> -> memref<80x128xf32, #tpu.memory_space<hbm>>
            tpu.enqueue_dma source(%dma_start3A_61 : memref<80x128xf32, #tpu.memory_space<hbm>>) target(%dma_start3A_59 : memref<80x128xf32, #tpu.memory_space<vmem>>) target_semaphore(%run_scoped3A : memref<!tpu.dma_semaphore, #tpu.memory_space<semaphore_mem>>)
            %dma_wait3A = arith.constant 0 : i32
            %dma_wait3A_62 = arith.constant 0 : i32
            %dma_wait3A_63 = tpu.memref_slice %arg14[%dma_wait3A, %dma_wait3A_62] : memref<125x128xf32, #tpu.memory_space<vmem>> -> memref<80x128xf32, #tpu.memory_space<vmem>>
            %dma_wait3A_64 = arith.constant 0 : i32
            %dma_wait3A_65 = tpu.memref_slice %arg4[%mul3A_51, %dma_wait3A_64] : memref<10000x128xf32, #tpu.memory_space<hbm>> -> memref<80x128xf32, #tpu.memory_space<hbm>>
            %dma_wait3A_66 = arith.constant 0 : i32
            %dma_wait3A_67 = arith.constant 0 : i32
            %dma_wait3A_68 = tpu.memref_slice %arg14[%dma_wait3A_66, %dma_wait3A_67] : memref<125x128xf32, #tpu.memory_space<vmem>> -> memref<80x128xf32, #tpu.memory_space<vmem>>
            %dma_wait3A_69 = arith.constant 0 : i32
            %dma_wait3A_70 = tpu.memref_slice %arg4[%mul3A_51, %dma_wait3A_69] : memref<10000x128xf32, #tpu.memory_space<hbm>> -> memref<80x128xf32, #tpu.memory_space<hbm>>
            tpu.wait_dma2 semaphore(%run_scoped3A : memref<!tpu.dma_semaphore, #tpu.memory_space<semaphore_mem>>) src(%dma_wait3A_70 : memref<80x128xf32, #tpu.memory_space<hbm>>) dst(%dma_wait3A_68 : memref<80x128xf32, #tpu.memory_space<vmem>>)
            tpu.yield
          }) : () -> ()
          "tpu.region"() ({
            %run_scoped3A = tpu.sem_alloc : memref<!tpu.dma_semaphore, #tpu.memory_space<semaphore_mem>>
            %dma_start3A_52 = arith.constant 0 : i32
            %dma_start3A_53 = arith.constant 0 : i32
            %dma_start3A_54 = tpu.memref_slice %arg14[%dma_start3A_52, %dma_start3A_53] : memref<125x128xf32, #tpu.memory_space<vmem>> -> memref<80x128xf32, #tpu.memory_space<vmem>>
            %dma_start3A_55 = arith.constant 0 : i32
            %dma_start3A_56 = tpu.memref_slice %arg15[%mul3A_51, %dma_start3A_55] : memref<10000x128xf32, #tpu.memory_space<vmem_shared>> -> memref<80x128xf32, #tpu.memory_space<vmem_shared>>
            %dma_start3A_57 = arith.constant 0 : i32
            %dma_start3A_58 = tpu.memref_slice %arg15[%mul3A_51, %dma_start3A_57] : memref<10000x128xf32, #tpu.memory_space<vmem_shared>> -> memref<80x128xf32, #tpu.memory_space<vmem_shared>>
            %dma_start3A_59 = arith.constant 0 : i32
            %dma_start3A_60 = arith.constant 0 : i32
            %dma_start3A_61 = tpu.memref_slice %arg14[%dma_start3A_59, %dma_start3A_60] : memref<125x128xf32, #tpu.memory_space<vmem>> -> memref<80x128xf32, #tpu.memory_space<vmem>>
            tpu.enqueue_dma source(%dma_start3A_61 : memref<80x128xf32, #tpu.memory_space<vmem>>) target(%dma_start3A_58 : memref<80x128xf32, #tpu.memory_space<vmem_shared>>) target_semaphore(%run_scoped3A : memref<!tpu.dma_semaphore, #tpu.memory_space<semaphore_mem>>)
            %dma_wait3A = arith.constant 0 : i32
            %dma_wait3A_62 = arith.constant 0 : i32
            %dma_wait3A_63 = tpu.memref_slice %arg14[%dma_wait3A, %dma_wait3A_62] : memref<125x128xf32, #tpu.memory_space<vmem>> -> memref<80x128xf32, #tpu.memory_space<vmem>>
            %dma_wait3A_64 = arith.constant 0 : i32
            %dma_wait3A_65 = tpu.memref_slice %arg15[%mul3A_51, %dma_wait3A_64] : memref<10000x128xf32, #tpu.memory_space<vmem_shared>> -> memref<80x128xf32, #tpu.memory_space<vmem_shared>>
            %dma_wait3A_66 = arith.constant 0 : i32
            %dma_wait3A_67 = tpu.memref_slice %arg15[%mul3A_51, %dma_wait3A_66] : memref<10000x128xf32, #tpu.memory_space<vmem_shared>> -> memref<80x128xf32, #tpu.memory_space<vmem_shared>>
            %dma_wait3A_68 = arith.constant 0 : i32
            %dma_wait3A_69 = arith.constant 0 : i32
            %dma_wait3A_70 = tpu.memref_slice %arg14[%dma_wait3A_68, %dma_wait3A_69] : memref<125x128xf32, #tpu.memory_space<vmem>> -> memref<80x128xf32, #tpu.memory_space<vmem>>
            tpu.wait_dma2 semaphore(%run_scoped3A : memref<!tpu.dma_semaphore, #tpu.memory_space<semaphore_mem>>) src(%dma_wait3A_70 : memref<80x128xf32, #tpu.memory_space<vmem>>) dst(%dma_wait3A_67 : memref<80x128xf32, #tpu.memory_space<vmem_shared>>)
            tpu.yield
          }) : () -> ()
        } else {
        }
        %scan3A_49 = arith.constant 0 : i32
        scf.yield %scan3A_49 : i32
      }
      %scan3A_31 = arith.constant 8 : i32
      %barrier3A_32 = arith.constant 0 : index
      tpu.barrier barrier_id(%barrier3A_32)
      %scan3A_33 = arith.constant 0 : i32
      %scan3A_34 = arith.constant 0 : i32
      %scan3A_35 = arith.constant 5 : i32
      %scan3A_36 = arith.addi %scan3A_34, %scan3A_35 : i32
      %scan3A_37 = arith.constant 1 : i32
      %scan3A_38 = scf.for %scan3A_40 = %scan3A_34 to %scan3A_36 step %scan3A_37 iter_args(%scan3A_41 = %scan3A_33) -> (i32)  : i32 {
        %rem3A = arith.constant 2 : i32
        %rem3A_42 = arith.remsi %scan3A_40, %rem3A : i32
        %eq3A_43 = arith.constant 0 : i32
        %eq3A_44 = arith.cmpi eq, %rem3A_42, %eq3A_43 : i32
        %convert_element_type3A_45 = arith.extui %eq3A_44 : i1 to i32
        %cond3A_46 = arith.constant 0 : i32
        %cond3A_47 = arith.cmpi ne, %convert_element_type3A_45, %cond3A_46 : i32
        scf.if %cond3A_47 {
          %mul3A_56 = arith.constant 160 : i32
          %mul3A_57 = arith.muli %arg1, %mul3A_56 : i32
          %mul3A_58 = arith.constant 32 : i32
          %mul3A_59 = arith.muli %scan3A_40, %mul3A_58 : i32
          %add3A_60 = arith.addi %mul3A_57, %mul3A_59 : i32
          %dma_wait3A = arith.constant 0 : i32
          %dma_wait3A_61 = tpu.memref_slice %arg5[%add3A_60, %dma_wait3A] : memref<2560x125xi32, #tpu.memory_space<hbm>> -> memref<32x125xi32, #tpu.memory_space<hbm>>
          %dma_wait3A_62 = arith.constant 0 : i32
          %dma_wait3A_63 = tpu.memref_slice %arg5[%add3A_60, %dma_wait3A_62] : memref<2560x125xi32, #tpu.memory_space<hbm>> -> memref<32x125xi32, #tpu.memory_space<hbm>>
          tpu.wait_dma2 semaphore(%arg18 : memref<!tpu.dma_semaphore, #tpu.memory_space<semaphore_mem>>) src(%dma_wait3A_63 : memref<32x125xi32, #tpu.memory_space<hbm>>) dst(%arg9 : memref<32x125xi32, #tpu.memory_space<vmem>>)
          %dma_wait3A_64 = arith.constant 0 : i32
          %dma_wait3A_65 = tpu.memref_slice %arg6[%add3A_60, %dma_wait3A_64] : memref<2560x125xi32, #tpu.memory_space<hbm>> -> memref<32x125xi32, #tpu.memory_space<hbm>>
          %dma_wait3A_66 = arith.constant 0 : i32
          %dma_wait3A_67 = tpu.memref_slice %arg6[%add3A_60, %dma_wait3A_66] : memref<2560x125xi32, #tpu.memory_space<hbm>> -> memref<32x125xi32, #tpu.memory_space<hbm>>
          tpu.wait_dma2 semaphore(%arg18 : memref<!tpu.dma_semaphore, #tpu.memory_space<semaphore_mem>>) src(%dma_wait3A_67 : memref<32x125xi32, #tpu.memory_space<hbm>>) dst(%arg10 : memref<32x125xi32, #tpu.memory_space<vmem>>)
          %add3A_68 = arith.constant 1 : i32
          %add3A_69 = arith.addi %scan3A_40, %add3A_68 : i32
          %lt3A = arith.constant 5 : i32
          %lt3A_70 = arith.cmpi slt, %add3A_69, %lt3A : i32
          %convert_element_type3A_71 = arith.extui %lt3A_70 : i1 to i32
          %cond3A_72 = arith.constant 0 : i32
          %cond3A_73 = arith.cmpi ne, %convert_element_type3A_71, %cond3A_72 : i32
          scf.if %cond3A_73 {
            %add3A_88 = arith.constant 1 : i32
            %add3A_89 = arith.addi %scan3A_40, %add3A_88 : i32
            %mul3A_90 = arith.constant 160 : i32
            %mul3A_91 = arith.muli %arg1, %mul3A_90 : i32
            %mul3A_92 = arith.constant 32 : i32
            %mul3A_93 = arith.muli %add3A_89, %mul3A_92 : i32
            %add3A_94 = arith.addi %mul3A_91, %mul3A_93 : i32
            %dma_start3A_95 = arith.constant 0 : i32
            %dma_start3A_96 = tpu.memref_slice %arg5[%add3A_94, %dma_start3A_95] : memref<2560x125xi32, #tpu.memory_space<hbm>> -> memref<32x125xi32, #tpu.memory_space<hbm>>
            %dma_start3A_97 = arith.constant 0 : i32
            %dma_start3A_98 = tpu.memref_slice %arg5[%add3A_94, %dma_start3A_97] : memref<2560x125xi32, #tpu.memory_space<hbm>> -> memref<32x125xi32, #tpu.memory_space<hbm>>
            tpu.enqueue_dma source(%dma_start3A_98 : memref<32x125xi32, #tpu.memory_space<hbm>>) target(%arg11 : memref<32x125xi32, #tpu.memory_space<vmem>>) target_semaphore(%arg19 : memref<!tpu.dma_semaphore, #tpu.memory_space<semaphore_mem>>)
            %dma_start3A_99 = arith.constant 0 : i32
            %dma_start3A_100 = tpu.memref_slice %arg6[%add3A_94, %dma_start3A_99] : memref<2560x125xi32, #tpu.memory_space<hbm>> -> memref<32x125xi32, #tpu.memory_space<hbm>>
            %dma_start3A_101 = arith.constant 0 : i32
            %dma_start3A_102 = tpu.memref_slice %arg6[%add3A_94, %dma_start3A_101] : memref<2560x125xi32, #tpu.memory_space<hbm>> -> memref<32x125xi32, #tpu.memory_space<hbm>>
            tpu.enqueue_dma source(%dma_start3A_102 : memref<32x125xi32, #tpu.memory_space<hbm>>) target(%arg12 : memref<32x125xi32, #tpu.memory_space<vmem>>) target_semaphore(%arg19 : memref<!tpu.dma_semaphore, #tpu.memory_space<semaphore_mem>>)
          } else {
          }
          %dma_start3A_74 = arith.constant 0 : i32
          %dma_start3A_75 = arith.constant 0 : i32
          %dma_start3A_76 = tpu.memref_slice %arg9[%dma_start3A_74, %dma_start3A_75] : memref<32x125xi32, #tpu.memory_space<vmem>> -> memref<1x125xi32, #tpu.memory_space<vmem>>
          %dma_start3A_77 = tpu.memref_squeeze %dma_start3A_76 : memref<1x125xi32, #tpu.memory_space<vmem>> -> memref<125xi32, #tpu.memory_space<vmem>>
          %dma_start3A_78 = arith.constant 0 : i32
          %dma_start3A_79 = arith.constant 0 : i32
          %dma_start3A_80 = tpu.memref_slice %arg3[%dma_start3A_78, %dma_start3A_79] : memref<10000x128xf32, #tpu.memory_space<hbm>> -> memref<10000x128xf32, #tpu.memory_space<hbm>>
          tpu.enqueue_indirect_dma source(%dma_start3A_80 : memref<10000x128xf32, #tpu.memory_space<hbm>>) target(%arg13 : memref<125x128xf32, #tpu.memory_space<vmem>>) offsets(%dma_start3A_77 : memref<125xi32, #tpu.memory_space<vmem>>) semaphore(%arg16 : memref<!tpu.dma_semaphore, #tpu.memory_space<semaphore_mem>>)
          %scan3A_81 = arith.constant 0 : i32
          %scan3A_82 = arith.constant 0 : i32
          %scan3A_83 = arith.constant 16 : i32
          %scan3A_84 = arith.addi %scan3A_82, %scan3A_83 : i32
          %scan3A_85 = arith.constant 1 : i32
          %scan3A_86 = scf.for %scan3A_88 = %scan3A_82 to %scan3A_84 step %scan3A_85 iter_args(%scan3A_89 = %scan3A_81) -> (i32)  : i32 {
            %mul3A_90 = arith.constant 2 : i32
            %mul3A_91 = arith.muli %scan3A_88, %mul3A_90 : i32
            %add3A_92 = arith.constant 0 : i32
            %add3A_93 = arith.addi %mul3A_91, %add3A_92 : i32
            %add3A_94 = arith.constant 2 : i32
            %add3A_95 = arith.addi %add3A_93, %add3A_94 : i32
            %sub3A = arith.constant 1 : i32
            %sub3A_96 = arith.subi %add3A_95, %sub3A : i32
            %lt3A_97 = arith.constant 32 : i32
            %lt3A_98 = arith.cmpi slt, %sub3A_96, %lt3A_97 : i32
            %convert_element_type3A_99 = arith.extui %lt3A_98 : i1 to i32
            %cond3A_100 = arith.constant 0 : i32
            %cond3A_101 = arith.cmpi ne, %convert_element_type3A_99, %cond3A_100 : i32
            scf.if %cond3A_101 {
              %add3A_126 = arith.constant 2 : i32
              %add3A_127 = arith.addi %add3A_93, %add3A_126 : i32
              %sub3A_128 = arith.constant 1 : i32
              %sub3A_129 = arith.subi %add3A_127, %sub3A_128 : i32
              %dma_start3A_130 = arith.constant 0 : i32
              %dma_start3A_131 = tpu.memref_slice %arg9[%sub3A_129, %dma_start3A_130] : memref<32x125xi32, #tpu.memory_space<vmem>> -> memref<1x125xi32, #tpu.memory_space<vmem>>
              %dma_start3A_132 = tpu.memref_squeeze %dma_start3A_131 : memref<1x125xi32, #tpu.memory_space<vmem>> -> memref<125xi32, #tpu.memory_space<vmem>>
              %dma_start3A_133 = arith.constant 0 : i32
              %dma_start3A_134 = arith.constant 0 : i32
              %dma_start3A_135 = tpu.memref_slice %arg3[%dma_start3A_133, %dma_start3A_134] : memref<10000x128xf32, #tpu.memory_space<hbm>> -> memref<10000x128xf32, #tpu.memory_space<hbm>>
              tpu.enqueue_indirect_dma source(%dma_start3A_135 : memref<10000x128xf32, #tpu.memory_space<hbm>>) target(%arg14 : memref<125x128xf32, #tpu.memory_space<vmem>>) offsets(%dma_start3A_132 : memref<125xi32, #tpu.memory_space<vmem>>) semaphore(%arg17 : memref<!tpu.dma_semaphore, #tpu.memory_space<semaphore_mem>>)
            } else {
            }
            %dma_wait3A_102 = arith.constant 0 : i32
            %dma_wait3A_103 = tpu.memref_slice %arg9[%add3A_93, %dma_wait3A_102] : memref<32x125xi32, #tpu.memory_space<vmem>> -> memref<1x125xi32, #tpu.memory_space<vmem>>
            %dma_wait3A_104 = tpu.memref_squeeze %dma_wait3A_103 : memref<1x125xi32, #tpu.memory_space<vmem>> -> memref<125xi32, #tpu.memory_space<vmem>>
            %dma_wait3A_105 = arith.constant 0 : i32
            %dma_wait3A_106 = arith.constant 0 : i32
            %dma_wait3A_107 = tpu.memref_slice %arg3[%dma_wait3A_105, %dma_wait3A_106] : memref<10000x128xf32, #tpu.memory_space<hbm>> -> memref<10000x128xf32, #tpu.memory_space<hbm>>
            tpu.wait_indirect_dma semaphore(%arg16 : memref<!tpu.dma_semaphore, #tpu.memory_space<semaphore_mem>>) src(%dma_wait3A_107 : memref<10000x128xf32, #tpu.memory_space<hbm>>) dst(%arg13 : memref<125x128xf32, #tpu.memory_space<vmem>>)
            "tpu.region"() ({
              %run_scoped3A = tpu.sem_alloc : memref<!tpu.dma_semaphore, #tpu.memory_space<semaphore_mem>>
              %dma_start3A_126 = arith.constant 0 : i32
              %dma_start3A_127 = tpu.memref_slice %arg10[%add3A_93, %dma_start3A_126] : memref<32x125xi32, #tpu.memory_space<vmem>> -> memref<1x125xi32, #tpu.memory_space<vmem>>
              %dma_start3A_128 = tpu.memref_squeeze %dma_start3A_127 : memref<1x125xi32, #tpu.memory_space<vmem>> -> memref<125xi32, #tpu.memory_space<vmem>>
              %dma_start3A_129 = arith.constant 0 : i32
              %dma_start3A_130 = arith.constant 0 : i32
              %dma_start3A_131 = tpu.memref_slice %arg15[%dma_start3A_129, %dma_start3A_130] : memref<10000x128xf32, #tpu.memory_space<vmem_shared>> -> memref<10000x128xf32, #tpu.memory_space<vmem_shared>>
              tpu.enqueue_indirect_dma source(%arg13 : memref<125x128xf32, #tpu.memory_space<vmem>>) target(%dma_start3A_131 : memref<10000x128xf32, #tpu.memory_space<vmem_shared>>) offsets(%dma_start3A_128 : memref<125xi32, #tpu.memory_space<vmem>>) semaphore(%run_scoped3A : memref<!tpu.dma_semaphore, #tpu.memory_space<semaphore_mem>>) {add = true}
              %dma_wait3A_132 = arith.constant 0 : i32
              %dma_wait3A_133 = tpu.memref_slice %arg10[%add3A_93, %dma_wait3A_132] : memref<32x125xi32, #tpu.memory_space<vmem>> -> memref<1x125xi32, #tpu.memory_space<vmem>>
              %dma_wait3A_134 = tpu.memref_squeeze %dma_wait3A_133 : memref<1x125xi32, #tpu.memory_space<vmem>> -> memref<125xi32, #tpu.memory_space<vmem>>
              %dma_wait3A_135 = arith.constant 0 : i32
              %dma_wait3A_136 = arith.constant 0 : i32
              %dma_wait3A_137 = tpu.memref_slice %arg15[%dma_wait3A_135, %dma_wait3A_136] : memref<10000x128xf32, #tpu.memory_space<vmem_shared>> -> memref<10000x128xf32, #tpu.memory_space<vmem_shared>>
              tpu.wait_indirect_dma semaphore(%run_scoped3A : memref<!tpu.dma_semaphore, #tpu.memory_space<semaphore_mem>>) src(%arg13 : memref<125x128xf32, #tpu.memory_space<vmem>>) dst(%dma_wait3A_137 : memref<10000x128xf32, #tpu.memory_space<vmem_shared>>)
              tpu.yield
            }) : () -> ()
            %add3A_108 = arith.constant 1 : i32
            %add3A_109 = arith.addi %mul3A_91, %add3A_108 : i32
            %add3A_110 = arith.constant 2 : i32
            %add3A_111 = arith.addi %add3A_109, %add3A_110 : i32
            %sub3A_112 = arith.constant 1 : i32
            %sub3A_113 = arith.subi %add3A_111, %sub3A_112 : i32
            %lt3A_114 = arith.constant 32 : i32
            %lt3A_115 = arith.cmpi slt, %sub3A_113, %lt3A_114 : i32
            %convert_element_type3A_116 = arith.extui %lt3A_115 : i1 to i32
            %cond3A_117 = arith.constant 0 : i32
            %cond3A_118 = arith.cmpi ne, %convert_element_type3A_116, %cond3A_117 : i32
            scf.if %cond3A_118 {
              %add3A_126 = arith.constant 2 : i32
              %add3A_127 = arith.addi %add3A_109, %add3A_126 : i32
              %sub3A_128 = arith.constant 1 : i32
              %sub3A_129 = arith.subi %add3A_127, %sub3A_128 : i32
              %dma_start3A_130 = arith.constant 0 : i32
              %dma_start3A_131 = tpu.memref_slice %arg9[%sub3A_129, %dma_start3A_130] : memref<32x125xi32, #tpu.memory_space<vmem>> -> memref<1x125xi32, #tpu.memory_space<vmem>>
              %dma_start3A_132 = tpu.memref_squeeze %dma_start3A_131 : memref<1x125xi32, #tpu.memory_space<vmem>> -> memref<125xi32, #tpu.memory_space<vmem>>
              %dma_start3A_133 = arith.constant 0 : i32
              %dma_start3A_134 = arith.constant 0 : i32
              %dma_start3A_135 = tpu.memref_slice %arg3[%dma_start3A_133, %dma_start3A_134] : memref<10000x128xf32, #tpu.memory_space<hbm>> -> memref<10000x128xf32, #tpu.memory_space<hbm>>
              tpu.enqueue_indirect_dma source(%dma_start3A_135 : memref<10000x128xf32, #tpu.memory_space<hbm>>) target(%arg13 : memref<125x128xf32, #tpu.memory_space<vmem>>) offsets(%dma_start3A_132 : memref<125xi32, #tpu.memory_space<vmem>>) semaphore(%arg16 : memref<!tpu.dma_semaphore, #tpu.memory_space<semaphore_mem>>)
            } else {
            }
            %dma_wait3A_119 = arith.constant 0 : i32
            %dma_wait3A_120 = tpu.memref_slice %arg9[%add3A_109, %dma_wait3A_119] : memref<32x125xi32, #tpu.memory_space<vmem>> -> memref<1x125xi32, #tpu.memory_space<vmem>>
            %dma_wait3A_121 = tpu.memref_squeeze %dma_wait3A_120 : memref<1x125xi32, #tpu.memory_space<vmem>> -> memref<125xi32, #tpu.memory_space<vmem>>
            %dma_wait3A_122 = arith.constant 0 : i32
            %dma_wait3A_123 = arith.constant 0 : i32
            %dma_wait3A_124 = tpu.memref_slice %arg3[%dma_wait3A_122, %dma_wait3A_123] : memref<10000x128xf32, #tpu.memory_space<hbm>> -> memref<10000x128xf32, #tpu.memory_space<hbm>>
            tpu.wait_indirect_dma semaphore(%arg17 : memref<!tpu.dma_semaphore, #tpu.memory_space<semaphore_mem>>) src(%dma_wait3A_124 : memref<10000x128xf32, #tpu.memory_space<hbm>>) dst(%arg14 : memref<125x128xf32, #tpu.memory_space<vmem>>)
            "tpu.region"() ({
              %run_scoped3A = tpu.sem_alloc : memref<!tpu.dma_semaphore, #tpu.memory_space<semaphore_mem>>
              %dma_start3A_126 = arith.constant 0 : i32
              %dma_start3A_127 = tpu.memref_slice %arg10[%add3A_109, %dma_start3A_126] : memref<32x125xi32, #tpu.memory_space<vmem>> -> memref<1x125xi32, #tpu.memory_space<vmem>>
              %dma_start3A_128 = tpu.memref_squeeze %dma_start3A_127 : memref<1x125xi32, #tpu.memory_space<vmem>> -> memref<125xi32, #tpu.memory_space<vmem>>
              %dma_start3A_129 = arith.constant 0 : i32
              %dma_start3A_130 = arith.constant 0 : i32
              %dma_start3A_131 = tpu.memref_slice %arg15[%dma_start3A_129, %dma_start3A_130] : memref<10000x128xf32, #tpu.memory_space<vmem_shared>> -> memref<10000x128xf32, #tpu.memory_space<vmem_shared>>
              tpu.enqueue_indirect_dma source(%arg14 : memref<125x128xf32, #tpu.memory_space<vmem>>) target(%dma_start3A_131 : memref<10000x128xf32, #tpu.memory_space<vmem_shared>>) offsets(%dma_start3A_128 : memref<125xi32, #tpu.memory_space<vmem>>) semaphore(%run_scoped3A : memref<!tpu.dma_semaphore, #tpu.memory_space<semaphore_mem>>) {add = true}
              %dma_wait3A_132 = arith.constant 0 : i32
              %dma_wait3A_133 = tpu.memref_slice %arg10[%add3A_109, %dma_wait3A_132] : memref<32x125xi32, #tpu.memory_space<vmem>> -> memref<1x125xi32, #tpu.memory_space<vmem>>
              %dma_wait3A_134 = tpu.memref_squeeze %dma_wait3A_133 : memref<1x125xi32, #tpu.memory_space<vmem>> -> memref<125xi32, #tpu.memory_space<vmem>>
              %dma_wait3A_135 = arith.constant 0 : i32
              %dma_wait3A_136 = arith.constant 0 : i32
              %dma_wait3A_137 = tpu.memref_slice %arg15[%dma_wait3A_135, %dma_wait3A_136] : memref<10000x128xf32, #tpu.memory_space<vmem_shared>> -> memref<10000x128xf32, #tpu.memory_space<vmem_shared>>
              tpu.wait_indirect_dma semaphore(%run_scoped3A : memref<!tpu.dma_semaphore, #tpu.memory_space<semaphore_mem>>) src(%arg14 : memref<125x128xf32, #tpu.memory_space<vmem>>) dst(%dma_wait3A_137 : memref<10000x128xf32, #tpu.memory_space<vmem_shared>>)
              tpu.yield
            }) : () -> ()
            %scan3A_125 = arith.constant 0 : i32
            scf.yield %scan3A_125 : i32
          }
          %scan3A_87 = arith.constant 16 : i32
        } else {
        }
        %rem3A_48 = arith.constant 2 : i32
        %rem3A_49 = arith.remsi %scan3A_40, %rem3A_48 : i32
        %eq3A_50 = arith.constant 1 : i32
        %eq3A_51 = arith.cmpi eq, %rem3A_49, %eq3A_50 : i32
        %convert_element_type3A_52 = arith.extui %eq3A_51 : i1 to i32
        %cond3A_53 = arith.constant 0 : i32
        %cond3A_54 = arith.cmpi ne, %convert_element_type3A_52, %cond3A_53 : i32
        scf.if %cond3A_54 {
          %mul3A_56 = arith.constant 160 : i32
          %mul3A_57 = arith.muli %arg1, %mul3A_56 : i32
          %mul3A_58 = arith.constant 32 : i32
          %mul3A_59 = arith.muli %scan3A_40, %mul3A_58 : i32
          %add3A_60 = arith.addi %mul3A_57, %mul3A_59 : i32
          %dma_wait3A = arith.constant 0 : i32
          %dma_wait3A_61 = tpu.memref_slice %arg5[%add3A_60, %dma_wait3A] : memref<2560x125xi32, #tpu.memory_space<hbm>> -> memref<32x125xi32, #tpu.memory_space<hbm>>
          %dma_wait3A_62 = arith.constant 0 : i32
          %dma_wait3A_63 = tpu.memref_slice %arg5[%add3A_60, %dma_wait3A_62] : memref<2560x125xi32, #tpu.memory_space<hbm>> -> memref<32x125xi32, #tpu.memory_space<hbm>>
          tpu.wait_dma2 semaphore(%arg19 : memref<!tpu.dma_semaphore, #tpu.memory_space<semaphore_mem>>) src(%dma_wait3A_63 : memref<32x125xi32, #tpu.memory_space<hbm>>) dst(%arg11 : memref<32x125xi32, #tpu.memory_space<vmem>>)
          %dma_wait3A_64 = arith.constant 0 : i32
          %dma_wait3A_65 = tpu.memref_slice %arg6[%add3A_60, %dma_wait3A_64] : memref<2560x125xi32, #tpu.memory_space<hbm>> -> memref<32x125xi32, #tpu.memory_space<hbm>>
          %dma_wait3A_66 = arith.constant 0 : i32
          %dma_wait3A_67 = tpu.memref_slice %arg6[%add3A_60, %dma_wait3A_66] : memref<2560x125xi32, #tpu.memory_space<hbm>> -> memref<32x125xi32, #tpu.memory_space<hbm>>
          tpu.wait_dma2 semaphore(%arg19 : memref<!tpu.dma_semaphore, #tpu.memory_space<semaphore_mem>>) src(%dma_wait3A_67 : memref<32x125xi32, #tpu.memory_space<hbm>>) dst(%arg12 : memref<32x125xi32, #tpu.memory_space<vmem>>)
          %add3A_68 = arith.constant 1 : i32
          %add3A_69 = arith.addi %scan3A_40, %add3A_68 : i32
          %lt3A = arith.constant 5 : i32
          %lt3A_70 = arith.cmpi slt, %add3A_69, %lt3A : i32
          %convert_element_type3A_71 = arith.extui %lt3A_70 : i1 to i32
          %cond3A_72 = arith.constant 0 : i32
          %cond3A_73 = arith.cmpi ne, %convert_element_type3A_71, %cond3A_72 : i32
          scf.if %cond3A_73 {
            %add3A_88 = arith.constant 1 : i32
            %add3A_89 = arith.addi %scan3A_40, %add3A_88 : i32
            %mul3A_90 = arith.constant 160 : i32
            %mul3A_91 = arith.muli %arg1, %mul3A_90 : i32
            %mul3A_92 = arith.constant 32 : i32
            %mul3A_93 = arith.muli %add3A_89, %mul3A_92 : i32
            %add3A_94 = arith.addi %mul3A_91, %mul3A_93 : i32
            %dma_start3A_95 = arith.constant 0 : i32
            %dma_start3A_96 = tpu.memref_slice %arg5[%add3A_94, %dma_start3A_95] : memref<2560x125xi32, #tpu.memory_space<hbm>> -> memref<32x125xi32, #tpu.memory_space<hbm>>
            %dma_start3A_97 = arith.constant 0 : i32
            %dma_start3A_98 = tpu.memref_slice %arg5[%add3A_94, %dma_start3A_97] : memref<2560x125xi32, #tpu.memory_space<hbm>> -> memref<32x125xi32, #tpu.memory_space<hbm>>
            tpu.enqueue_dma source(%dma_start3A_98 : memref<32x125xi32, #tpu.memory_space<hbm>>) target(%arg9 : memref<32x125xi32, #tpu.memory_space<vmem>>) target_semaphore(%arg18 : memref<!tpu.dma_semaphore, #tpu.memory_space<semaphore_mem>>)
            %dma_start3A_99 = arith.constant 0 : i32
            %dma_start3A_100 = tpu.memref_slice %arg6[%add3A_94, %dma_start3A_99] : memref<2560x125xi32, #tpu.memory_space<hbm>> -> memref<32x125xi32, #tpu.memory_space<hbm>>
            %dma_start3A_101 = arith.constant 0 : i32
            %dma_start3A_102 = tpu.memref_slice %arg6[%add3A_94, %dma_start3A_101] : memref<2560x125xi32, #tpu.memory_space<hbm>> -> memref<32x125xi32, #tpu.memory_space<hbm>>
            tpu.enqueue_dma source(%dma_start3A_102 : memref<32x125xi32, #tpu.memory_space<hbm>>) target(%arg10 : memref<32x125xi32, #tpu.memory_space<vmem>>) target_semaphore(%arg18 : memref<!tpu.dma_semaphore, #tpu.memory_space<semaphore_mem>>)
          } else {
          }
          %dma_start3A_74 = arith.constant 0 : i32
          %dma_start3A_75 = arith.constant 0 : i32
          %dma_start3A_76 = tpu.memref_slice %arg11[%dma_start3A_74, %dma_start3A_75] : memref<32x125xi32, #tpu.memory_space<vmem>> -> memref<1x125xi32, #tpu.memory_space<vmem>>
          %dma_start3A_77 = tpu.memref_squeeze %dma_start3A_76 : memref<1x125xi32, #tpu.memory_space<vmem>> -> memref<125xi32, #tpu.memory_space<vmem>>
          %dma_start3A_78 = arith.constant 0 : i32
          %dma_start3A_79 = arith.constant 0 : i32
          %dma_start3A_80 = tpu.memref_slice %arg3[%dma_start3A_78, %dma_start3A_79] : memref<10000x128xf32, #tpu.memory_space<hbm>> -> memref<10000x128xf32, #tpu.memory_space<hbm>>
          tpu.enqueue_indirect_dma source(%dma_start3A_80 : memref<10000x128xf32, #tpu.memory_space<hbm>>) target(%arg13 : memref<125x128xf32, #tpu.memory_space<vmem>>) offsets(%dma_start3A_77 : memref<125xi32, #tpu.memory_space<vmem>>) semaphore(%arg16 : memref<!tpu.dma_semaphore, #tpu.memory_space<semaphore_mem>>)
          %scan3A_81 = arith.constant 0 : i32
          %scan3A_82 = arith.constant 0 : i32
          %scan3A_83 = arith.constant 16 : i32
          %scan3A_84 = arith.addi %scan3A_82, %scan3A_83 : i32
          %scan3A_85 = arith.constant 1 : i32
          %scan3A_86 = scf.for %scan3A_88 = %scan3A_82 to %scan3A_84 step %scan3A_85 iter_args(%scan3A_89 = %scan3A_81) -> (i32)  : i32 {
            %mul3A_90 = arith.constant 2 : i32
            %mul3A_91 = arith.muli %scan3A_88, %mul3A_90 : i32
            %add3A_92 = arith.constant 0 : i32
            %add3A_93 = arith.addi %mul3A_91, %add3A_92 : i32
            %add3A_94 = arith.constant 2 : i32
            %add3A_95 = arith.addi %add3A_93, %add3A_94 : i32
            %sub3A = arith.constant 1 : i32
            %sub3A_96 = arith.subi %add3A_95, %sub3A : i32
            %lt3A_97 = arith.constant 32 : i32
            %lt3A_98 = arith.cmpi slt, %sub3A_96, %lt3A_97 : i32
            %convert_element_type3A_99 = arith.extui %lt3A_98 : i1 to i32
            %cond3A_100 = arith.constant 0 : i32
            %cond3A_101 = arith.cmpi ne, %convert_element_type3A_99, %cond3A_100 : i32
            scf.if %cond3A_101 {
              %add3A_126 = arith.constant 2 : i32
              %add3A_127 = arith.addi %add3A_93, %add3A_126 : i32
              %sub3A_128 = arith.constant 1 : i32
              %sub3A_129 = arith.subi %add3A_127, %sub3A_128 : i32
              %dma_start3A_130 = arith.constant 0 : i32
              %dma_start3A_131 = tpu.memref_slice %arg11[%sub3A_129, %dma_start3A_130] : memref<32x125xi32, #tpu.memory_space<vmem>> -> memref<1x125xi32, #tpu.memory_space<vmem>>
              %dma_start3A_132 = tpu.memref_squeeze %dma_start3A_131 : memref<1x125xi32, #tpu.memory_space<vmem>> -> memref<125xi32, #tpu.memory_space<vmem>>
              %dma_start3A_133 = arith.constant 0 : i32
              %dma_start3A_134 = arith.constant 0 : i32
              %dma_start3A_135 = tpu.memref_slice %arg3[%dma_start3A_133, %dma_start3A_134] : memref<10000x128xf32, #tpu.memory_space<hbm>> -> memref<10000x128xf32, #tpu.memory_space<hbm>>
              tpu.enqueue_indirect_dma source(%dma_start3A_135 : memref<10000x128xf32, #tpu.memory_space<hbm>>) target(%arg14 : memref<125x128xf32, #tpu.memory_space<vmem>>) offsets(%dma_start3A_132 : memref<125xi32, #tpu.memory_space<vmem>>) semaphore(%arg17 : memref<!tpu.dma_semaphore, #tpu.memory_space<semaphore_mem>>)
            } else {
            }
            %dma_wait3A_102 = arith.constant 0 : i32
            %dma_wait3A_103 = tpu.memref_slice %arg11[%add3A_93, %dma_wait3A_102] : memref<32x125xi32, #tpu.memory_space<vmem>> -> memref<1x125xi32, #tpu.memory_space<vmem>>
            %dma_wait3A_104 = tpu.memref_squeeze %dma_wait3A_103 : memref<1x125xi32, #tpu.memory_space<vmem>> -> memref<125xi32, #tpu.memory_space<vmem>>
            %dma_wait3A_105 = arith.constant 0 : i32
            %dma_wait3A_106 = arith.constant 0 : i32
            %dma_wait3A_107 = tpu.memref_slice %arg3[%dma_wait3A_105, %dma_wait3A_106] : memref<10000x128xf32, #tpu.memory_space<hbm>> -> memref<10000x128xf32, #tpu.memory_space<hbm>>
            tpu.wait_indirect_dma semaphore(%arg16 : memref<!tpu.dma_semaphore, #tpu.memory_space<semaphore_mem>>) src(%dma_wait3A_107 : memref<10000x128xf32, #tpu.memory_space<hbm>>) dst(%arg13 : memref<125x128xf32, #tpu.memory_space<vmem>>)
            "tpu.region"() ({
              %run_scoped3A = tpu.sem_alloc : memref<!tpu.dma_semaphore, #tpu.memory_space<semaphore_mem>>
              %dma_start3A_126 = arith.constant 0 : i32
              %dma_start3A_127 = tpu.memref_slice %arg12[%add3A_93, %dma_start3A_126] : memref<32x125xi32, #tpu.memory_space<vmem>> -> memref<1x125xi32, #tpu.memory_space<vmem>>
              %dma_start3A_128 = tpu.memref_squeeze %dma_start3A_127 : memref<1x125xi32, #tpu.memory_space<vmem>> -> memref<125xi32, #tpu.memory_space<vmem>>
              %dma_start3A_129 = arith.constant 0 : i32
              %dma_start3A_130 = arith.constant 0 : i32
              %dma_start3A_131 = tpu.memref_slice %arg15[%dma_start3A_129, %dma_start3A_130] : memref<10000x128xf32, #tpu.memory_space<vmem_shared>> -> memref<10000x128xf32, #tpu.memory_space<vmem_shared>>
              tpu.enqueue_indirect_dma source(%arg13 : memref<125x128xf32, #tpu.memory_space<vmem>>) target(%dma_start3A_131 : memref<10000x128xf32, #tpu.memory_space<vmem_shared>>) offsets(%dma_start3A_128 : memref<125xi32, #tpu.memory_space<vmem>>) semaphore(%run_scoped3A : memref<!tpu.dma_semaphore, #tpu.memory_space<semaphore_mem>>) {add = true}
              %dma_wait3A_132 = arith.constant 0 : i32
              %dma_wait3A_133 = tpu.memref_slice %arg12[%add3A_93, %dma_wait3A_132] : memref<32x125xi32, #tpu.memory_space<vmem>> -> memref<1x125xi32, #tpu.memory_space<vmem>>
              %dma_wait3A_134 = tpu.memref_squeeze %dma_wait3A_133 : memref<1x125xi32, #tpu.memory_space<vmem>> -> memref<125xi32, #tpu.memory_space<vmem>>
              %dma_wait3A_135 = arith.constant 0 : i32
              %dma_wait3A_136 = arith.constant 0 : i32
              %dma_wait3A_137 = tpu.memref_slice %arg15[%dma_wait3A_135, %dma_wait3A_136] : memref<10000x128xf32, #tpu.memory_space<vmem_shared>> -> memref<10000x128xf32, #tpu.memory_space<vmem_shared>>
              tpu.wait_indirect_dma semaphore(%run_scoped3A : memref<!tpu.dma_semaphore, #tpu.memory_space<semaphore_mem>>) src(%arg13 : memref<125x128xf32, #tpu.memory_space<vmem>>) dst(%dma_wait3A_137 : memref<10000x128xf32, #tpu.memory_space<vmem_shared>>)
              tpu.yield
            }) : () -> ()
            %add3A_108 = arith.constant 1 : i32
            %add3A_109 = arith.addi %mul3A_91, %add3A_108 : i32
            %add3A_110 = arith.constant 2 : i32
            %add3A_111 = arith.addi %add3A_109, %add3A_110 : i32
            %sub3A_112 = arith.constant 1 : i32
            %sub3A_113 = arith.subi %add3A_111, %sub3A_112 : i32
            %lt3A_114 = arith.constant 32 : i32
            %lt3A_115 = arith.cmpi slt, %sub3A_113, %lt3A_114 : i32
            %convert_element_type3A_116 = arith.extui %lt3A_115 : i1 to i32
            %cond3A_117 = arith.constant 0 : i32
            %cond3A_118 = arith.cmpi ne, %convert_element_type3A_116, %cond3A_117 : i32
            scf.if %cond3A_118 {
              %add3A_126 = arith.constant 2 : i32
              %add3A_127 = arith.addi %add3A_109, %add3A_126 : i32
              %sub3A_128 = arith.constant 1 : i32
              %sub3A_129 = arith.subi %add3A_127, %sub3A_128 : i32
              %dma_start3A_130 = arith.constant 0 : i32
              %dma_start3A_131 = tpu.memref_slice %arg11[%sub3A_129, %dma_start3A_130] : memref<32x125xi32, #tpu.memory_space<vmem>> -> memref<1x125xi32, #tpu.memory_space<vmem>>
              %dma_start3A_132 = tpu.memref_squeeze %dma_start3A_131 : memref<1x125xi32, #tpu.memory_space<vmem>> -> memref<125xi32, #tpu.memory_space<vmem>>
              %dma_start3A_133 = arith.constant 0 : i32
              %dma_start3A_134 = arith.constant 0 : i32
              %dma_start3A_135 = tpu.memref_slice %arg3[%dma_start3A_133, %dma_start3A_134] : memref<10000x128xf32, #tpu.memory_space<hbm>> -> memref<10000x128xf32, #tpu.memory_space<hbm>>
              tpu.enqueue_indirect_dma source(%dma_start3A_135 : memref<10000x128xf32, #tpu.memory_space<hbm>>) target(%arg13 : memref<125x128xf32, #tpu.memory_space<vmem>>) offsets(%dma_start3A_132 : memref<125xi32, #tpu.memory_space<vmem>>) semaphore(%arg16 : memref<!tpu.dma_semaphore, #tpu.memory_space<semaphore_mem>>)
            } else {
            }
            %dma_wait3A_119 = arith.constant 0 : i32
            %dma_wait3A_120 = tpu.memref_slice %arg11[%add3A_109, %dma_wait3A_119] : memref<32x125xi32, #tpu.memory_space<vmem>> -> memref<1x125xi32, #tpu.memory_space<vmem>>
            %dma_wait3A_121 = tpu.memref_squeeze %dma_wait3A_120 : memref<1x125xi32, #tpu.memory_space<vmem>> -> memref<125xi32, #tpu.memory_space<vmem>>
            %dma_wait3A_122 = arith.constant 0 : i32
            %dma_wait3A_123 = arith.constant 0 : i32
            %dma_wait3A_124 = tpu.memref_slice %arg3[%dma_wait3A_122, %dma_wait3A_123] : memref<10000x128xf32, #tpu.memory_space<hbm>> -> memref<10000x128xf32, #tpu.memory_space<hbm>>
            tpu.wait_indirect_dma semaphore(%arg17 : memref<!tpu.dma_semaphore, #tpu.memory_space<semaphore_mem>>) src(%dma_wait3A_124 : memref<10000x128xf32, #tpu.memory_space<hbm>>) dst(%arg14 : memref<125x128xf32, #tpu.memory_space<vmem>>)
            "tpu.region"() ({
              %run_scoped3A = tpu.sem_alloc : memref<!tpu.dma_semaphore, #tpu.memory_space<semaphore_mem>>
              %dma_start3A_126 = arith.constant 0 : i32
              %dma_start3A_127 = tpu.memref_slice %arg12[%add3A_109, %dma_start3A_126] : memref<32x125xi32, #tpu.memory_space<vmem>> -> memref<1x125xi32, #tpu.memory_space<vmem>>
              %dma_start3A_128 = tpu.memref_squeeze %dma_start3A_127 : memref<1x125xi32, #tpu.memory_space<vmem>> -> memref<125xi32, #tpu.memory_space<vmem>>
              %dma_start3A_129 = arith.constant 0 : i32
              %dma_start3A_130 = arith.constant 0 : i32
              %dma_start3A_131 = tpu.memref_slice %arg15[%dma_start3A_129, %dma_start3A_130] : memref<10000x128xf32, #tpu.memory_space<vmem_shared>> -> memref<10000x128xf32, #tpu.memory_space<vmem_shared>>
              tpu.enqueue_indirect_dma source(%arg14 : memref<125x128xf32, #tpu.memory_space<vmem>>) target(%dma_start3A_131 : memref<10000x128xf32, #tpu.memory_space<vmem_shared>>) offsets(%dma_start3A_128 : memref<125xi32, #tpu.memory_space<vmem>>) semaphore(%run_scoped3A : memref<!tpu.dma_semaphore, #tpu.memory_space<semaphore_mem>>) {add = true}
              %dma_wait3A_132 = arith.constant 0 : i32
              %dma_wait3A_133 = tpu.memref_slice %arg12[%add3A_109, %dma_wait3A_132] : memref<32x125xi32, #tpu.memory_space<vmem>> -> memref<1x125xi32, #tpu.memory_space<vmem>>
              %dma_wait3A_134 = tpu.memref_squeeze %dma_wait3A_133 : memref<1x125xi32, #tpu.memory_space<vmem>> -> memref<125xi32, #tpu.memory_space<vmem>>
              %dma_wait3A_135 = arith.constant 0 : i32
              %dma_wait3A_136 = arith.constant 0 : i32
              %dma_wait3A_137 = tpu.memref_slice %arg15[%dma_wait3A_135, %dma_wait3A_136] : memref<10000x128xf32, #tpu.memory_space<vmem_shared>> -> memref<10000x128xf32, #tpu.memory_space<vmem_shared>>
              tpu.wait_indirect_dma semaphore(%run_scoped3A : memref<!tpu.dma_semaphore, #tpu.memory_space<semaphore_mem>>) src(%arg14 : memref<125x128xf32, #tpu.memory_space<vmem>>) dst(%dma_wait3A_137 : memref<10000x128xf32, #tpu.memory_space<vmem_shared>>)
              tpu.yield
            }) : () -> ()
            %scan3A_125 = arith.constant 0 : i32
            scf.yield %scan3A_125 : i32
          }
          %scan3A_87 = arith.constant 16 : i32
        } else {
        }
        %scan3A_55 = arith.constant 0 : i32
        scf.yield %scan3A_55 : i32
      }
      %scan3A_39 = arith.constant 5 : i32
    } else {
    }
    %barrier3A = arith.constant 0 : index
    tpu.barrier barrier_id(%barrier3A)
    %eq3A_7 = arith.constant 0 : i32
    %eq3A_8 = arith.cmpi eq, %arg0, %eq3A_7 : i32
    %convert_element_type3A_9 = arith.extui %eq3A_8 : i1 to i32
    %cond3A_10 = arith.constant 0 : i32
    %cond3A_11 = arith.cmpi ne, %convert_element_type3A_9, %cond3A_10 : i32
    scf.if %cond3A_11 {
      %scan3A = arith.constant 0 : i32
      %scan3A_17 = arith.constant 0 : i32
      %scan3A_18 = arith.constant 8 : i32
      %scan3A_19 = arith.addi %scan3A_17, %scan3A_18 : i32
      %scan3A_20 = arith.constant 1 : i32
      %scan3A_21 = scf.for %scan3A_23 = %scan3A_17 to %scan3A_19 step %scan3A_20 iter_args(%scan3A_24 = %scan3A) -> (i32)  : i32 {
        %mul3A = arith.constant 16 : i32
        %mul3A_25 = arith.muli %scan3A_23, %mul3A : i32
        %add3A = arith.addi %arg1, %mul3A_25 : i32
        %lt3A = arith.constant 125 : i32
        %lt3A_26 = arith.cmpi slt, %add3A, %lt3A : i32
        %convert_element_type3A_27 = arith.extui %lt3A_26 : i1 to i32
        %cond3A_28 = arith.constant 0 : i32
        %cond3A_29 = arith.cmpi ne, %convert_element_type3A_27, %cond3A_28 : i32
        scf.if %cond3A_29 {
          %mul3A_31 = arith.constant 80 : i32
          %mul3A_32 = arith.muli %add3A, %mul3A_31 : i32
          "tpu.region"() ({
            %run_scoped3A = tpu.sem_alloc : memref<!tpu.dma_semaphore, #tpu.memory_space<semaphore_mem>>
            %dma_start3A = arith.constant 0 : i32
            %dma_start3A_33 = arith.constant 0 : i32
            %dma_start3A_34 = tpu.memref_slice %arg14[%dma_start3A, %dma_start3A_33] : memref<125x128xf32, #tpu.memory_space<vmem>> -> memref<80x128xf32, #tpu.memory_space<vmem>>
            %dma_start3A_35 = arith.constant 0 : i32
            %dma_start3A_36 = tpu.memref_slice %arg15[%mul3A_32, %dma_start3A_35] : memref<10000x128xf32, #tpu.memory_space<vmem_shared>> -> memref<80x128xf32, #tpu.memory_space<vmem_shared>>
            %dma_start3A_37 = arith.constant 0 : i32
            %dma_start3A_38 = arith.constant 0 : i32
            %dma_start3A_39 = tpu.memref_slice %arg14[%dma_start3A_37, %dma_start3A_38] : memref<125x128xf32, #tpu.memory_space<vmem>> -> memref<80x128xf32, #tpu.memory_space<vmem>>
            %dma_start3A_40 = arith.constant 0 : i32
            %dma_start3A_41 = tpu.memref_slice %arg15[%mul3A_32, %dma_start3A_40] : memref<10000x128xf32, #tpu.memory_space<vmem_shared>> -> memref<80x128xf32, #tpu.memory_space<vmem_shared>>
            tpu.enqueue_dma source(%dma_start3A_41 : memref<80x128xf32, #tpu.memory_space<vmem_shared>>) target(%dma_start3A_39 : memref<80x128xf32, #tpu.memory_space<vmem>>) target_semaphore(%run_scoped3A : memref<!tpu.dma_semaphore, #tpu.memory_space<semaphore_mem>>)
            %dma_wait3A = arith.constant 0 : i32
            %dma_wait3A_42 = arith.constant 0 : i32
            %dma_wait3A_43 = tpu.memref_slice %arg14[%dma_wait3A, %dma_wait3A_42] : memref<125x128xf32, #tpu.memory_space<vmem>> -> memref<80x128xf32, #tpu.memory_space<vmem>>
            %dma_wait3A_44 = arith.constant 0 : i32
            %dma_wait3A_45 = tpu.memref_slice %arg15[%mul3A_32, %dma_wait3A_44] : memref<10000x128xf32, #tpu.memory_space<vmem_shared>> -> memref<80x128xf32, #tpu.memory_space<vmem_shared>>
            %dma_wait3A_46 = arith.constant 0 : i32
            %dma_wait3A_47 = arith.constant 0 : i32
            %dma_wait3A_48 = tpu.memref_slice %arg14[%dma_wait3A_46, %dma_wait3A_47] : memref<125x128xf32, #tpu.memory_space<vmem>> -> memref<80x128xf32, #tpu.memory_space<vmem>>
            %dma_wait3A_49 = arith.constant 0 : i32
            %dma_wait3A_50 = tpu.memref_slice %arg15[%mul3A_32, %dma_wait3A_49] : memref<10000x128xf32, #tpu.memory_space<vmem_shared>> -> memref<80x128xf32, #tpu.memory_space<vmem_shared>>
            tpu.wait_dma2 semaphore(%run_scoped3A : memref<!tpu.dma_semaphore, #tpu.memory_space<semaphore_mem>>) src(%dma_wait3A_50 : memref<80x128xf32, #tpu.memory_space<vmem_shared>>) dst(%dma_wait3A_48 : memref<80x128xf32, #tpu.memory_space<vmem>>)
            tpu.yield
          }) : () -> ()
          "tpu.region"() ({
            %run_scoped3A = tpu.sem_alloc : memref<!tpu.dma_semaphore, #tpu.memory_space<semaphore_mem>>
            %dma_start3A = arith.constant 0 : i32
            %dma_start3A_33 = arith.constant 0 : i32
            %dma_start3A_34 = tpu.memref_slice %arg14[%dma_start3A, %dma_start3A_33] : memref<125x128xf32, #tpu.memory_space<vmem>> -> memref<80x128xf32, #tpu.memory_space<vmem>>
            %dma_start3A_35 = arith.constant 0 : i32
            %dma_start3A_36 = tpu.memref_slice %arg7[%mul3A_32, %dma_start3A_35] : memref<10000x128xf32, #tpu.memory_space<hbm>> -> memref<80x128xf32, #tpu.memory_space<hbm>>
            %dma_start3A_37 = arith.constant 0 : i32
            %dma_start3A_38 = tpu.memref_slice %arg7[%mul3A_32, %dma_start3A_37] : memref<10000x128xf32, #tpu.memory_space<hbm>> -> memref<80x128xf32, #tpu.memory_space<hbm>>
            %dma_start3A_39 = arith.constant 0 : i32
            %dma_start3A_40 = arith.constant 0 : i32
            %dma_start3A_41 = tpu.memref_slice %arg14[%dma_start3A_39, %dma_start3A_40] : memref<125x128xf32, #tpu.memory_space<vmem>> -> memref<80x128xf32, #tpu.memory_space<vmem>>
            tpu.enqueue_dma source(%dma_start3A_41 : memref<80x128xf32, #tpu.memory_space<vmem>>) target(%dma_start3A_38 : memref<80x128xf32, #tpu.memory_space<hbm>>) target_semaphore(%run_scoped3A : memref<!tpu.dma_semaphore, #tpu.memory_space<semaphore_mem>>)
            %dma_wait3A = arith.constant 0 : i32
            %dma_wait3A_42 = arith.constant 0 : i32
            %dma_wait3A_43 = tpu.memref_slice %arg14[%dma_wait3A, %dma_wait3A_42] : memref<125x128xf32, #tpu.memory_space<vmem>> -> memref<80x128xf32, #tpu.memory_space<vmem>>
            %dma_wait3A_44 = arith.constant 0 : i32
            %dma_wait3A_45 = tpu.memref_slice %arg7[%mul3A_32, %dma_wait3A_44] : memref<10000x128xf32, #tpu.memory_space<hbm>> -> memref<80x128xf32, #tpu.memory_space<hbm>>
            %dma_wait3A_46 = arith.constant 0 : i32
            %dma_wait3A_47 = tpu.memref_slice %arg7[%mul3A_32, %dma_wait3A_46] : memref<10000x128xf32, #tpu.memory_space<hbm>> -> memref<80x128xf32, #tpu.memory_space<hbm>>
            %dma_wait3A_48 = arith.constant 0 : i32
            %dma_wait3A_49 = arith.constant 0 : i32
            %dma_wait3A_50 = tpu.memref_slice %arg14[%dma_wait3A_48, %dma_wait3A_49] : memref<125x128xf32, #tpu.memory_space<vmem>> -> memref<80x128xf32, #tpu.memory_space<vmem>>
            tpu.wait_dma2 semaphore(%run_scoped3A : memref<!tpu.dma_semaphore, #tpu.memory_space<semaphore_mem>>) src(%dma_wait3A_50 : memref<80x128xf32, #tpu.memory_space<vmem>>) dst(%dma_wait3A_47 : memref<80x128xf32, #tpu.memory_space<hbm>>)
            tpu.yield
          }) : () -> ()
        } else {
        }
        %scan3A_30 = arith.constant 0 : i32
        scf.yield %scan3A_30 : i32
      }
      %scan3A_22 = arith.constant 8 : i32
    } else {
    }
    %eq3A_12 = arith.constant 1 : i32
    %eq3A_13 = arith.cmpi eq, %arg0, %eq3A_12 : i32
    %convert_element_type3A_14 = arith.extui %eq3A_13 : i1 to i32
    %cond3A_15 = arith.constant 0 : i32
    %cond3A_16 = arith.cmpi ne, %convert_element_type3A_14, %cond3A_15 : i32
    scf.if %cond3A_16 {
      %scan3A = arith.constant 0 : i32
      %scan3A_17 = arith.constant 0 : i32
      %scan3A_18 = arith.constant 8 : i32
      %scan3A_19 = arith.addi %scan3A_17, %scan3A_18 : i32
      %scan3A_20 = arith.constant 1 : i32
      %scan3A_21 = scf.for %scan3A_23 = %scan3A_17 to %scan3A_19 step %scan3A_20 iter_args(%scan3A_24 = %scan3A) -> (i32)  : i32 {
        %mul3A = arith.constant 16 : i32
        %mul3A_25 = arith.muli %scan3A_23, %mul3A : i32
        %add3A = arith.addi %arg1, %mul3A_25 : i32
        %lt3A = arith.constant 125 : i32
        %lt3A_26 = arith.cmpi slt, %add3A, %lt3A : i32
        %convert_element_type3A_27 = arith.extui %lt3A_26 : i1 to i32
        %cond3A_28 = arith.constant 0 : i32
        %cond3A_29 = arith.cmpi ne, %convert_element_type3A_27, %cond3A_28 : i32
        scf.if %cond3A_29 {
          %mul3A_31 = arith.constant 80 : i32
          %mul3A_32 = arith.muli %add3A, %mul3A_31 : i32
          "tpu.region"() ({
            %run_scoped3A = tpu.sem_alloc : memref<!tpu.dma_semaphore, #tpu.memory_space<semaphore_mem>>
            %dma_start3A = arith.constant 0 : i32
            %dma_start3A_33 = arith.constant 0 : i32
            %dma_start3A_34 = tpu.memref_slice %arg14[%dma_start3A, %dma_start3A_33] : memref<125x128xf32, #tpu.memory_space<vmem>> -> memref<80x128xf32, #tpu.memory_space<vmem>>
            %dma_start3A_35 = arith.constant 0 : i32
            %dma_start3A_36 = tpu.memref_slice %arg15[%mul3A_32, %dma_start3A_35] : memref<10000x128xf32, #tpu.memory_space<vmem_shared>> -> memref<80x128xf32, #tpu.memory_space<vmem_shared>>
            %dma_start3A_37 = arith.constant 0 : i32
            %dma_start3A_38 = arith.constant 0 : i32
            %dma_start3A_39 = tpu.memref_slice %arg14[%dma_start3A_37, %dma_start3A_38] : memref<125x128xf32, #tpu.memory_space<vmem>> -> memref<80x128xf32, #tpu.memory_space<vmem>>
            %dma_start3A_40 = arith.constant 0 : i32
            %dma_start3A_41 = tpu.memref_slice %arg15[%mul3A_32, %dma_start3A_40] : memref<10000x128xf32, #tpu.memory_space<vmem_shared>> -> memref<80x128xf32, #tpu.memory_space<vmem_shared>>
            tpu.enqueue_dma source(%dma_start3A_41 : memref<80x128xf32, #tpu.memory_space<vmem_shared>>) target(%dma_start3A_39 : memref<80x128xf32, #tpu.memory_space<vmem>>) target_semaphore(%run_scoped3A : memref<!tpu.dma_semaphore, #tpu.memory_space<semaphore_mem>>)
            %dma_wait3A = arith.constant 0 : i32
            %dma_wait3A_42 = arith.constant 0 : i32
            %dma_wait3A_43 = tpu.memref_slice %arg14[%dma_wait3A, %dma_wait3A_42] : memref<125x128xf32, #tpu.memory_space<vmem>> -> memref<80x128xf32, #tpu.memory_space<vmem>>
            %dma_wait3A_44 = arith.constant 0 : i32
            %dma_wait3A_45 = tpu.memref_slice %arg15[%mul3A_32, %dma_wait3A_44] : memref<10000x128xf32, #tpu.memory_space<vmem_shared>> -> memref<80x128xf32, #tpu.memory_space<vmem_shared>>
            %dma_wait3A_46 = arith.constant 0 : i32
            %dma_wait3A_47 = arith.constant 0 : i32
            %dma_wait3A_48 = tpu.memref_slice %arg14[%dma_wait3A_46, %dma_wait3A_47] : memref<125x128xf32, #tpu.memory_space<vmem>> -> memref<80x128xf32, #tpu.memory_space<vmem>>
            %dma_wait3A_49 = arith.constant 0 : i32
            %dma_wait3A_50 = tpu.memref_slice %arg15[%mul3A_32, %dma_wait3A_49] : memref<10000x128xf32, #tpu.memory_space<vmem_shared>> -> memref<80x128xf32, #tpu.memory_space<vmem_shared>>
            tpu.wait_dma2 semaphore(%run_scoped3A : memref<!tpu.dma_semaphore, #tpu.memory_space<semaphore_mem>>) src(%dma_wait3A_50 : memref<80x128xf32, #tpu.memory_space<vmem_shared>>) dst(%dma_wait3A_48 : memref<80x128xf32, #tpu.memory_space<vmem>>)
            tpu.yield
          }) : () -> ()
          "tpu.region"() ({
            %run_scoped3A = tpu.sem_alloc : memref<!tpu.dma_semaphore, #tpu.memory_space<semaphore_mem>>
            %dma_start3A = arith.constant 0 : i32
            %dma_start3A_33 = arith.constant 0 : i32
            %dma_start3A_34 = tpu.memref_slice %arg14[%dma_start3A, %dma_start3A_33] : memref<125x128xf32, #tpu.memory_space<vmem>> -> memref<80x128xf32, #tpu.memory_space<vmem>>
            %dma_start3A_35 = arith.constant 0 : i32
            %dma_start3A_36 = tpu.memref_slice %arg8[%mul3A_32, %dma_start3A_35] : memref<10000x128xf32, #tpu.memory_space<hbm>> -> memref<80x128xf32, #tpu.memory_space<hbm>>
            %dma_start3A_37 = arith.constant 0 : i32
            %dma_start3A_38 = tpu.memref_slice %arg8[%mul3A_32, %dma_start3A_37] : memref<10000x128xf32, #tpu.memory_space<hbm>> -> memref<80x128xf32, #tpu.memory_space<hbm>>
            %dma_start3A_39 = arith.constant 0 : i32
            %dma_start3A_40 = arith.constant 0 : i32
            %dma_start3A_41 = tpu.memref_slice %arg14[%dma_start3A_39, %dma_start3A_40] : memref<125x128xf32, #tpu.memory_space<vmem>> -> memref<80x128xf32, #tpu.memory_space<vmem>>
            tpu.enqueue_dma source(%dma_start3A_41 : memref<80x128xf32, #tpu.memory_space<vmem>>) target(%dma_start3A_38 : memref<80x128xf32, #tpu.memory_space<hbm>>) target_semaphore(%run_scoped3A : memref<!tpu.dma_semaphore, #tpu.memory_space<semaphore_mem>>)
            %dma_wait3A = arith.constant 0 : i32
            %dma_wait3A_42 = arith.constant 0 : i32
            %dma_wait3A_43 = tpu.memref_slice %arg14[%dma_wait3A, %dma_wait3A_42] : memref<125x128xf32, #tpu.memory_space<vmem>> -> memref<80x128xf32, #tpu.memory_space<vmem>>
            %dma_wait3A_44 = arith.constant 0 : i32
            %dma_wait3A_45 = tpu.memref_slice %arg8[%mul3A_32, %dma_wait3A_44] : memref<10000x128xf32, #tpu.memory_space<hbm>> -> memref<80x128xf32, #tpu.memory_space<hbm>>
            %dma_wait3A_46 = arith.constant 0 : i32
            %dma_wait3A_47 = tpu.memref_slice %arg8[%mul3A_32, %dma_wait3A_46] : memref<10000x128xf32, #tpu.memory_space<hbm>> -> memref<80x128xf32, #tpu.memory_space<hbm>>
            %dma_wait3A_48 = arith.constant 0 : i32
            %dma_wait3A_49 = arith.constant 0 : i32
            %dma_wait3A_50 = tpu.memref_slice %arg14[%dma_wait3A_48, %dma_wait3A_49] : memref<125x128xf32, #tpu.memory_space<vmem>> -> memref<80x128xf32, #tpu.memory_space<vmem>>
            tpu.wait_dma2 semaphore(%run_scoped3A : memref<!tpu.dma_semaphore, #tpu.memory_space<semaphore_mem>>) src(%dma_wait3A_50 : memref<80x128xf32, #tpu.memory_space<vmem>>) dst(%dma_wait3A_47 : memref<80x128xf32, #tpu.memory_space<hbm>>)
            tpu.yield
          }) : () -> ()
        } else {
        }
        %scan3A_30 = arith.constant 0 : i32
        scf.yield %scan3A_30 : i32
      }
      %scan3A_22 = arith.constant 8 : i32
    } else {
    }
    return
  }
}

#map = affine_map<(d0, d1) -> (0, 0)>
#map1 = affine_map<(d0, d1) -> (0)>
module attributes {stable_mosaic.version = 14 : i64} {
  func.func @_edge_gather_sc(%arg0: i32, %arg1: i32, %arg2: memref<10000x256xf32, #tpu.memory_space<hbm>>, %arg3: memref<320000xi32, #tpu.memory_space<hbm>>, %arg4: memref<320000x256xf32, #tpu.memory_space<hbm>>, %arg5: memref<10000xi32, #tpu.memory_space<vmem>>, %arg6: memref<80x256xf32, #tpu.memory_space<vmem>>, %arg7: memref<80x256xf32, #tpu.memory_space<vmem>>, %arg8: memref<80x256xf32, #tpu.memory_space<vmem>>, %arg9: memref<80x256xf32, #tpu.memory_space<vmem>>, %arg10: memref<80x256xf32, #tpu.memory_space<vmem>>, %arg11: memref<!tpu.dma_semaphore, #tpu.memory_space<semaphore_mem>>, %arg12: memref<!tpu.dma_semaphore, #tpu.memory_space<semaphore_mem>>, %arg13: memref<!tpu.dma_semaphore, #tpu.memory_space<semaphore_mem>>, %arg14: memref<!tpu.dma_semaphore, #tpu.memory_space<semaphore_mem>>, %arg15: memref<!tpu.dma_semaphore, #tpu.memory_space<semaphore_mem>>) attributes {dimension_semantics = [#tpu.dimension_semantics<core_parallel>, #tpu.dimension_semantics<subcore_parallel>], iteration_bounds = array<i64: 2, 16>, scalar_prefetch = 0 : i64, scratch_operands = 11 : i64, tpu.core_type = #tpu.core_type<sc_vector_subcore>, window_params = [{transform_indices = #map}, {transform_indices = #map1}, {transform_indices = #map}]} {
    %mul3A = arith.constant 2 : i32
    %mul3A_0 = arith.muli %arg1, %mul3A : i32
    %add3A = arith.addi %mul3A_0, %arg0 : i32
    %mul3A_1 = arith.constant 10000 : i32
    %mul3A_2 = arith.muli %add3A, %mul3A_1 : i32
    "tpu.region"() ({
      %run_scoped3A = tpu.sem_alloc : memref<!tpu.dma_semaphore, #tpu.memory_space<semaphore_mem>>
      %dma_start3A_28 = tpu.memref_slice %arg3[%mul3A_2] : memref<320000xi32, #tpu.memory_space<hbm>> -> memref<10000xi32, #tpu.memory_space<hbm>>
      %dma_start3A_29 = tpu.memref_slice %arg3[%mul3A_2] : memref<320000xi32, #tpu.memory_space<hbm>> -> memref<10000xi32, #tpu.memory_space<hbm>>
      tpu.enqueue_dma source(%dma_start3A_29 : memref<10000xi32, #tpu.memory_space<hbm>>) target(%arg5 : memref<10000xi32, #tpu.memory_space<vmem>>) target_semaphore(%run_scoped3A : memref<!tpu.dma_semaphore, #tpu.memory_space<semaphore_mem>>)
      %dma_wait3A = tpu.memref_slice %arg3[%mul3A_2] : memref<320000xi32, #tpu.memory_space<hbm>> -> memref<10000xi32, #tpu.memory_space<hbm>>
      %dma_wait3A_30 = tpu.memref_slice %arg3[%mul3A_2] : memref<320000xi32, #tpu.memory_space<hbm>> -> memref<10000xi32, #tpu.memory_space<hbm>>
      tpu.wait_dma2 semaphore(%run_scoped3A : memref<!tpu.dma_semaphore, #tpu.memory_space<semaphore_mem>>) src(%dma_wait3A_30 : memref<10000xi32, #tpu.memory_space<hbm>>) dst(%arg5 : memref<10000xi32, #tpu.memory_space<vmem>>)
      tpu.yield
    }) : () -> ()
    %dma_start3A = arith.constant 0 : i32
    %dma_start3A_3 = tpu.memref_slice %arg5[%dma_start3A] : memref<10000xi32, #tpu.memory_space<vmem>> -> memref<80xi32, #tpu.memory_space<vmem>>
    %dma_start3A_4 = arith.constant 0 : i32
    %dma_start3A_5 = arith.constant 0 : i32
    %dma_start3A_6 = tpu.memref_slice %arg2[%dma_start3A_4, %dma_start3A_5] : memref<10000x256xf32, #tpu.memory_space<hbm>> -> memref<10000x256xf32, #tpu.memory_space<hbm>>
    tpu.enqueue_indirect_dma source(%dma_start3A_6 : memref<10000x256xf32, #tpu.memory_space<hbm>>) target(%arg6 : memref<80x256xf32, #tpu.memory_space<vmem>>) offsets(%dma_start3A_3 : memref<80xi32, #tpu.memory_space<vmem>>) semaphore(%arg11 : memref<!tpu.dma_semaphore, #tpu.memory_space<semaphore_mem>>)
    %dma_start3A_7 = arith.constant 80 : i32
    %dma_start3A_8 = tpu.memref_slice %arg5[%dma_start3A_7] : memref<10000xi32, #tpu.memory_space<vmem>> -> memref<80xi32, #tpu.memory_space<vmem>>
    %dma_start3A_9 = arith.constant 0 : i32
    %dma_start3A_10 = arith.constant 0 : i32
    %dma_start3A_11 = tpu.memref_slice %arg2[%dma_start3A_9, %dma_start3A_10] : memref<10000x256xf32, #tpu.memory_space<hbm>> -> memref<10000x256xf32, #tpu.memory_space<hbm>>
    tpu.enqueue_indirect_dma source(%dma_start3A_11 : memref<10000x256xf32, #tpu.memory_space<hbm>>) target(%arg7 : memref<80x256xf32, #tpu.memory_space<vmem>>) offsets(%dma_start3A_8 : memref<80xi32, #tpu.memory_space<vmem>>) semaphore(%arg12 : memref<!tpu.dma_semaphore, #tpu.memory_space<semaphore_mem>>)
    %dma_start3A_12 = arith.constant 160 : i32
    %dma_start3A_13 = tpu.memref_slice %arg5[%dma_start3A_12] : memref<10000xi32, #tpu.memory_space<vmem>> -> memref<80xi32, #tpu.memory_space<vmem>>
    %dma_start3A_14 = arith.constant 0 : i32
    %dma_start3A_15 = arith.constant 0 : i32
    %dma_start3A_16 = tpu.memref_slice %arg2[%dma_start3A_14, %dma_start3A_15] : memref<10000x256xf32, #tpu.memory_space<hbm>> -> memref<10000x256xf32, #tpu.memory_space<hbm>>
    tpu.enqueue_indirect_dma source(%dma_start3A_16 : memref<10000x256xf32, #tpu.memory_space<hbm>>) target(%arg8 : memref<80x256xf32, #tpu.memory_space<vmem>>) offsets(%dma_start3A_13 : memref<80xi32, #tpu.memory_space<vmem>>) semaphore(%arg13 : memref<!tpu.dma_semaphore, #tpu.memory_space<semaphore_mem>>)
    %dma_start3A_17 = arith.constant 240 : i32
    %dma_start3A_18 = tpu.memref_slice %arg5[%dma_start3A_17] : memref<10000xi32, #tpu.memory_space<vmem>> -> memref<80xi32, #tpu.memory_space<vmem>>
    %dma_start3A_19 = arith.constant 0 : i32
    %dma_start3A_20 = arith.constant 0 : i32
    %dma_start3A_21 = tpu.memref_slice %arg2[%dma_start3A_19, %dma_start3A_20] : memref<10000x256xf32, #tpu.memory_space<hbm>> -> memref<10000x256xf32, #tpu.memory_space<hbm>>
    tpu.enqueue_indirect_dma source(%dma_start3A_21 : memref<10000x256xf32, #tpu.memory_space<hbm>>) target(%arg9 : memref<80x256xf32, #tpu.memory_space<vmem>>) offsets(%dma_start3A_18 : memref<80xi32, #tpu.memory_space<vmem>>) semaphore(%arg14 : memref<!tpu.dma_semaphore, #tpu.memory_space<semaphore_mem>>)
    %scan3A = arith.constant 0 : i32
    %scan3A_22 = arith.constant 0 : i32
    %scan3A_23 = arith.constant 25 : i32
    %scan3A_24 = arith.addi %scan3A_22, %scan3A_23 : i32
    %scan3A_25 = arith.constant 1 : i32
    %scan3A_26 = scf.for %scan3A_28 = %scan3A_22 to %scan3A_24 step %scan3A_25 iter_args(%scan3A_29 = %scan3A) -> (i32)  : i32 {
      %mul3A_30 = arith.constant 5 : i32
      %mul3A_31 = arith.muli %scan3A_28, %mul3A_30 : i32
      %add3A_32 = arith.constant 0 : i32
      %add3A_33 = arith.addi %mul3A_31, %add3A_32 : i32
      %add3A_34 = arith.constant 5 : i32
      %add3A_35 = arith.addi %add3A_33, %add3A_34 : i32
      %sub3A = arith.constant 1 : i32
      %sub3A_36 = arith.subi %add3A_35, %sub3A : i32
      %lt3A = arith.constant 125 : i32
      %lt3A_37 = arith.cmpi slt, %sub3A_36, %lt3A : i32
      %convert_element_type3A = arith.extui %lt3A_37 : i1 to i32
      %cond3A = arith.constant 0 : i32
      %cond3A_38 = arith.cmpi ne, %convert_element_type3A, %cond3A : i32
      scf.if %cond3A_38 {
        %add3A_128 = arith.constant 5 : i32
        %add3A_129 = arith.addi %add3A_33, %add3A_128 : i32
        %sub3A_130 = arith.constant 1 : i32
        %sub3A_131 = arith.subi %add3A_129, %sub3A_130 : i32
        %mul3A_132 = arith.constant 80 : i32
        %mul3A_133 = arith.muli %sub3A_131, %mul3A_132 : i32
        %dma_start3A_134 = tpu.memref_slice %arg5[%mul3A_133] : memref<10000xi32, #tpu.memory_space<vmem>> -> memref<80xi32, #tpu.memory_space<vmem>>
        %dma_start3A_135 = arith.constant 0 : i32
        %dma_start3A_136 = arith.constant 0 : i32
        %dma_start3A_137 = tpu.memref_slice %arg2[%dma_start3A_135, %dma_start3A_136] : memref<10000x256xf32, #tpu.memory_space<hbm>> -> memref<10000x256xf32, #tpu.memory_space<hbm>>
        tpu.enqueue_indirect_dma source(%dma_start3A_137 : memref<10000x256xf32, #tpu.memory_space<hbm>>) target(%arg10 : memref<80x256xf32, #tpu.memory_space<vmem>>) offsets(%dma_start3A_134 : memref<80xi32, #tpu.memory_space<vmem>>) semaphore(%arg15 : memref<!tpu.dma_semaphore, #tpu.memory_space<semaphore_mem>>)
      } else {
      }
      %mul3A_39 = arith.constant 80 : i32
      %mul3A_40 = arith.muli %add3A_33, %mul3A_39 : i32
      %dma_wait3A = tpu.memref_slice %arg5[%mul3A_40] : memref<10000xi32, #tpu.memory_space<vmem>> -> memref<80xi32, #tpu.memory_space<vmem>>
      %dma_wait3A_41 = arith.constant 0 : i32
      %dma_wait3A_42 = arith.constant 0 : i32
      %dma_wait3A_43 = tpu.memref_slice %arg2[%dma_wait3A_41, %dma_wait3A_42] : memref<10000x256xf32, #tpu.memory_space<hbm>> -> memref<10000x256xf32, #tpu.memory_space<hbm>>
      tpu.wait_indirect_dma semaphore(%arg11 : memref<!tpu.dma_semaphore, #tpu.memory_space<semaphore_mem>>) src(%dma_wait3A_43 : memref<10000x256xf32, #tpu.memory_space<hbm>>) dst(%arg6 : memref<80x256xf32, #tpu.memory_space<vmem>>)
      %mul3A_44 = arith.constant 80 : i32
      %mul3A_45 = arith.muli %add3A_33, %mul3A_44 : i32
      %add3A_46 = arith.addi %mul3A_2, %mul3A_45 : i32
      "tpu.region"() ({
        %run_scoped3A = tpu.sem_alloc : memref<!tpu.dma_semaphore, #tpu.memory_space<semaphore_mem>>
        %dma_start3A_128 = arith.constant 0 : i32
        %dma_start3A_129 = tpu.memref_slice %arg4[%add3A_46, %dma_start3A_128] : memref<320000x256xf32, #tpu.memory_space<hbm>> -> memref<80x256xf32, #tpu.memory_space<hbm>>
        %dma_start3A_130 = arith.constant 0 : i32
        %dma_start3A_131 = tpu.memref_slice %arg4[%add3A_46, %dma_start3A_130] : memref<320000x256xf32, #tpu.memory_space<hbm>> -> memref<80x256xf32, #tpu.memory_space<hbm>>
        tpu.enqueue_dma source(%arg6 : memref<80x256xf32, #tpu.memory_space<vmem>>) target(%dma_start3A_131 : memref<80x256xf32, #tpu.memory_space<hbm>>) target_semaphore(%run_scoped3A : memref<!tpu.dma_semaphore, #tpu.memory_space<semaphore_mem>>)
        %dma_wait3A_132 = arith.constant 0 : i32
        %dma_wait3A_133 = tpu.memref_slice %arg4[%add3A_46, %dma_wait3A_132] : memref<320000x256xf32, #tpu.memory_space<hbm>> -> memref<80x256xf32, #tpu.memory_space<hbm>>
        %dma_wait3A_134 = arith.constant 0 : i32
        %dma_wait3A_135 = tpu.memref_slice %arg4[%add3A_46, %dma_wait3A_134] : memref<320000x256xf32, #tpu.memory_space<hbm>> -> memref<80x256xf32, #tpu.memory_space<hbm>>
        tpu.wait_dma2 semaphore(%run_scoped3A : memref<!tpu.dma_semaphore, #tpu.memory_space<semaphore_mem>>) src(%arg6 : memref<80x256xf32, #tpu.memory_space<vmem>>) dst(%dma_wait3A_135 : memref<80x256xf32, #tpu.memory_space<hbm>>)
        tpu.yield
      }) : () -> ()
      %add3A_47 = arith.constant 1 : i32
      %add3A_48 = arith.addi %mul3A_31, %add3A_47 : i32
      %add3A_49 = arith.constant 5 : i32
      %add3A_50 = arith.addi %add3A_48, %add3A_49 : i32
      %sub3A_51 = arith.constant 1 : i32
      %sub3A_52 = arith.subi %add3A_50, %sub3A_51 : i32
      %lt3A_53 = arith.constant 125 : i32
      %lt3A_54 = arith.cmpi slt, %sub3A_52, %lt3A_53 : i32
      %convert_element_type3A_55 = arith.extui %lt3A_54 : i1 to i32
      %cond3A_56 = arith.constant 0 : i32
      %cond3A_57 = arith.cmpi ne, %convert_element_type3A_55, %cond3A_56 : i32
      scf.if %cond3A_57 {
        %add3A_128 = arith.constant 5 : i32
        %add3A_129 = arith.addi %add3A_48, %add3A_128 : i32
        %sub3A_130 = arith.constant 1 : i32
        %sub3A_131 = arith.subi %add3A_129, %sub3A_130 : i32
        %mul3A_132 = arith.constant 80 : i32
        %mul3A_133 = arith.muli %sub3A_131, %mul3A_132 : i32
        %dma_start3A_134 = tpu.memref_slice %arg5[%mul3A_133] : memref<10000xi32, #tpu.memory_space<vmem>> -> memref<80xi32, #tpu.memory_space<vmem>>
        %dma_start3A_135 = arith.constant 0 : i32
        %dma_start3A_136 = arith.constant 0 : i32
        %dma_start3A_137 = tpu.memref_slice %arg2[%dma_start3A_135, %dma_start3A_136] : memref<10000x256xf32, #tpu.memory_space<hbm>> -> memref<10000x256xf32, #tpu.memory_space<hbm>>
        tpu.enqueue_indirect_dma source(%dma_start3A_137 : memref<10000x256xf32, #tpu.memory_space<hbm>>) target(%arg6 : memref<80x256xf32, #tpu.memory_space<vmem>>) offsets(%dma_start3A_134 : memref<80xi32, #tpu.memory_space<vmem>>) semaphore(%arg11 : memref<!tpu.dma_semaphore, #tpu.memory_space<semaphore_mem>>)
      } else {
      }
      %mul3A_58 = arith.constant 80 : i32
      %mul3A_59 = arith.muli %add3A_48, %mul3A_58 : i32
      %dma_wait3A_60 = tpu.memref_slice %arg5[%mul3A_59] : memref<10000xi32, #tpu.memory_space<vmem>> -> memref<80xi32, #tpu.memory_space<vmem>>
      %dma_wait3A_61 = arith.constant 0 : i32
      %dma_wait3A_62 = arith.constant 0 : i32
      %dma_wait3A_63 = tpu.memref_slice %arg2[%dma_wait3A_61, %dma_wait3A_62] : memref<10000x256xf32, #tpu.memory_space<hbm>> -> memref<10000x256xf32, #tpu.memory_space<hbm>>
      tpu.wait_indirect_dma semaphore(%arg12 : memref<!tpu.dma_semaphore, #tpu.memory_space<semaphore_mem>>) src(%dma_wait3A_63 : memref<10000x256xf32, #tpu.memory_space<hbm>>) dst(%arg7 : memref<80x256xf32, #tpu.memory_space<vmem>>)
      %mul3A_64 = arith.constant 80 : i32
      %mul3A_65 = arith.muli %add3A_48, %mul3A_64 : i32
      %add3A_66 = arith.addi %mul3A_2, %mul3A_65 : i32
      "tpu.region"() ({
        %run_scoped3A = tpu.sem_alloc : memref<!tpu.dma_semaphore, #tpu.memory_space<semaphore_mem>>
        %dma_start3A_128 = arith.constant 0 : i32
        %dma_start3A_129 = tpu.memref_slice %arg4[%add3A_66, %dma_start3A_128] : memref<320000x256xf32, #tpu.memory_space<hbm>> -> memref<80x256xf32, #tpu.memory_space<hbm>>
        %dma_start3A_130 = arith.constant 0 : i32
        %dma_start3A_131 = tpu.memref_slice %arg4[%add3A_66, %dma_start3A_130] : memref<320000x256xf32, #tpu.memory_space<hbm>> -> memref<80x256xf32, #tpu.memory_space<hbm>>
        tpu.enqueue_dma source(%arg7 : memref<80x256xf32, #tpu.memory_space<vmem>>) target(%dma_start3A_131 : memref<80x256xf32, #tpu.memory_space<hbm>>) target_semaphore(%run_scoped3A : memref<!tpu.dma_semaphore, #tpu.memory_space<semaphore_mem>>)
        %dma_wait3A_132 = arith.constant 0 : i32
        %dma_wait3A_133 = tpu.memref_slice %arg4[%add3A_66, %dma_wait3A_132] : memref<320000x256xf32, #tpu.memory_space<hbm>> -> memref<80x256xf32, #tpu.memory_space<hbm>>
        %dma_wait3A_134 = arith.constant 0 : i32
        %dma_wait3A_135 = tpu.memref_slice %arg4[%add3A_66, %dma_wait3A_134] : memref<320000x256xf32, #tpu.memory_space<hbm>> -> memref<80x256xf32, #tpu.memory_space<hbm>>
        tpu.wait_dma2 semaphore(%run_scoped3A : memref<!tpu.dma_semaphore, #tpu.memory_space<semaphore_mem>>) src(%arg7 : memref<80x256xf32, #tpu.memory_space<vmem>>) dst(%dma_wait3A_135 : memref<80x256xf32, #tpu.memory_space<hbm>>)
        tpu.yield
      }) : () -> ()
      %add3A_67 = arith.constant 2 : i32
      %add3A_68 = arith.addi %mul3A_31, %add3A_67 : i32
      %add3A_69 = arith.constant 5 : i32
      %add3A_70 = arith.addi %add3A_68, %add3A_69 : i32
      %sub3A_71 = arith.constant 1 : i32
      %sub3A_72 = arith.subi %add3A_70, %sub3A_71 : i32
      %lt3A_73 = arith.constant 125 : i32
      %lt3A_74 = arith.cmpi slt, %sub3A_72, %lt3A_73 : i32
      %convert_element_type3A_75 = arith.extui %lt3A_74 : i1 to i32
      %cond3A_76 = arith.constant 0 : i32
      %cond3A_77 = arith.cmpi ne, %convert_element_type3A_75, %cond3A_76 : i32
      scf.if %cond3A_77 {
        %add3A_128 = arith.constant 5 : i32
        %add3A_129 = arith.addi %add3A_68, %add3A_128 : i32
        %sub3A_130 = arith.constant 1 : i32
        %sub3A_131 = arith.subi %add3A_129, %sub3A_130 : i32
        %mul3A_132 = arith.constant 80 : i32
        %mul3A_133 = arith.muli %sub3A_131, %mul3A_132 : i32
        %dma_start3A_134 = tpu.memref_slice %arg5[%mul3A_133] : memref<10000xi32, #tpu.memory_space<vmem>> -> memref<80xi32, #tpu.memory_space<vmem>>
        %dma_start3A_135 = arith.constant 0 : i32
        %dma_start3A_136 = arith.constant 0 : i32
        %dma_start3A_137 = tpu.memref_slice %arg2[%dma_start3A_135, %dma_start3A_136] : memref<10000x256xf32, #tpu.memory_space<hbm>> -> memref<10000x256xf32, #tpu.memory_space<hbm>>
        tpu.enqueue_indirect_dma source(%dma_start3A_137 : memref<10000x256xf32, #tpu.memory_space<hbm>>) target(%arg7 : memref<80x256xf32, #tpu.memory_space<vmem>>) offsets(%dma_start3A_134 : memref<80xi32, #tpu.memory_space<vmem>>) semaphore(%arg12 : memref<!tpu.dma_semaphore, #tpu.memory_space<semaphore_mem>>)
      } else {
      }
      %mul3A_78 = arith.constant 80 : i32
      %mul3A_79 = arith.muli %add3A_68, %mul3A_78 : i32
      %dma_wait3A_80 = tpu.memref_slice %arg5[%mul3A_79] : memref<10000xi32, #tpu.memory_space<vmem>> -> memref<80xi32, #tpu.memory_space<vmem>>
      %dma_wait3A_81 = arith.constant 0 : i32
      %dma_wait3A_82 = arith.constant 0 : i32
      %dma_wait3A_83 = tpu.memref_slice %arg2[%dma_wait3A_81, %dma_wait3A_82] : memref<10000x256xf32, #tpu.memory_space<hbm>> -> memref<10000x256xf32, #tpu.memory_space<hbm>>
      tpu.wait_indirect_dma semaphore(%arg13 : memref<!tpu.dma_semaphore, #tpu.memory_space<semaphore_mem>>) src(%dma_wait3A_83 : memref<10000x256xf32, #tpu.memory_space<hbm>>) dst(%arg8 : memref<80x256xf32, #tpu.memory_space<vmem>>)
      %mul3A_84 = arith.constant 80 : i32
      %mul3A_85 = arith.muli %add3A_68, %mul3A_84 : i32
      %add3A_86 = arith.addi %mul3A_2, %mul3A_85 : i32
      "tpu.region"() ({
        %run_scoped3A = tpu.sem_alloc : memref<!tpu.dma_semaphore, #tpu.memory_space<semaphore_mem>>
        %dma_start3A_128 = arith.constant 0 : i32
        %dma_start3A_129 = tpu.memref_slice %arg4[%add3A_86, %dma_start3A_128] : memref<320000x256xf32, #tpu.memory_space<hbm>> -> memref<80x256xf32, #tpu.memory_space<hbm>>
        %dma_start3A_130 = arith.constant 0 : i32
        %dma_start3A_131 = tpu.memref_slice %arg4[%add3A_86, %dma_start3A_130] : memref<320000x256xf32, #tpu.memory_space<hbm>> -> memref<80x256xf32, #tpu.memory_space<hbm>>
        tpu.enqueue_dma source(%arg8 : memref<80x256xf32, #tpu.memory_space<vmem>>) target(%dma_start3A_131 : memref<80x256xf32, #tpu.memory_space<hbm>>) target_semaphore(%run_scoped3A : memref<!tpu.dma_semaphore, #tpu.memory_space<semaphore_mem>>)
        %dma_wait3A_132 = arith.constant 0 : i32
        %dma_wait3A_133 = tpu.memref_slice %arg4[%add3A_86, %dma_wait3A_132] : memref<320000x256xf32, #tpu.memory_space<hbm>> -> memref<80x256xf32, #tpu.memory_space<hbm>>
        %dma_wait3A_134 = arith.constant 0 : i32
        %dma_wait3A_135 = tpu.memref_slice %arg4[%add3A_86, %dma_wait3A_134] : memref<320000x256xf32, #tpu.memory_space<hbm>> -> memref<80x256xf32, #tpu.memory_space<hbm>>
        tpu.wait_dma2 semaphore(%run_scoped3A : memref<!tpu.dma_semaphore, #tpu.memory_space<semaphore_mem>>) src(%arg8 : memref<80x256xf32, #tpu.memory_space<vmem>>) dst(%dma_wait3A_135 : memref<80x256xf32, #tpu.memory_space<hbm>>)
        tpu.yield
      }) : () -> ()
      %add3A_87 = arith.constant 3 : i32
      %add3A_88 = arith.addi %mul3A_31, %add3A_87 : i32
      %add3A_89 = arith.constant 5 : i32
      %add3A_90 = arith.addi %add3A_88, %add3A_89 : i32
      %sub3A_91 = arith.constant 1 : i32
      %sub3A_92 = arith.subi %add3A_90, %sub3A_91 : i32
      %lt3A_93 = arith.constant 125 : i32
      %lt3A_94 = arith.cmpi slt, %sub3A_92, %lt3A_93 : i32
      %convert_element_type3A_95 = arith.extui %lt3A_94 : i1 to i32
      %cond3A_96 = arith.constant 0 : i32
      %cond3A_97 = arith.cmpi ne, %convert_element_type3A_95, %cond3A_96 : i32
      scf.if %cond3A_97 {
        %add3A_128 = arith.constant 5 : i32
        %add3A_129 = arith.addi %add3A_88, %add3A_128 : i32
        %sub3A_130 = arith.constant 1 : i32
        %sub3A_131 = arith.subi %add3A_129, %sub3A_130 : i32
        %mul3A_132 = arith.constant 80 : i32
        %mul3A_133 = arith.muli %sub3A_131, %mul3A_132 : i32
        %dma_start3A_134 = tpu.memref_slice %arg5[%mul3A_133] : memref<10000xi32, #tpu.memory_space<vmem>> -> memref<80xi32, #tpu.memory_space<vmem>>
        %dma_start3A_135 = arith.constant 0 : i32
        %dma_start3A_136 = arith.constant 0 : i32
        %dma_start3A_137 = tpu.memref_slice %arg2[%dma_start3A_135, %dma_start3A_136] : memref<10000x256xf32, #tpu.memory_space<hbm>> -> memref<10000x256xf32, #tpu.memory_space<hbm>>
        tpu.enqueue_indirect_dma source(%dma_start3A_137 : memref<10000x256xf32, #tpu.memory_space<hbm>>) target(%arg8 : memref<80x256xf32, #tpu.memory_space<vmem>>) offsets(%dma_start3A_134 : memref<80xi32, #tpu.memory_space<vmem>>) semaphore(%arg13 : memref<!tpu.dma_semaphore, #tpu.memory_space<semaphore_mem>>)
      } else {
      }
      %mul3A_98 = arith.constant 80 : i32
      %mul3A_99 = arith.muli %add3A_88, %mul3A_98 : i32
      %dma_wait3A_100 = tpu.memref_slice %arg5[%mul3A_99] : memref<10000xi32, #tpu.memory_space<vmem>> -> memref<80xi32, #tpu.memory_space<vmem>>
      %dma_wait3A_101 = arith.constant 0 : i32
      %dma_wait3A_102 = arith.constant 0 : i32
      %dma_wait3A_103 = tpu.memref_slice %arg2[%dma_wait3A_101, %dma_wait3A_102] : memref<10000x256xf32, #tpu.memory_space<hbm>> -> memref<10000x256xf32, #tpu.memory_space<hbm>>
      tpu.wait_indirect_dma semaphore(%arg14 : memref<!tpu.dma_semaphore, #tpu.memory_space<semaphore_mem>>) src(%dma_wait3A_103 : memref<10000x256xf32, #tpu.memory_space<hbm>>) dst(%arg9 : memref<80x256xf32, #tpu.memory_space<vmem>>)
      %mul3A_104 = arith.constant 80 : i32
      %mul3A_105 = arith.muli %add3A_88, %mul3A_104 : i32
      %add3A_106 = arith.addi %mul3A_2, %mul3A_105 : i32
      "tpu.region"() ({
        %run_scoped3A = tpu.sem_alloc : memref<!tpu.dma_semaphore, #tpu.memory_space<semaphore_mem>>
        %dma_start3A_128 = arith.constant 0 : i32
        %dma_start3A_129 = tpu.memref_slice %arg4[%add3A_106, %dma_start3A_128] : memref<320000x256xf32, #tpu.memory_space<hbm>> -> memref<80x256xf32, #tpu.memory_space<hbm>>
        %dma_start3A_130 = arith.constant 0 : i32
        %dma_start3A_131 = tpu.memref_slice %arg4[%add3A_106, %dma_start3A_130] : memref<320000x256xf32, #tpu.memory_space<hbm>> -> memref<80x256xf32, #tpu.memory_space<hbm>>
        tpu.enqueue_dma source(%arg9 : memref<80x256xf32, #tpu.memory_space<vmem>>) target(%dma_start3A_131 : memref<80x256xf32, #tpu.memory_space<hbm>>) target_semaphore(%run_scoped3A : memref<!tpu.dma_semaphore, #tpu.memory_space<semaphore_mem>>)
        %dma_wait3A_132 = arith.constant 0 : i32
        %dma_wait3A_133 = tpu.memref_slice %arg4[%add3A_106, %dma_wait3A_132] : memref<320000x256xf32, #tpu.memory_space<hbm>> -> memref<80x256xf32, #tpu.memory_space<hbm>>
        %dma_wait3A_134 = arith.constant 0 : i32
        %dma_wait3A_135 = tpu.memref_slice %arg4[%add3A_106, %dma_wait3A_134] : memref<320000x256xf32, #tpu.memory_space<hbm>> -> memref<80x256xf32, #tpu.memory_space<hbm>>
        tpu.wait_dma2 semaphore(%run_scoped3A : memref<!tpu.dma_semaphore, #tpu.memory_space<semaphore_mem>>) src(%arg9 : memref<80x256xf32, #tpu.memory_space<vmem>>) dst(%dma_wait3A_135 : memref<80x256xf32, #tpu.memory_space<hbm>>)
        tpu.yield
      }) : () -> ()
      %add3A_107 = arith.constant 4 : i32
      %add3A_108 = arith.addi %mul3A_31, %add3A_107 : i32
      %add3A_109 = arith.constant 5 : i32
      %add3A_110 = arith.addi %add3A_108, %add3A_109 : i32
      %sub3A_111 = arith.constant 1 : i32
      %sub3A_112 = arith.subi %add3A_110, %sub3A_111 : i32
      %lt3A_113 = arith.constant 125 : i32
      %lt3A_114 = arith.cmpi slt, %sub3A_112, %lt3A_113 : i32
      %convert_element_type3A_115 = arith.extui %lt3A_114 : i1 to i32
      %cond3A_116 = arith.constant 0 : i32
      %cond3A_117 = arith.cmpi ne, %convert_element_type3A_115, %cond3A_116 : i32
      scf.if %cond3A_117 {
        %add3A_128 = arith.constant 5 : i32
        %add3A_129 = arith.addi %add3A_108, %add3A_128 : i32
        %sub3A_130 = arith.constant 1 : i32
        %sub3A_131 = arith.subi %add3A_129, %sub3A_130 : i32
        %mul3A_132 = arith.constant 80 : i32
        %mul3A_133 = arith.muli %sub3A_131, %mul3A_132 : i32
        %dma_start3A_134 = tpu.memref_slice %arg5[%mul3A_133] : memref<10000xi32, #tpu.memory_space<vmem>> -> memref<80xi32, #tpu.memory_space<vmem>>
        %dma_start3A_135 = arith.constant 0 : i32
        %dma_start3A_136 = arith.constant 0 : i32
        %dma_start3A_137 = tpu.memref_slice %arg2[%dma_start3A_135, %dma_start3A_136] : memref<10000x256xf32, #tpu.memory_space<hbm>> -> memref<10000x256xf32, #tpu.memory_space<hbm>>
        tpu.enqueue_indirect_dma source(%dma_start3A_137 : memref<10000x256xf32, #tpu.memory_space<hbm>>) target(%arg9 : memref<80x256xf32, #tpu.memory_space<vmem>>) offsets(%dma_start3A_134 : memref<80xi32, #tpu.memory_space<vmem>>) semaphore(%arg14 : memref<!tpu.dma_semaphore, #tpu.memory_space<semaphore_mem>>)
      } else {
      }
      %mul3A_118 = arith.constant 80 : i32
      %mul3A_119 = arith.muli %add3A_108, %mul3A_118 : i32
      %dma_wait3A_120 = tpu.memref_slice %arg5[%mul3A_119] : memref<10000xi32, #tpu.memory_space<vmem>> -> memref<80xi32, #tpu.memory_space<vmem>>
      %dma_wait3A_121 = arith.constant 0 : i32
      %dma_wait3A_122 = arith.constant 0 : i32
      %dma_wait3A_123 = tpu.memref_slice %arg2[%dma_wait3A_121, %dma_wait3A_122] : memref<10000x256xf32, #tpu.memory_space<hbm>> -> memref<10000x256xf32, #tpu.memory_space<hbm>>
      tpu.wait_indirect_dma semaphore(%arg15 : memref<!tpu.dma_semaphore, #tpu.memory_space<semaphore_mem>>) src(%dma_wait3A_123 : memref<10000x256xf32, #tpu.memory_space<hbm>>) dst(%arg10 : memref<80x256xf32, #tpu.memory_space<vmem>>)
      %mul3A_124 = arith.constant 80 : i32
      %mul3A_125 = arith.muli %add3A_108, %mul3A_124 : i32
      %add3A_126 = arith.addi %mul3A_2, %mul3A_125 : i32
      "tpu.region"() ({
        %run_scoped3A = tpu.sem_alloc : memref<!tpu.dma_semaphore, #tpu.memory_space<semaphore_mem>>
        %dma_start3A_128 = arith.constant 0 : i32
        %dma_start3A_129 = tpu.memref_slice %arg4[%add3A_126, %dma_start3A_128] : memref<320000x256xf32, #tpu.memory_space<hbm>> -> memref<80x256xf32, #tpu.memory_space<hbm>>
        %dma_start3A_130 = arith.constant 0 : i32
        %dma_start3A_131 = tpu.memref_slice %arg4[%add3A_126, %dma_start3A_130] : memref<320000x256xf32, #tpu.memory_space<hbm>> -> memref<80x256xf32, #tpu.memory_space<hbm>>
        tpu.enqueue_dma source(%arg10 : memref<80x256xf32, #tpu.memory_space<vmem>>) target(%dma_start3A_131 : memref<80x256xf32, #tpu.memory_space<hbm>>) target_semaphore(%run_scoped3A : memref<!tpu.dma_semaphore, #tpu.memory_space<semaphore_mem>>)
        %dma_wait3A_132 = arith.constant 0 : i32
        %dma_wait3A_133 = tpu.memref_slice %arg4[%add3A_126, %dma_wait3A_132] : memref<320000x256xf32, #tpu.memory_space<hbm>> -> memref<80x256xf32, #tpu.memory_space<hbm>>
        %dma_wait3A_134 = arith.constant 0 : i32
        %dma_wait3A_135 = tpu.memref_slice %arg4[%add3A_126, %dma_wait3A_134] : memref<320000x256xf32, #tpu.memory_space<hbm>> -> memref<80x256xf32, #tpu.memory_space<hbm>>
        tpu.wait_dma2 semaphore(%run_scoped3A : memref<!tpu.dma_semaphore, #tpu.memory_space<semaphore_mem>>) src(%arg10 : memref<80x256xf32, #tpu.memory_space<vmem>>) dst(%dma_wait3A_135 : memref<80x256xf32, #tpu.memory_space<hbm>>)
        tpu.yield
      }) : () -> ()
      %scan3A_127 = arith.constant 0 : i32
      scf.yield %scan3A_127 : i32
    }
    %scan3A_27 = arith.constant 25 : i32
    return
  }
}

module attributes {stable_mosaic.version = 14 : i64} {
  func.func @_stage3_body(%arg0: memref<10000x128xf32, #tpu.memory_space<vmem>>, %arg1: memref<10000x128xf32, #tpu.memory_space<vmem>>, %arg2: memref<128x256xf32, #tpu.memory_space<vmem>>, %arg3: memref<1x128xf32, #tpu.memory_space<vmem>>, %arg4: memref<1x128xf32, #tpu.memory_space<vmem>>, %arg5: memref<1x128xf32, #tpu.memory_space<vmem>>, %arg6: memref<128x128xf32, #tpu.memory_space<vmem>>, %arg7: memref<1x128xf32, #tpu.memory_space<vmem>>, %arg8: memref<1x128xf32, #tpu.memory_space<vmem>>, %arg9: memref<1x128xf32, #tpu.memory_space<vmem>>, %arg10: memref<128x128xf32, #tpu.memory_space<vmem>>, %arg11: memref<1x128xf32, #tpu.memory_space<vmem>>, %arg12: memref<1x128xf32, #tpu.memory_space<vmem>>, %arg13: memref<1x128xf32, #tpu.memory_space<vmem>>, %arg14: memref<128x128xf32, #tpu.memory_space<vmem>>, %arg15: memref<1x128xf32, #tpu.memory_space<vmem>>, %arg16: memref<1x128xf32, #tpu.memory_space<vmem>>, %arg17: memref<1x128xf32, #tpu.memory_space<vmem>>, %arg18: memref<128x128xf32, #tpu.memory_space<vmem>>, %arg19: memref<1x128xf32, #tpu.memory_space<vmem>>, %arg20: memref<1x128xf32, #tpu.memory_space<vmem>>, %arg21: memref<1x128xf32, #tpu.memory_space<vmem>>, %arg22: memref<128x128xf32, #tpu.memory_space<vmem>>, %arg23: memref<1x128xf32, #tpu.memory_space<vmem>>, %arg24: memref<1x128xf32, #tpu.memory_space<vmem>>, %arg25: memref<1x128xf32, #tpu.memory_space<vmem>>, %arg26: memref<10000x256xf32, #tpu.memory_space<vmem>>) attributes {dimension_semantics = [], scalar_prefetch = 0 : i64, scratch_operands = 0 : i64, tpu.core_type = #tpu.core_type<tc>} {
    %get3A = arith.constant 0 : index
    %get3A_0 = arith.constant 0 : index
    %get3A_1 = vector.load %arg0[%get3A, %get3A_0] : memref<10000x128xf32, #tpu.memory_space<vmem>>, vector<10000x128xf32>
    %get3A_2 = arith.constant 0 : index
    %get3A_3 = arith.constant 0 : index
    %get3A_4 = vector.load %arg2[%get3A_2, %get3A_3] : memref<128x256xf32, #tpu.memory_space<vmem>>, vector<128x128xf32>
    %dot_general3A = arith.constant dense<0.000000e+00> : vector<10000x128xf32>
    %dot_general3A_5 = tpu.matmul %get3A_1, %get3A_4, %dot_general3A {dimension_numbers = #tpu.dot_dimension_numbers<[1], [1], [0], [0], [0, 0, 1, 0], [], []>, transpose_lhs_hint = false} : vector<10000x128xf32>, vector<128x128xf32>, vector<10000x128xf32> -> vector<10000x128xf32>
    %get3A_6 = arith.constant 0 : index
    %get3A_7 = arith.constant 0 : index
    %get3A_8 = vector.load %arg1[%get3A_6, %get3A_7] : memref<10000x128xf32, #tpu.memory_space<vmem>>, vector<10000x128xf32>
    %get3A_9 = arith.constant 0 : index
    %get3A_10 = arith.constant 128 : index
    %get3A_11 = vector.load %arg2[%get3A_9, %get3A_10] : memref<128x256xf32, #tpu.memory_space<vmem>>, vector<128x128xf32>
    %dot_general3A_12 = arith.constant dense<0.000000e+00> : vector<10000x128xf32>
    %dot_general3A_13 = tpu.matmul %get3A_8, %get3A_11, %dot_general3A_12 {dimension_numbers = #tpu.dot_dimension_numbers<[1], [1], [0], [0], [0, 0, 1, 0], [], []>, transpose_lhs_hint = false} : vector<10000x128xf32>, vector<128x128xf32>, vector<10000x128xf32> -> vector<10000x128xf32>
    %add3A = arith.addf %dot_general3A_5, %dot_general3A_13 : vector<10000x128xf32>
    %get3A_14 = arith.constant 0 : index
    %get3A_15 = arith.constant 0 : index
    %get3A_16 = vector.load %arg3[%get3A_14, %get3A_15] : memref<1x128xf32, #tpu.memory_space<vmem>>, vector<1x128xf32>
    %add3A_17 = vector.broadcast %get3A_16 : vector<1x128xf32> to vector<10000x128xf32>
    %add3A_18 = arith.addf %add3A, %add3A_17 : vector<10000x128xf32>
    %get3A_19 = arith.constant 0 : index
    %get3A_20 = arith.constant 0 : index
    %get3A_21 = vector.load %arg4[%get3A_19, %get3A_20] : memref<1x128xf32, #tpu.memory_space<vmem>>, vector<1x128xf32>
    %get3A_22 = arith.constant 0 : index
    %get3A_23 = arith.constant 0 : index
    %get3A_24 = vector.load %arg5[%get3A_22, %get3A_23] : memref<1x128xf32, #tpu.memory_space<vmem>>, vector<1x128xf32>
    %reduce_sum3A = arith.constant dense<0.000000e+00> : vector<128xf32>
    %reduce_sum3A_25 = vector.multi_reduction <add>, %add3A_18, %reduce_sum3A [0] : vector<10000x128xf32> to vector<128xf32>
    %div3A = arith.constant 1.000000e+04 : f32
    %div3A_26 = vector.broadcast %div3A : f32 to vector<128xf32>
    %div3A_27 = arith.divf %reduce_sum3A_25, %div3A_26 : vector<128xf32>
    %broadcast_in_dim3A = vector.shape_cast %div3A_27 : vector<128xf32> to vector<1x128xf32>
    %sub3A = vector.broadcast %broadcast_in_dim3A : vector<1x128xf32> to vector<10000x128xf32>
    %sub3A_28 = arith.subf %add3A_18, %sub3A : vector<10000x128xf32>
    %integer_pow3A = arith.mulf %sub3A_28, %sub3A_28 : vector<10000x128xf32>
    %reduce_sum3A_29 = arith.constant dense<0.000000e+00> : vector<128xf32>
    %reduce_sum3A_30 = vector.multi_reduction <add>, %integer_pow3A, %reduce_sum3A_29 [0] : vector<10000x128xf32> to vector<128xf32>
    %div3A_31 = arith.constant 1.000000e+04 : f32
    %div3A_32 = vector.broadcast %div3A_31 : f32 to vector<128xf32>
    %div3A_33 = arith.divf %reduce_sum3A_30, %div3A_32 : vector<128xf32>
    %broadcast_in_dim3A_34 = vector.shape_cast %div3A_27 : vector<128xf32> to vector<1x128xf32>
    %sub3A_35 = vector.broadcast %broadcast_in_dim3A_34 : vector<1x128xf32> to vector<10000x128xf32>
    %sub3A_36 = arith.subf %add3A_18, %sub3A_35 : vector<10000x128xf32>
    %add3A_37 = arith.constant 9.99999974E-6 : f32
    %add3A_38 = vector.broadcast %add3A_37 : f32 to vector<128xf32>
    %add3A_39 = arith.addf %div3A_33, %add3A_38 : vector<128xf32>
    %sqrt3A = math.sqrt %add3A_39 : vector<128xf32>
    %broadcast_in_dim3A_40 = vector.shape_cast %sqrt3A : vector<128xf32> to vector<1x128xf32>
    %div3A_41 = vector.broadcast %broadcast_in_dim3A_40 : vector<1x128xf32> to vector<10000x128xf32>
    %div3A_42 = arith.divf %sub3A_36, %div3A_41 : vector<10000x128xf32>
    %mul3A = vector.broadcast %get3A_21 : vector<1x128xf32> to vector<10000x128xf32>
    %mul3A_43 = arith.mulf %div3A_42, %mul3A : vector<10000x128xf32>
    %add3A_44 = vector.broadcast %get3A_24 : vector<1x128xf32> to vector<10000x128xf32>
    %add3A_45 = arith.addf %mul3A_43, %add3A_44 : vector<10000x128xf32>
    %max3A = arith.constant 0.000000e+00 : f32
    %max3A_46 = vector.broadcast %max3A : f32 to vector<10000x128xf32>
    %max3A_47 = arith.maximumf %add3A_45, %max3A_46 : vector<10000x128xf32>
    %get3A_48 = arith.constant 0 : index
    %get3A_49 = arith.constant 0 : index
    %get3A_50 = vector.load %arg6[%get3A_48, %get3A_49] : memref<128x128xf32, #tpu.memory_space<vmem>>, vector<128x128xf32>
    %dot_general3A_51 = arith.constant dense<0.000000e+00> : vector<10000x128xf32>
    %dot_general3A_52 = tpu.matmul %max3A_47, %get3A_50, %dot_general3A_51 {dimension_numbers = #tpu.dot_dimension_numbers<[1], [1], [0], [0], [0, 0, 1, 0], [], []>, transpose_lhs_hint = false} : vector<10000x128xf32>, vector<128x128xf32>, vector<10000x128xf32> -> vector<10000x128xf32>
    %get3A_53 = arith.constant 0 : index
    %get3A_54 = arith.constant 0 : index
    %get3A_55 = vector.load %arg7[%get3A_53, %get3A_54] : memref<1x128xf32, #tpu.memory_space<vmem>>, vector<1x128xf32>
    %add3A_56 = vector.broadcast %get3A_55 : vector<1x128xf32> to vector<10000x128xf32>
    %add3A_57 = arith.addf %dot_general3A_52, %add3A_56 : vector<10000x128xf32>
    %get3A_58 = arith.constant 0 : index
    %get3A_59 = arith.constant 0 : index
    %get3A_60 = vector.load %arg8[%get3A_58, %get3A_59] : memref<1x128xf32, #tpu.memory_space<vmem>>, vector<1x128xf32>
    %get3A_61 = arith.constant 0 : index
    %get3A_62 = arith.constant 0 : index
    %get3A_63 = vector.load %arg9[%get3A_61, %get3A_62] : memref<1x128xf32, #tpu.memory_space<vmem>>, vector<1x128xf32>
    %reduce_sum3A_64 = arith.constant dense<0.000000e+00> : vector<128xf32>
    %reduce_sum3A_65 = vector.multi_reduction <add>, %add3A_57, %reduce_sum3A_64 [0] : vector<10000x128xf32> to vector<128xf32>
    %div3A_66 = arith.constant 1.000000e+04 : f32
    %div3A_67 = vector.broadcast %div3A_66 : f32 to vector<128xf32>
    %div3A_68 = arith.divf %reduce_sum3A_65, %div3A_67 : vector<128xf32>
    %broadcast_in_dim3A_69 = vector.shape_cast %div3A_68 : vector<128xf32> to vector<1x128xf32>
    %sub3A_70 = vector.broadcast %broadcast_in_dim3A_69 : vector<1x128xf32> to vector<10000x128xf32>
    %sub3A_71 = arith.subf %add3A_57, %sub3A_70 : vector<10000x128xf32>
    %integer_pow3A_72 = arith.mulf %sub3A_71, %sub3A_71 : vector<10000x128xf32>
    %reduce_sum3A_73 = arith.constant dense<0.000000e+00> : vector<128xf32>
    %reduce_sum3A_74 = vector.multi_reduction <add>, %integer_pow3A_72, %reduce_sum3A_73 [0] : vector<10000x128xf32> to vector<128xf32>
    %div3A_75 = arith.constant 1.000000e+04 : f32
    %div3A_76 = vector.broadcast %div3A_75 : f32 to vector<128xf32>
    %div3A_77 = arith.divf %reduce_sum3A_74, %div3A_76 : vector<128xf32>
    %broadcast_in_dim3A_78 = vector.shape_cast %div3A_68 : vector<128xf32> to vector<1x128xf32>
    %sub3A_79 = vector.broadcast %broadcast_in_dim3A_78 : vector<1x128xf32> to vector<10000x128xf32>
    %sub3A_80 = arith.subf %add3A_57, %sub3A_79 : vector<10000x128xf32>
    %add3A_81 = arith.constant 9.99999974E-6 : f32
    %add3A_82 = vector.broadcast %add3A_81 : f32 to vector<128xf32>
    %add3A_83 = arith.addf %div3A_77, %add3A_82 : vector<128xf32>
    %sqrt3A_84 = math.sqrt %add3A_83 : vector<128xf32>
    %broadcast_in_dim3A_85 = vector.shape_cast %sqrt3A_84 : vector<128xf32> to vector<1x128xf32>
    %div3A_86 = vector.broadcast %broadcast_in_dim3A_85 : vector<1x128xf32> to vector<10000x128xf32>
    %div3A_87 = arith.divf %sub3A_80, %div3A_86 : vector<10000x128xf32>
    %mul3A_88 = vector.broadcast %get3A_60 : vector<1x128xf32> to vector<10000x128xf32>
    %mul3A_89 = arith.mulf %div3A_87, %mul3A_88 : vector<10000x128xf32>
    %add3A_90 = vector.broadcast %get3A_63 : vector<1x128xf32> to vector<10000x128xf32>
    %add3A_91 = arith.addf %mul3A_89, %add3A_90 : vector<10000x128xf32>
    %max3A_92 = arith.constant 0.000000e+00 : f32
    %max3A_93 = vector.broadcast %max3A_92 : f32 to vector<10000x128xf32>
    %max3A_94 = arith.maximumf %add3A_91, %max3A_93 : vector<10000x128xf32>
    %get3A_95 = arith.constant 0 : index
    %get3A_96 = arith.constant 0 : index
    %get3A_97 = vector.load %arg10[%get3A_95, %get3A_96] : memref<128x128xf32, #tpu.memory_space<vmem>>, vector<128x128xf32>
    %get3A_98 = arith.constant 0 : index
    %get3A_99 = arith.constant 0 : index
    %get3A_100 = vector.load %arg11[%get3A_98, %get3A_99] : memref<1x128xf32, #tpu.memory_space<vmem>>, vector<1x128xf32>
    %get3A_101 = arith.constant 0 : index
    %get3A_102 = arith.constant 0 : index
    %get3A_103 = vector.load %arg12[%get3A_101, %get3A_102] : memref<1x128xf32, #tpu.memory_space<vmem>>, vector<1x128xf32>
    %get3A_104 = arith.constant 0 : index
    %get3A_105 = arith.constant 0 : index
    %get3A_106 = vector.load %arg13[%get3A_104, %get3A_105] : memref<1x128xf32, #tpu.memory_space<vmem>>, vector<1x128xf32>
    %get3A_107 = arith.constant 0 : index
    %get3A_108 = arith.constant 0 : index
    %get3A_109 = vector.load %arg14[%get3A_107, %get3A_108] : memref<128x128xf32, #tpu.memory_space<vmem>>, vector<128x128xf32>
    %get3A_110 = arith.constant 0 : index
    %get3A_111 = arith.constant 0 : index
    %get3A_112 = vector.load %arg15[%get3A_110, %get3A_111] : memref<1x128xf32, #tpu.memory_space<vmem>>, vector<1x128xf32>
    %get3A_113 = arith.constant 0 : index
    %get3A_114 = arith.constant 0 : index
    %get3A_115 = vector.load %arg16[%get3A_113, %get3A_114] : memref<1x128xf32, #tpu.memory_space<vmem>>, vector<1x128xf32>
    %get3A_116 = arith.constant 0 : index
    %get3A_117 = arith.constant 0 : index
    %get3A_118 = vector.load %arg17[%get3A_116, %get3A_117] : memref<1x128xf32, #tpu.memory_space<vmem>>, vector<1x128xf32>
    %dot_general3A_119 = arith.constant dense<0.000000e+00> : vector<10000x128xf32>
    %dot_general3A_120 = tpu.matmul %max3A_94, %get3A_97, %dot_general3A_119 {dimension_numbers = #tpu.dot_dimension_numbers<[1], [1], [0], [0], [0, 0, 1, 0], [], []>, transpose_lhs_hint = false} : vector<10000x128xf32>, vector<128x128xf32>, vector<10000x128xf32> -> vector<10000x128xf32>
    %add3A_121 = vector.broadcast %get3A_100 : vector<1x128xf32> to vector<10000x128xf32>
    %add3A_122 = arith.addf %dot_general3A_120, %add3A_121 : vector<10000x128xf32>
    %reduce_sum3A_123 = arith.constant dense<0.000000e+00> : vector<128xf32>
    %reduce_sum3A_124 = vector.multi_reduction <add>, %add3A_122, %reduce_sum3A_123 [0] : vector<10000x128xf32> to vector<128xf32>
    %div3A_125 = arith.constant 1.000000e+04 : f32
    %div3A_126 = vector.broadcast %div3A_125 : f32 to vector<128xf32>
    %div3A_127 = arith.divf %reduce_sum3A_124, %div3A_126 : vector<128xf32>
    %broadcast_in_dim3A_128 = vector.shape_cast %div3A_127 : vector<128xf32> to vector<1x128xf32>
    %sub3A_129 = vector.broadcast %broadcast_in_dim3A_128 : vector<1x128xf32> to vector<10000x128xf32>
    %sub3A_130 = arith.subf %add3A_122, %sub3A_129 : vector<10000x128xf32>
    %integer_pow3A_131 = arith.mulf %sub3A_130, %sub3A_130 : vector<10000x128xf32>
    %reduce_sum3A_132 = arith.constant dense<0.000000e+00> : vector<128xf32>
    %reduce_sum3A_133 = vector.multi_reduction <add>, %integer_pow3A_131, %reduce_sum3A_132 [0] : vector<10000x128xf32> to vector<128xf32>
    %div3A_134 = arith.constant 1.000000e+04 : f32
    %div3A_135 = vector.broadcast %div3A_134 : f32 to vector<128xf32>
    %div3A_136 = arith.divf %reduce_sum3A_133, %div3A_135 : vector<128xf32>
    %broadcast_in_dim3A_137 = vector.shape_cast %div3A_127 : vector<128xf32> to vector<1x128xf32>
    %sub3A_138 = vector.broadcast %broadcast_in_dim3A_137 : vector<1x128xf32> to vector<10000x128xf32>
    %sub3A_139 = arith.subf %add3A_122, %sub3A_138 : vector<10000x128xf32>
    %add3A_140 = arith.constant 9.99999974E-6 : f32
    %add3A_141 = vector.broadcast %add3A_140 : f32 to vector<128xf32>
    %add3A_142 = arith.addf %div3A_136, %add3A_141 : vector<128xf32>
    %sqrt3A_143 = math.sqrt %add3A_142 : vector<128xf32>
    %broadcast_in_dim3A_144 = vector.shape_cast %sqrt3A_143 : vector<128xf32> to vector<1x128xf32>
    %div3A_145 = vector.broadcast %broadcast_in_dim3A_144 : vector<1x128xf32> to vector<10000x128xf32>
    %div3A_146 = arith.divf %sub3A_139, %div3A_145 : vector<10000x128xf32>
    %mul3A_147 = vector.broadcast %get3A_103 : vector<1x128xf32> to vector<10000x128xf32>
    %mul3A_148 = arith.mulf %div3A_146, %mul3A_147 : vector<10000x128xf32>
    %add3A_149 = vector.broadcast %get3A_106 : vector<1x128xf32> to vector<10000x128xf32>
    %add3A_150 = arith.addf %mul3A_148, %add3A_149 : vector<10000x128xf32>
    %max3A_151 = arith.constant 0.000000e+00 : f32
    %max3A_152 = vector.broadcast %max3A_151 : f32 to vector<10000x128xf32>
    %max3A_153 = arith.maximumf %add3A_150, %max3A_152 : vector<10000x128xf32>
    %dot_general3A_154 = arith.constant dense<0.000000e+00> : vector<10000x128xf32>
    %dot_general3A_155 = tpu.matmul %max3A_153, %get3A_109, %dot_general3A_154 {dimension_numbers = #tpu.dot_dimension_numbers<[1], [1], [0], [0], [0, 0, 1, 0], [], []>, transpose_lhs_hint = false} : vector<10000x128xf32>, vector<128x128xf32>, vector<10000x128xf32> -> vector<10000x128xf32>
    %add3A_156 = vector.broadcast %get3A_112 : vector<1x128xf32> to vector<10000x128xf32>
    %add3A_157 = arith.addf %dot_general3A_155, %add3A_156 : vector<10000x128xf32>
    %reduce_sum3A_158 = arith.constant dense<0.000000e+00> : vector<128xf32>
    %reduce_sum3A_159 = vector.multi_reduction <add>, %add3A_157, %reduce_sum3A_158 [0] : vector<10000x128xf32> to vector<128xf32>
    %div3A_160 = arith.constant 1.000000e+04 : f32
    %div3A_161 = vector.broadcast %div3A_160 : f32 to vector<128xf32>
    %div3A_162 = arith.divf %reduce_sum3A_159, %div3A_161 : vector<128xf32>
    %broadcast_in_dim3A_163 = vector.shape_cast %div3A_162 : vector<128xf32> to vector<1x128xf32>
    %sub3A_164 = vector.broadcast %broadcast_in_dim3A_163 : vector<1x128xf32> to vector<10000x128xf32>
    %sub3A_165 = arith.subf %add3A_157, %sub3A_164 : vector<10000x128xf32>
    %integer_pow3A_166 = arith.mulf %sub3A_165, %sub3A_165 : vector<10000x128xf32>
    %reduce_sum3A_167 = arith.constant dense<0.000000e+00> : vector<128xf32>
    %reduce_sum3A_168 = vector.multi_reduction <add>, %integer_pow3A_166, %reduce_sum3A_167 [0] : vector<10000x128xf32> to vector<128xf32>
    %div3A_169 = arith.constant 1.000000e+04 : f32
    %div3A_170 = vector.broadcast %div3A_169 : f32 to vector<128xf32>
    %div3A_171 = arith.divf %reduce_sum3A_168, %div3A_170 : vector<128xf32>
    %broadcast_in_dim3A_172 = vector.shape_cast %div3A_162 : vector<128xf32> to vector<1x128xf32>
    %sub3A_173 = vector.broadcast %broadcast_in_dim3A_172 : vector<1x128xf32> to vector<10000x128xf32>
    %sub3A_174 = arith.subf %add3A_157, %sub3A_173 : vector<10000x128xf32>
    %add3A_175 = arith.constant 9.99999974E-6 : f32
    %add3A_176 = vector.broadcast %add3A_175 : f32 to vector<128xf32>
    %add3A_177 = arith.addf %div3A_171, %add3A_176 : vector<128xf32>
    %sqrt3A_178 = math.sqrt %add3A_177 : vector<128xf32>
    %broadcast_in_dim3A_179 = vector.shape_cast %sqrt3A_178 : vector<128xf32> to vector<1x128xf32>
    %div3A_180 = vector.broadcast %broadcast_in_dim3A_179 : vector<1x128xf32> to vector<10000x128xf32>
    %div3A_181 = arith.divf %sub3A_174, %div3A_180 : vector<10000x128xf32>
    %mul3A_182 = vector.broadcast %get3A_115 : vector<1x128xf32> to vector<10000x128xf32>
    %mul3A_183 = arith.mulf %div3A_181, %mul3A_182 : vector<10000x128xf32>
    %add3A_184 = vector.broadcast %get3A_118 : vector<1x128xf32> to vector<10000x128xf32>
    %add3A_185 = arith.addf %mul3A_183, %add3A_184 : vector<10000x128xf32>
    %max3A_186 = arith.constant 0.000000e+00 : f32
    %max3A_187 = vector.broadcast %max3A_186 : f32 to vector<10000x128xf32>
    %max3A_188 = arith.maximumf %add3A_185, %max3A_187 : vector<10000x128xf32>
    %swap3A = arith.constant 0 : index
    %swap3A_189 = arith.constant 0 : index
    %swap3A_190 = vector.load %arg26[%swap3A, %swap3A_189] : memref<10000x256xf32, #tpu.memory_space<vmem>>, vector<10000x128xf32>
    tpu.vector_store %arg26[%swap3A, %swap3A_189], %max3A_188 {strides = array<i32>} : memref<10000x256xf32, #tpu.memory_space<vmem>>, vector<10000x128xf32>,
    %get3A_191 = arith.constant 0 : index
    %get3A_192 = arith.constant 0 : index
    %get3A_193 = vector.load %arg18[%get3A_191, %get3A_192] : memref<128x128xf32, #tpu.memory_space<vmem>>, vector<128x128xf32>
    %get3A_194 = arith.constant 0 : index
    %get3A_195 = arith.constant 0 : index
    %get3A_196 = vector.load %arg19[%get3A_194, %get3A_195] : memref<1x128xf32, #tpu.memory_space<vmem>>, vector<1x128xf32>
    %get3A_197 = arith.constant 0 : index
    %get3A_198 = arith.constant 0 : index
    %get3A_199 = vector.load %arg20[%get3A_197, %get3A_198] : memref<1x128xf32, #tpu.memory_space<vmem>>, vector<1x128xf32>
    %get3A_200 = arith.constant 0 : index
    %get3A_201 = arith.constant 0 : index
    %get3A_202 = vector.load %arg21[%get3A_200, %get3A_201] : memref<1x128xf32, #tpu.memory_space<vmem>>, vector<1x128xf32>
    %get3A_203 = arith.constant 0 : index
    %get3A_204 = arith.constant 0 : index
    %get3A_205 = vector.load %arg22[%get3A_203, %get3A_204] : memref<128x128xf32, #tpu.memory_space<vmem>>, vector<128x128xf32>
    %get3A_206 = arith.constant 0 : index
    %get3A_207 = arith.constant 0 : index
    %get3A_208 = vector.load %arg23[%get3A_206, %get3A_207] : memref<1x128xf32, #tpu.memory_space<vmem>>, vector<1x128xf32>
    %get3A_209 = arith.constant 0 : index
    %get3A_210 = arith.constant 0 : index
    %get3A_211 = vector.load %arg24[%get3A_209, %get3A_210] : memref<1x128xf32, #tpu.memory_space<vmem>>, vector<1x128xf32>
    %get3A_212 = arith.constant 0 : index
    %get3A_213 = arith.constant 0 : index
    %get3A_214 = vector.load %arg25[%get3A_212, %get3A_213] : memref<1x128xf32, #tpu.memory_space<vmem>>, vector<1x128xf32>
    %dot_general3A_215 = arith.constant dense<0.000000e+00> : vector<10000x128xf32>
    %dot_general3A_216 = tpu.matmul %max3A_94, %get3A_193, %dot_general3A_215 {dimension_numbers = #tpu.dot_dimension_numbers<[1], [1], [0], [0], [0, 0, 1, 0], [], []>, transpose_lhs_hint = false} : vector<10000x128xf32>, vector<128x128xf32>, vector<10000x128xf32> -> vector<10000x128xf32>
    %add3A_217 = vector.broadcast %get3A_196 : vector<1x128xf32> to vector<10000x128xf32>
    %add3A_218 = arith.addf %dot_general3A_216, %add3A_217 : vector<10000x128xf32>
    %reduce_sum3A_219 = arith.constant dense<0.000000e+00> : vector<128xf32>
    %reduce_sum3A_220 = vector.multi_reduction <add>, %add3A_218, %reduce_sum3A_219 [0] : vector<10000x128xf32> to vector<128xf32>
    %div3A_221 = arith.constant 1.000000e+04 : f32
    %div3A_222 = vector.broadcast %div3A_221 : f32 to vector<128xf32>
    %div3A_223 = arith.divf %reduce_sum3A_220, %div3A_222 : vector<128xf32>
    %broadcast_in_dim3A_224 = vector.shape_cast %div3A_223 : vector<128xf32> to vector<1x128xf32>
    %sub3A_225 = vector.broadcast %broadcast_in_dim3A_224 : vector<1x128xf32> to vector<10000x128xf32>
    %sub3A_226 = arith.subf %add3A_218, %sub3A_225 : vector<10000x128xf32>
    %integer_pow3A_227 = arith.mulf %sub3A_226, %sub3A_226 : vector<10000x128xf32>
    %reduce_sum3A_228 = arith.constant dense<0.000000e+00> : vector<128xf32>
    %reduce_sum3A_229 = vector.multi_reduction <add>, %integer_pow3A_227, %reduce_sum3A_228 [0] : vector<10000x128xf32> to vector<128xf32>
    %div3A_230 = arith.constant 1.000000e+04 : f32
    %div3A_231 = vector.broadcast %div3A_230 : f32 to vector<128xf32>
    %div3A_232 = arith.divf %reduce_sum3A_229, %div3A_231 : vector<128xf32>
    %broadcast_in_dim3A_233 = vector.shape_cast %div3A_223 : vector<128xf32> to vector<1x128xf32>
    %sub3A_234 = vector.broadcast %broadcast_in_dim3A_233 : vector<1x128xf32> to vector<10000x128xf32>
    %sub3A_235 = arith.subf %add3A_218, %sub3A_234 : vector<10000x128xf32>
    %add3A_236 = arith.constant 9.99999974E-6 : f32
    %add3A_237 = vector.broadcast %add3A_236 : f32 to vector<128xf32>
    %add3A_238 = arith.addf %div3A_232, %add3A_237 : vector<128xf32>
    %sqrt3A_239 = math.sqrt %add3A_238 : vector<128xf32>
    %broadcast_in_dim3A_240 = vector.shape_cast %sqrt3A_239 : vector<128xf32> to vector<1x128xf32>
    %div3A_241 = vector.broadcast %broadcast_in_dim3A_240 : vector<1x128xf32> to vector<10000x128xf32>
    %div3A_242 = arith.divf %sub3A_235, %div3A_241 : vector<10000x128xf32>
    %mul3A_243 = vector.broadcast %get3A_199 : vector<1x128xf32> to vector<10000x128xf32>
    %mul3A_244 = arith.mulf %div3A_242, %mul3A_243 : vector<10000x128xf32>
    %add3A_245 = vector.broadcast %get3A_202 : vector<1x128xf32> to vector<10000x128xf32>
    %add3A_246 = arith.addf %mul3A_244, %add3A_245 : vector<10000x128xf32>
    %max3A_247 = arith.constant 0.000000e+00 : f32
    %max3A_248 = vector.broadcast %max3A_247 : f32 to vector<10000x128xf32>
    %max3A_249 = arith.maximumf %add3A_246, %max3A_248 : vector<10000x128xf32>
    %dot_general3A_250 = arith.constant dense<0.000000e+00> : vector<10000x128xf32>
    %dot_general3A_251 = tpu.matmul %max3A_249, %get3A_205, %dot_general3A_250 {dimension_numbers = #tpu.dot_dimension_numbers<[1], [1], [0], [0], [0, 0, 1, 0], [], []>, transpose_lhs_hint = false} : vector<10000x128xf32>, vector<128x128xf32>, vector<10000x128xf32> -> vector<10000x128xf32>
    %add3A_252 = vector.broadcast %get3A_208 : vector<1x128xf32> to vector<10000x128xf32>
    %add3A_253 = arith.addf %dot_general3A_251, %add3A_252 : vector<10000x128xf32>
    %reduce_sum3A_254 = arith.constant dense<0.000000e+00> : vector<128xf32>
    %reduce_sum3A_255 = vector.multi_reduction <add>, %add3A_253, %reduce_sum3A_254 [0] : vector<10000x128xf32> to vector<128xf32>
    %div3A_256 = arith.constant 1.000000e+04 : f32
    %div3A_257 = vector.broadcast %div3A_256 : f32 to vector<128xf32>
    %div3A_258 = arith.divf %reduce_sum3A_255, %div3A_257 : vector<128xf32>
    %broadcast_in_dim3A_259 = vector.shape_cast %div3A_258 : vector<128xf32> to vector<1x128xf32>
    %sub3A_260 = vector.broadcast %broadcast_in_dim3A_259 : vector<1x128xf32> to vector<10000x128xf32>
    %sub3A_261 = arith.subf %add3A_253, %sub3A_260 : vector<10000x128xf32>
    %integer_pow3A_262 = arith.mulf %sub3A_261, %sub3A_261 : vector<10000x128xf32>
    %reduce_sum3A_263 = arith.constant dense<0.000000e+00> : vector<128xf32>
    %reduce_sum3A_264 = vector.multi_reduction <add>, %integer_pow3A_262, %reduce_sum3A_263 [0] : vector<10000x128xf32> to vector<128xf32>
    %div3A_265 = arith.constant 1.000000e+04 : f32
    %div3A_266 = vector.broadcast %div3A_265 : f32 to vector<128xf32>
    %div3A_267 = arith.divf %reduce_sum3A_264, %div3A_266 : vector<128xf32>
    %broadcast_in_dim3A_268 = vector.shape_cast %div3A_258 : vector<128xf32> to vector<1x128xf32>
    %sub3A_269 = vector.broadcast %broadcast_in_dim3A_268 : vector<1x128xf32> to vector<10000x128xf32>
    %sub3A_270 = arith.subf %add3A_253, %sub3A_269 : vector<10000x128xf32>
    %add3A_271 = arith.constant 9.99999974E-6 : f32
    %add3A_272 = vector.broadcast %add3A_271 : f32 to vector<128xf32>
    %add3A_273 = arith.addf %div3A_267, %add3A_272 : vector<128xf32>
    %sqrt3A_274 = math.sqrt %add3A_273 : vector<128xf32>
    %broadcast_in_dim3A_275 = vector.shape_cast %sqrt3A_274 : vector<128xf32> to vector<1x128xf32>
    %div3A_276 = vector.broadcast %broadcast_in_dim3A_275 : vector<1x128xf32> to vector<10000x128xf32>
    %div3A_277 = arith.divf %sub3A_270, %div3A_276 : vector<10000x128xf32>
    %mul3A_278 = vector.broadcast %get3A_211 : vector<1x128xf32> to vector<10000x128xf32>
    %mul3A_279 = arith.mulf %div3A_277, %mul3A_278 : vector<10000x128xf32>
    %add3A_280 = vector.broadcast %get3A_214 : vector<1x128xf32> to vector<10000x128xf32>
    %add3A_281 = arith.addf %mul3A_279, %add3A_280 : vector<10000x128xf32>
    %max3A_282 = arith.constant 0.000000e+00 : f32
    %max3A_283 = vector.broadcast %max3A_282 : f32 to vector<10000x128xf32>
    %max3A_284 = arith.maximumf %add3A_281, %max3A_283 : vector<10000x128xf32>
    %swap3A_285 = arith.constant 0 : index
    %swap3A_286 = arith.constant 128 : index
    %swap3A_287 = vector.load %arg26[%swap3A_285, %swap3A_286] : memref<10000x256xf32, #tpu.memory_space<vmem>>, vector<10000x128xf32>
    tpu.vector_store %arg26[%swap3A_285, %swap3A_286], %max3A_284 {strides = array<i32>} : memref<10000x256xf32, #tpu.memory_space<vmem>>, vector<10000x128xf32>,
    return
  }
}

module attributes {stable_mosaic.version = 14 : i64} {
  func.func @_stage1_body(%arg0: memref<10000x128xf32, #tpu.memory_space<vmem>>, %arg1: memref<128x128xf32, #tpu.memory_space<vmem>>, %arg2: memref<1x128xf32, #tpu.memory_space<vmem>>, %arg3: memref<1x128xf32, #tpu.memory_space<vmem>>, %arg4: memref<1x128xf32, #tpu.memory_space<vmem>>, %arg5: memref<128x128xf32, #tpu.memory_space<vmem>>, %arg6: memref<1x128xf32, #tpu.memory_space<vmem>>, %arg7: memref<1x128xf32, #tpu.memory_space<vmem>>, %arg8: memref<1x128xf32, #tpu.memory_space<vmem>>, %arg9: memref<128x128xf32, #tpu.memory_space<vmem>>, %arg10: memref<1x128xf32, #tpu.memory_space<vmem>>, %arg11: memref<1x128xf32, #tpu.memory_space<vmem>>, %arg12: memref<1x128xf32, #tpu.memory_space<vmem>>, %arg13: memref<128x128xf32, #tpu.memory_space<vmem>>, %arg14: memref<1x128xf32, #tpu.memory_space<vmem>>, %arg15: memref<1x128xf32, #tpu.memory_space<vmem>>, %arg16: memref<1x128xf32, #tpu.memory_space<vmem>>, %arg17: memref<10000x128xf32, #tpu.memory_space<vmem>>, %arg18: memref<10000x128xf32, #tpu.memory_space<vmem>>, %arg19: memref<10000x128xf32, #tpu.memory_space<vmem>>) attributes {dimension_semantics = [], scalar_prefetch = 0 : i64, scratch_operands = 0 : i64, tpu.core_type = #tpu.core_type<tc>} {
    %get3A = arith.constant 0 : index
    %get3A_0 = arith.constant 0 : index
    %get3A_1 = vector.load %arg0[%get3A, %get3A_0] : memref<10000x128xf32, #tpu.memory_space<vmem>>, vector<10000x128xf32>
    %get3A_2 = arith.constant 0 : index
    %get3A_3 = arith.constant 0 : index
    %get3A_4 = vector.load %arg1[%get3A_2, %get3A_3] : memref<128x128xf32, #tpu.memory_space<vmem>>, vector<128x128xf32>
    %get3A_5 = arith.constant 0 : index
    %get3A_6 = arith.constant 0 : index
    %get3A_7 = vector.load %arg2[%get3A_5, %get3A_6] : memref<1x128xf32, #tpu.memory_space<vmem>>, vector<1x128xf32>
    %get3A_8 = arith.constant 0 : index
    %get3A_9 = arith.constant 0 : index
    %get3A_10 = vector.load %arg3[%get3A_8, %get3A_9] : memref<1x128xf32, #tpu.memory_space<vmem>>, vector<1x128xf32>
    %get3A_11 = arith.constant 0 : index
    %get3A_12 = arith.constant 0 : index
    %get3A_13 = vector.load %arg4[%get3A_11, %get3A_12] : memref<1x128xf32, #tpu.memory_space<vmem>>, vector<1x128xf32>
    %get3A_14 = arith.constant 0 : index
    %get3A_15 = arith.constant 0 : index
    %get3A_16 = vector.load %arg5[%get3A_14, %get3A_15] : memref<128x128xf32, #tpu.memory_space<vmem>>, vector<128x128xf32>
    %get3A_17 = arith.constant 0 : index
    %get3A_18 = arith.constant 0 : index
    %get3A_19 = vector.load %arg6[%get3A_17, %get3A_18] : memref<1x128xf32, #tpu.memory_space<vmem>>, vector<1x128xf32>
    %get3A_20 = arith.constant 0 : index
    %get3A_21 = arith.constant 0 : index
    %get3A_22 = vector.load %arg7[%get3A_20, %get3A_21] : memref<1x128xf32, #tpu.memory_space<vmem>>, vector<1x128xf32>
    %get3A_23 = arith.constant 0 : index
    %get3A_24 = arith.constant 0 : index
    %get3A_25 = vector.load %arg8[%get3A_23, %get3A_24] : memref<1x128xf32, #tpu.memory_space<vmem>>, vector<1x128xf32>
    %dot_general3A = arith.constant dense<0.000000e+00> : vector<10000x128xf32>
    %dot_general3A_26 = tpu.matmul %get3A_1, %get3A_4, %dot_general3A {dimension_numbers = #tpu.dot_dimension_numbers<[1], [1], [0], [0], [0, 0, 1, 0], [], []>, transpose_lhs_hint = false} : vector<10000x128xf32>, vector<128x128xf32>, vector<10000x128xf32> -> vector<10000x128xf32>
    %add3A = vector.broadcast %get3A_7 : vector<1x128xf32> to vector<10000x128xf32>
    %add3A_27 = arith.addf %dot_general3A_26, %add3A : vector<10000x128xf32>
    %reduce_sum3A = arith.constant dense<0.000000e+00> : vector<128xf32>
    %reduce_sum3A_28 = vector.multi_reduction <add>, %add3A_27, %reduce_sum3A [0] : vector<10000x128xf32> to vector<128xf32>
    %div3A = arith.constant 1.000000e+04 : f32
    %div3A_29 = vector.broadcast %div3A : f32 to vector<128xf32>
    %div3A_30 = arith.divf %reduce_sum3A_28, %div3A_29 : vector<128xf32>
    %broadcast_in_dim3A = vector.shape_cast %div3A_30 : vector<128xf32> to vector<1x128xf32>
    %sub3A = vector.broadcast %broadcast_in_dim3A : vector<1x128xf32> to vector<10000x128xf32>
    %sub3A_31 = arith.subf %add3A_27, %sub3A : vector<10000x128xf32>
    %integer_pow3A = arith.mulf %sub3A_31, %sub3A_31 : vector<10000x128xf32>
    %reduce_sum3A_32 = arith.constant dense<0.000000e+00> : vector<128xf32>
    %reduce_sum3A_33 = vector.multi_reduction <add>, %integer_pow3A, %reduce_sum3A_32 [0] : vector<10000x128xf32> to vector<128xf32>
    %div3A_34 = arith.constant 1.000000e+04 : f32
    %div3A_35 = vector.broadcast %div3A_34 : f32 to vector<128xf32>
    %div3A_36 = arith.divf %reduce_sum3A_33, %div3A_35 : vector<128xf32>
    %broadcast_in_dim3A_37 = vector.shape_cast %div3A_30 : vector<128xf32> to vector<1x128xf32>
    %sub3A_38 = vector.broadcast %broadcast_in_dim3A_37 : vector<1x128xf32> to vector<10000x128xf32>
    %sub3A_39 = arith.subf %add3A_27, %sub3A_38 : vector<10000x128xf32>
    %add3A_40 = arith.constant 9.99999974E-6 : f32
    %add3A_41 = vector.broadcast %add3A_40 : f32 to vector<128xf32>
    %add3A_42 = arith.addf %div3A_36, %add3A_41 : vector<128xf32>
    %sqrt3A = math.sqrt %add3A_42 : vector<128xf32>
    %broadcast_in_dim3A_43 = vector.shape_cast %sqrt3A : vector<128xf32> to vector<1x128xf32>
    %div3A_44 = vector.broadcast %broadcast_in_dim3A_43 : vector<1x128xf32> to vector<10000x128xf32>
    %div3A_45 = arith.divf %sub3A_39, %div3A_44 : vector<10000x128xf32>
    %mul3A = vector.broadcast %get3A_10 : vector<1x128xf32> to vector<10000x128xf32>
    %mul3A_46 = arith.mulf %div3A_45, %mul3A : vector<10000x128xf32>
    %add3A_47 = vector.broadcast %get3A_13 : vector<1x128xf32> to vector<10000x128xf32>
    %add3A_48 = arith.addf %mul3A_46, %add3A_47 : vector<10000x128xf32>
    %max3A = arith.constant 0.000000e+00 : f32
    %max3A_49 = vector.broadcast %max3A : f32 to vector<10000x128xf32>
    %max3A_50 = arith.maximumf %add3A_48, %max3A_49 : vector<10000x128xf32>
    %dot_general3A_51 = arith.constant dense<0.000000e+00> : vector<10000x128xf32>
    %dot_general3A_52 = tpu.matmul %max3A_50, %get3A_16, %dot_general3A_51 {dimension_numbers = #tpu.dot_dimension_numbers<[1], [1], [0], [0], [0, 0, 1, 0], [], []>, transpose_lhs_hint = false} : vector<10000x128xf32>, vector<128x128xf32>, vector<10000x128xf32> -> vector<10000x128xf32>
    %add3A_53 = vector.broadcast %get3A_19 : vector<1x128xf32> to vector<10000x128xf32>
    %add3A_54 = arith.addf %dot_general3A_52, %add3A_53 : vector<10000x128xf32>
    %reduce_sum3A_55 = arith.constant dense<0.000000e+00> : vector<128xf32>
    %reduce_sum3A_56 = vector.multi_reduction <add>, %add3A_54, %reduce_sum3A_55 [0] : vector<10000x128xf32> to vector<128xf32>
    %div3A_57 = arith.constant 1.000000e+04 : f32
    %div3A_58 = vector.broadcast %div3A_57 : f32 to vector<128xf32>
    %div3A_59 = arith.divf %reduce_sum3A_56, %div3A_58 : vector<128xf32>
    %broadcast_in_dim3A_60 = vector.shape_cast %div3A_59 : vector<128xf32> to vector<1x128xf32>
    %sub3A_61 = vector.broadcast %broadcast_in_dim3A_60 : vector<1x128xf32> to vector<10000x128xf32>
    %sub3A_62 = arith.subf %add3A_54, %sub3A_61 : vector<10000x128xf32>
    %integer_pow3A_63 = arith.mulf %sub3A_62, %sub3A_62 : vector<10000x128xf32>
    %reduce_sum3A_64 = arith.constant dense<0.000000e+00> : vector<128xf32>
    %reduce_sum3A_65 = vector.multi_reduction <add>, %integer_pow3A_63, %reduce_sum3A_64 [0] : vector<10000x128xf32> to vector<128xf32>
    %div3A_66 = arith.constant 1.000000e+04 : f32
    %div3A_67 = vector.broadcast %div3A_66 : f32 to vector<128xf32>
    %div3A_68 = arith.divf %reduce_sum3A_65, %div3A_67 : vector<128xf32>
    %broadcast_in_dim3A_69 = vector.shape_cast %div3A_59 : vector<128xf32> to vector<1x128xf32>
    %sub3A_70 = vector.broadcast %broadcast_in_dim3A_69 : vector<1x128xf32> to vector<10000x128xf32>
    %sub3A_71 = arith.subf %add3A_54, %sub3A_70 : vector<10000x128xf32>
    %add3A_72 = arith.constant 9.99999974E-6 : f32
    %add3A_73 = vector.broadcast %add3A_72 : f32 to vector<128xf32>
    %add3A_74 = arith.addf %div3A_68, %add3A_73 : vector<128xf32>
    %sqrt3A_75 = math.sqrt %add3A_74 : vector<128xf32>
    %broadcast_in_dim3A_76 = vector.shape_cast %sqrt3A_75 : vector<128xf32> to vector<1x128xf32>
    %div3A_77 = vector.broadcast %broadcast_in_dim3A_76 : vector<1x128xf32> to vector<10000x128xf32>
    %div3A_78 = arith.divf %sub3A_71, %div3A_77 : vector<10000x128xf32>
    %mul3A_79 = vector.broadcast %get3A_22 : vector<1x128xf32> to vector<10000x128xf32>
    %mul3A_80 = arith.mulf %div3A_78, %mul3A_79 : vector<10000x128xf32>
    %add3A_81 = vector.broadcast %get3A_25 : vector<1x128xf32> to vector<10000x128xf32>
    %add3A_82 = arith.addf %mul3A_80, %add3A_81 : vector<10000x128xf32>
    %max3A_83 = arith.constant 0.000000e+00 : f32
    %max3A_84 = vector.broadcast %max3A_83 : f32 to vector<10000x128xf32>
    %max3A_85 = arith.maximumf %add3A_82, %max3A_84 : vector<10000x128xf32>
    %swap3A = arith.constant 0 : index
    %swap3A_86 = arith.constant 0 : index
    %swap3A_87 = vector.load %arg17[%swap3A, %swap3A_86] : memref<10000x128xf32, #tpu.memory_space<vmem>>, vector<10000x128xf32>
    tpu.vector_store %arg17[%swap3A, %swap3A_86], %max3A_85 {strides = array<i32>} : memref<10000x128xf32, #tpu.memory_space<vmem>>, vector<10000x128xf32>,
    %get3A_88 = arith.constant 0 : index
    %get3A_89 = arith.constant 0 : index
    %get3A_90 = vector.load %arg9[%get3A_88, %get3A_89] : memref<128x128xf32, #tpu.memory_space<vmem>>, vector<128x128xf32>
    %get3A_91 = arith.constant 0 : index
    %get3A_92 = arith.constant 0 : index
    %get3A_93 = vector.load %arg10[%get3A_91, %get3A_92] : memref<1x128xf32, #tpu.memory_space<vmem>>, vector<1x128xf32>
    %get3A_94 = arith.constant 0 : index
    %get3A_95 = arith.constant 0 : index
    %get3A_96 = vector.load %arg11[%get3A_94, %get3A_95] : memref<1x128xf32, #tpu.memory_space<vmem>>, vector<1x128xf32>
    %get3A_97 = arith.constant 0 : index
    %get3A_98 = arith.constant 0 : index
    %get3A_99 = vector.load %arg12[%get3A_97, %get3A_98] : memref<1x128xf32, #tpu.memory_space<vmem>>, vector<1x128xf32>
    %get3A_100 = arith.constant 0 : index
    %get3A_101 = arith.constant 0 : index
    %get3A_102 = vector.load %arg13[%get3A_100, %get3A_101] : memref<128x128xf32, #tpu.memory_space<vmem>>, vector<128x128xf32>
    %get3A_103 = arith.constant 0 : index
    %get3A_104 = arith.constant 0 : index
    %get3A_105 = vector.load %arg14[%get3A_103, %get3A_104] : memref<1x128xf32, #tpu.memory_space<vmem>>, vector<1x128xf32>
    %get3A_106 = arith.constant 0 : index
    %get3A_107 = arith.constant 0 : index
    %get3A_108 = vector.load %arg15[%get3A_106, %get3A_107] : memref<1x128xf32, #tpu.memory_space<vmem>>, vector<1x128xf32>
    %get3A_109 = arith.constant 0 : index
    %get3A_110 = arith.constant 0 : index
    %get3A_111 = vector.load %arg16[%get3A_109, %get3A_110] : memref<1x128xf32, #tpu.memory_space<vmem>>, vector<1x128xf32>
    %dot_general3A_112 = arith.constant dense<0.000000e+00> : vector<10000x128xf32>
    %dot_general3A_113 = tpu.matmul %get3A_1, %get3A_90, %dot_general3A_112 {dimension_numbers = #tpu.dot_dimension_numbers<[1], [1], [0], [0], [0, 0, 1, 0], [], []>, transpose_lhs_hint = false} : vector<10000x128xf32>, vector<128x128xf32>, vector<10000x128xf32> -> vector<10000x128xf32>
    %add3A_114 = vector.broadcast %get3A_93 : vector<1x128xf32> to vector<10000x128xf32>
    %add3A_115 = arith.addf %dot_general3A_113, %add3A_114 : vector<10000x128xf32>
    %reduce_sum3A_116 = arith.constant dense<0.000000e+00> : vector<128xf32>
    %reduce_sum3A_117 = vector.multi_reduction <add>, %add3A_115, %reduce_sum3A_116 [0] : vector<10000x128xf32> to vector<128xf32>
    %div3A_118 = arith.constant 1.000000e+04 : f32
    %div3A_119 = vector.broadcast %div3A_118 : f32 to vector<128xf32>
    %div3A_120 = arith.divf %reduce_sum3A_117, %div3A_119 : vector<128xf32>
    %broadcast_in_dim3A_121 = vector.shape_cast %div3A_120 : vector<128xf32> to vector<1x128xf32>
    %sub3A_122 = vector.broadcast %broadcast_in_dim3A_121 : vector<1x128xf32> to vector<10000x128xf32>
    %sub3A_123 = arith.subf %add3A_115, %sub3A_122 : vector<10000x128xf32>
    %integer_pow3A_124 = arith.mulf %sub3A_123, %sub3A_123 : vector<10000x128xf32>
    %reduce_sum3A_125 = arith.constant dense<0.000000e+00> : vector<128xf32>
    %reduce_sum3A_126 = vector.multi_reduction <add>, %integer_pow3A_124, %reduce_sum3A_125 [0] : vector<10000x128xf32> to vector<128xf32>
    %div3A_127 = arith.constant 1.000000e+04 : f32
    %div3A_128 = vector.broadcast %div3A_127 : f32 to vector<128xf32>
    %div3A_129 = arith.divf %reduce_sum3A_126, %div3A_128 : vector<128xf32>
    %broadcast_in_dim3A_130 = vector.shape_cast %div3A_120 : vector<128xf32> to vector<1x128xf32>
    %sub3A_131 = vector.broadcast %broadcast_in_dim3A_130 : vector<1x128xf32> to vector<10000x128xf32>
    %sub3A_132 = arith.subf %add3A_115, %sub3A_131 : vector<10000x128xf32>
    %add3A_133 = arith.constant 9.99999974E-6 : f32
    %add3A_134 = vector.broadcast %add3A_133 : f32 to vector<128xf32>
    %add3A_135 = arith.addf %div3A_129, %add3A_134 : vector<128xf32>
    %sqrt3A_136 = math.sqrt %add3A_135 : vector<128xf32>
    %broadcast_in_dim3A_137 = vector.shape_cast %sqrt3A_136 : vector<128xf32> to vector<1x128xf32>
    %div3A_138 = vector.broadcast %broadcast_in_dim3A_137 : vector<1x128xf32> to vector<10000x128xf32>
    %div3A_139 = arith.divf %sub3A_132, %div3A_138 : vector<10000x128xf32>
    %mul3A_140 = vector.broadcast %get3A_96 : vector<1x128xf32> to vector<10000x128xf32>
    %mul3A_141 = arith.mulf %div3A_139, %mul3A_140 : vector<10000x128xf32>
    %add3A_142 = vector.broadcast %get3A_99 : vector<1x128xf32> to vector<10000x128xf32>
    %add3A_143 = arith.addf %mul3A_141, %add3A_142 : vector<10000x128xf32>
    %max3A_144 = arith.constant 0.000000e+00 : f32
    %max3A_145 = vector.broadcast %max3A_144 : f32 to vector<10000x128xf32>
    %max3A_146 = arith.maximumf %add3A_143, %max3A_145 : vector<10000x128xf32>
    %dot_general3A_147 = arith.constant dense<0.000000e+00> : vector<10000x128xf32>
    %dot_general3A_148 = tpu.matmul %max3A_146, %get3A_102, %dot_general3A_147 {dimension_numbers = #tpu.dot_dimension_numbers<[1], [1], [0], [0], [0, 0, 1, 0], [], []>, transpose_lhs_hint = false} : vector<10000x128xf32>, vector<128x128xf32>, vector<10000x128xf32> -> vector<10000x128xf32>
    %add3A_149 = vector.broadcast %get3A_105 : vector<1x128xf32> to vector<10000x128xf32>
    %add3A_150 = arith.addf %dot_general3A_148, %add3A_149 : vector<10000x128xf32>
    %reduce_sum3A_151 = arith.constant dense<0.000000e+00> : vector<128xf32>
    %reduce_sum3A_152 = vector.multi_reduction <add>, %add3A_150, %reduce_sum3A_151 [0] : vector<10000x128xf32> to vector<128xf32>
    %div3A_153 = arith.constant 1.000000e+04 : f32
    %div3A_154 = vector.broadcast %div3A_153 : f32 to vector<128xf32>
    %div3A_155 = arith.divf %reduce_sum3A_152, %div3A_154 : vector<128xf32>
    %broadcast_in_dim3A_156 = vector.shape_cast %div3A_155 : vector<128xf32> to vector<1x128xf32>
    %sub3A_157 = vector.broadcast %broadcast_in_dim3A_156 : vector<1x128xf32> to vector<10000x128xf32>
    %sub3A_158 = arith.subf %add3A_150, %sub3A_157 : vector<10000x128xf32>
    %integer_pow3A_159 = arith.mulf %sub3A_158, %sub3A_158 : vector<10000x128xf32>
    %reduce_sum3A_160 = arith.constant dense<0.000000e+00> : vector<128xf32>
    %reduce_sum3A_161 = vector.multi_reduction <add>, %integer_pow3A_159, %reduce_sum3A_160 [0] : vector<10000x128xf32> to vector<128xf32>
    %div3A_162 = arith.constant 1.000000e+04 : f32
    %div3A_163 = vector.broadcast %div3A_162 : f32 to vector<128xf32>
    %div3A_164 = arith.divf %reduce_sum3A_161, %div3A_163 : vector<128xf32>
    %broadcast_in_dim3A_165 = vector.shape_cast %div3A_155 : vector<128xf32> to vector<1x128xf32>
    %sub3A_166 = vector.broadcast %broadcast_in_dim3A_165 : vector<1x128xf32> to vector<10000x128xf32>
    %sub3A_167 = arith.subf %add3A_150, %sub3A_166 : vector<10000x128xf32>
    %add3A_168 = arith.constant 9.99999974E-6 : f32
    %add3A_169 = vector.broadcast %add3A_168 : f32 to vector<128xf32>
    %add3A_170 = arith.addf %div3A_164, %add3A_169 : vector<128xf32>
    %sqrt3A_171 = math.sqrt %add3A_170 : vector<128xf32>
    %broadcast_in_dim3A_172 = vector.shape_cast %sqrt3A_171 : vector<128xf32> to vector<1x128xf32>
    %div3A_173 = vector.broadcast %broadcast_in_dim3A_172 : vector<1x128xf32> to vector<10000x128xf32>
    %div3A_174 = arith.divf %sub3A_167, %div3A_173 : vector<10000x128xf32>
    %mul3A_175 = vector.broadcast %get3A_108 : vector<1x128xf32> to vector<10000x128xf32>
    %mul3A_176 = arith.mulf %div3A_174, %mul3A_175 : vector<10000x128xf32>
    %add3A_177 = vector.broadcast %get3A_111 : vector<1x128xf32> to vector<10000x128xf32>
    %add3A_178 = arith.addf %mul3A_176, %add3A_177 : vector<10000x128xf32>
    %max3A_179 = arith.constant 0.000000e+00 : f32
    %max3A_180 = vector.broadcast %max3A_179 : f32 to vector<10000x128xf32>
    %max3A_181 = arith.maximumf %add3A_178, %max3A_180 : vector<10000x128xf32>
    %swap3A_182 = arith.constant 0 : index
    %swap3A_183 = arith.constant 0 : index
    %swap3A_184 = vector.load %arg18[%swap3A_182, %swap3A_183] : memref<10000x128xf32, #tpu.memory_space<vmem>>, vector<10000x128xf32>
    tpu.vector_store %arg18[%swap3A_182, %swap3A_183], %max3A_181 {strides = array<i32>} : memref<10000x128xf32, #tpu.memory_space<vmem>>, vector<10000x128xf32>,
    %broadcast_in_dim3A_185 = arith.constant 0.000000e+00 : f32
    %broadcast_in_dim3A_186 = vector.broadcast %broadcast_in_dim3A_185 : f32 to vector<10000x128xf32>
    %swap3A_187 = arith.constant 0 : index
    %swap3A_188 = arith.constant 0 : index
    %swap3A_189 = vector.load %arg19[%swap3A_187, %swap3A_188] : memref<10000x128xf32, #tpu.memory_space<vmem>>, vector<10000x128xf32>
    tpu.vector_store %arg19[%swap3A_187, %swap3A_188], %broadcast_in_dim3A_186 {strides = array<i32>} : memref<10000x128xf32, #tpu.memory_space<vmem>>, vector<10000x128xf32>,
    return
  }
}

</mosaic_0001>

<sc_bundles>
// kernel: kernel.6.cloned.1.call-start
scs
__scs_entry_jumppad:
0x0: {  	(pc) =	sbr.rel $0x88, $3  }
0x1: {  	(tag) =	ssettag $0x0;
	lr =	simm.s32 $0x1  }
0x2: {  	[smem:$0x3F77] =	sst lr;
	_ =	strace $0xD0000000  }
0x3: {  	_ = 	snop  }
0x4: {  	_ = 	snop  }
0x5: {  	_ = 	snop  }
0x6: {  	_ = 	snop  }
0x7: {  	_ = 	snop  }
__scs_overlays_trampoline_lowered:
0x8: {  	[smem:$0x3F86] =	sst s0  }
0x9: {  	[smem:$0x3F87] =	sst s1  }
0xa: {  	[smem:$0x3F88] =	sst s2  }
0xb: {  	[smem:$0x3F89] =	sst s3  }
0xc: {  	[smem:$0x3F8A] =	sst s4  }
0xd: {  	[smem:$0x3F8B] =	sst s5  }
0xe: {  	[smem:$0x3F8C] =	sst s6  }
0xf: {  	[smem:$0x3F8D] =	sst s7  }
0x10: {  	[smem:$0x3F8E] =	sst s8  }
0x11: {  	[smem:$0x3F8F] =	sst s9;
	s0 =	simm.s32 @!p0 $0x0  }
0x12: {  	s1 =	sld [smem:$0x3F75];
	s0 =	simm.s32 @p0 $0x1  }
0x13: {  	[smem:$0x3F90] =	sst s0;
	s0 =	simm.s32 @!p1 $0x0  }
0x14: {  	s2 =	sld [smem:$0x3F74];
	s0 =	simm.s32 @p1 $0x1  }
0x15: {  	[smem:$0x3F91] =	sst s0;
	s0 =	simm.s32 @!p2 $0x0  }
0x16: {  	s3 =	sld [smem:$0x3FDB];
	s0 =	simm.s32 @p2 $0x1  }
0x17: {  	s4 =	simm.s32 $0x1BF5;
	[smem:$0x3F93] =	sst s0  }
0x18: {  	s0 =	sld [smem:$0x3F76];
	_ =	swait.ge [sflag:s4], $0x0  }
0x19: {  	s7 =	sld [smem:$0x3F77]  }
0x1a: {  	s8 =	sadd.s32 $0xFFFFE003, lr  }
0x1b: {  	s9 =	sadd.s32 $0xFFFFFEF7, lr;
	s5 =	simm.s32 $0xFFFFFFFF;
	p2 =	slt.u32 s8, $0xFFFFF086  }
0x1c: {  	p1 =	slt.u32 s9, $0xF7A;
	s5 =	simm.s32 @!p2 $0x0  }
0x1d: {  	s5 =	simm.s32 @p1 $0x1;
	p0 =	seq.s32 s7, s2  }
0x1e: {  	s7 =	smul.u32 @!p0 $0xF7A, s2;
	p2 =	seq.s32 @!p0 s5, $0x0  }
0x1f: {  	s9 =	smul.u32 $0xF7A, s1;
	s8 =	simm.s32 @!p0 $0x1BF5;
	p2 =	por !p2, p0  }
0x20: {  	[sflag:s8] =	ssyncset.s32 @!p0 $0xFFFFF086;
	s6 =	sadd.s32 @!p0 s3, s7;
	s7 =	simm.s32 @!p0 $0x108  }
0x21: {  	s3 =	sadd.s32 s3, s9;
	s6 =	sadd.s32 @!p0 $0x88, s6;
	s7 =	simm.s32 @p2 $0x1082  }
0x22: {  	[simem:s7], [sflag:s8] =	dma.local @!p0 [hbm:s6], $0xF7A  }
0x23: {  	s9 =	sor.u32 $0xD0000000, s2;
	s6 =	simm.s32 $0x108;
	_ =	swait.ge @!p0 [sflag:s8], $0x0  }
0x24: {  	s3 =	sadd.s32 $0x88, s3;
	s6 =	simm.s32 @!p1 $0x1082;
	[sflag:s4] =	ssyncset.s32 $0xFFFFF086  }
0x25: {  	[simem:s6], [sflag:s4] =	dma.local [hbm:s3], $0xF7A  }
0x26: {  	[smem:$0x3F77] =	sst s1;
	(tag) =	ssettag s2;
	_ =	strace s9  }
0x27: {  	s1 =	sld [smem:$0x3F87]  }
0x28: {  	s2 =	sld [smem:$0x3F88]  }
0x29: {  	s4 =	sld [smem:$0x3F8A]  }
0x2a: {  	p0 =	seq.s32 s5, $0x0;
	s5 =	sld [smem:$0x3F8B]  }
0x2b: {  	s6 =	sld [smem:$0x3F8C]  }
0x2c: {  	s7 =	sld [smem:$0x3F8D]  }
0x2d: {  	s3 =	simm.s32 $0x108;
	s8 =	sld [smem:$0x3F8E]  }
0x2e: {  	s3 =	simm.s32 @!p0 $0x1082;
	s9 =	sld [smem:$0x3F8F]  }
0x2f: {  	lr =	sadd.s32 s0, s3;
	s0 =	sld [smem:$0x3F86]  }
0x30: {  	s3 =	sld [smem:$0x3F89]  }
0x31: {  	[smem:$0x3F92] =	sst s10  }
0x32: {  	s10 =	sld [smem:$0x3F90];
	_ =	sdelay $0x3  }
0x33: {  	p0 =	seq.s32 s10, $0x1;
	s10 =	sld [smem:$0x3F92];
	_ =	sdelay $0x3  }
0x34: {  	[smem:$0x3F92] =	sst s10  }
0x35: {  	s10 =	sld [smem:$0x3F91];
	_ =	sdelay $0x3  }
0x36: {  	p1 =	seq.s32 s10, $0x1;
	s10 =	sld [smem:$0x3F92];
	_ =	sdelay $0x3  }
0x37: {  	[smem:$0x3F92] =	sst s10  }
0x38: {  	s10 =	sld [smem:$0x3F93]  }
0x39: {  	_ = 	snop;
	(pc) =	sbr.ind lr, $3  }
0x3a: {  	_ = 	snop  }
0x3b: {  	_ = 	snop  }
0x3c: {  	p2 =	seq.s32 s10, $0x1;
	s10 =	sld [smem:$0x3F92]  }
0x3d: {  	_ =	shalt  }
0x3e: {  	_ =	shalt  }
0x3f: {  	_ =	shalt  }
0x40: {  	_ =	shalt  }
0x41: {  	_ =	shalt  }
0x42: {  	_ =	shalt  }
0x43: {  	_ =	shalt  }
0x44: {  	_ =	shalt  }
0x45: {  	_ =	shalt  }
0x46: {  	_ =	shalt  }
0x47: {  	_ =	shalt  }
0x48: {  	_ =	shalt  }
0x49: {  	_ =	shalt  }
0x4a: {  	_ =	shalt  }
0x4b: {  	_ =	shalt  }
0x4c: {  	_ =	shalt  }
0x4d: {  	_ =	shalt  }
0x4e: {  	_ =	shalt  }
0x4f: {  	_ =	shalt  }
0x50: {  	_ =	shalt  }
0x51: {  	_ =	shalt  }
0x52: {  	_ =	shalt  }
0x53: {  	_ =	shalt  }
0x54: {  	_ =	shalt  }
0x55: {  	_ =	shalt  }
0x56: {  	_ =	shalt  }
0x57: {  	_ =	shalt  }
0x58: {  	_ =	shalt  }
0x59: {  	_ =	shalt  }
0x5a: {  	_ =	shalt  }
0x5b: {  	_ =	shalt  }
0x5c: {  	_ =	shalt  }
0x5d: {  	_ =	shalt  }
0x5e: {  	_ =	shalt  }
0x5f: {  	_ =	shalt  }
0x60: {  	_ =	shalt  }
0x61: {  	_ =	shalt  }
0x62: {  	_ =	shalt  }
0x63: {  	_ =	shalt  }
0x64: {  	_ =	shalt  }
0x65: {  	_ =	shalt  }
0x66: {  	_ =	shalt  }
0x67: {  	_ =	shalt  }
0x68: {  	_ =	shalt  }
0x69: {  	_ =	shalt  }
0x6a: {  	_ =	shalt  }
0x6b: {  	_ =	shalt  }
0x6c: {  	_ =	shalt  }
0x6d: {  	_ =	shalt  }
0x6e: {  	_ =	shalt  }
0x6f: {  	_ =	shalt  }
0x70: {  	_ =	shalt  }
0x71: {  	_ =	shalt  }
0x72: {  	_ =	shalt  }
0x73: {  	_ =	shalt  }
0x74: {  	_ =	shalt  }
0x75: {  	_ =	shalt  }
0x76: {  	_ =	shalt  }
0x77: {  	_ =	shalt  }
0x78: {  	_ =	shalt  }
0x79: {  	_ =	shalt  }
0x7a: {  	_ =	shalt  }
0x7b: {  	_ =	shalt  }
0x7c: {  	_ =	shalt  }
0x7d: {  	_ =	shalt  }
0x7e: {  	_ =	shalt  }
0x7f: {  	_ =	shalt  }
0x80: {  	_ =	shalt  }
0x81: {  	_ =	shalt  }
0x82: {  	_ =	shalt  }
0x83: {  	_ =	shalt  }
0x84: {  	_ =	shalt  }
0x85: {  	_ =	shalt  }
0x86: {  	_ =	shalt  }
0x87: {  	_ =	shalt  }
.Lfunc_end0:
.L_simem_size_0:
called_computation_lowered:
.L_overlay_start_0:
0x88: {  	s2 =	sld [smem:$0x3FD9]  }
0x89: {  	s3 =	sld [smem:$0x3FFE];
	_ =	sdelay $0x1  }
0x8a: {  	s1 =	srdreg.scid  }
0x8b: {  	s0 =	sand.u32 $0x1, s1  }
0x8c: {  	s17 =	sshll.u32 s0, $0xA;
	s2 =	sadd.s32 s3, s2  }
0x8d: {  	s2 =	sadd.s32 s2, s17  }
0x8e: {  	[smem:$0x3F9E] =	sst s2  }
0x8f: {  	_ = 	snop  }
0x90: {  	s2 =	sld [smem:$0x3FD0];
	(tm) =	ssettm $0x1  }
0x91: {  	s18 =	sld [smem:$0x3FFB];
	_ =	sdelay $0x3  }
0x92: {  	_ =	strace s18  }
0x93: {  	s3 =	sld [smem:$0x3FFC];
	_ =	sdelay $0x3  }
0x94: {  	_ =	strace s3  }
0x95: {  	s3 =	sld [smem:$0x3FFD];
	_ =	sdelay $0x3  }
0x96: {  	_ =	strace s3  }
0x97: {  	_ =	strace $0x8FFFFFFF  }
0x98: {  	s19 =	sld [smem:$0x3FDB];
	_ =	sdelay $0x1  }
0x99: {  	s4 =	simm.s32 $_scs_section_size  }
0x9a: {  	s5 =	simm.s32 $_size__tile_overlayer_lowered;
	s6 =	simm.s32 $_tile_overlayer_lowered  }
0x9b: {  	s22 =	simm.s32 $0x1BFF;
	s21 =	sshll.u32 s6, $0x1;
	s3 =	sadd.s32 s4, s19  }
0x9c: {  	s7 =	simm.s32 $0x0;
	s20 =	sshll.u32 s5, $0x1;
	s5 =	sadd.s32 s21, s3  }
0x9d: {  	[timem:s7], [sflag:s22] =	dma.local [hbm:s5], s20  }
0x9e: {  	_ =	swait.ge [sflag:s22], s20  }
0x9f: {  	s4 =	ssub.s32 $0x0, s20;
	[sflag:s22] =	ssyncset.done $0x0  }
0xa0: {  	[sflag:s22] =	ssyncadd.s32 s4;
	_ =	sdelay $0x1  }
0xa1: {  	s23 =	simm.s32 $0x1B8B  }
0xa2: {  	_ =	swait.ge [sflag:s23], $0x1  }
0xa3: {  	[sflag:s23] =	ssyncset.done $0x0  }
0xa4: {  	s25 =	simm.s32 $0x1B8E;
	s24 =	sld [smem:$0x3FFE];
	[sflag:s23] =	ssyncadd.s32 $0xFFFFFFFF  }
0xa5: {  	s26 =	simm.s32 $execute0_lowered;
	[smem:$0x3FD2] =	sst s25  }
0xa6: {  	s5 =	sshll.u32 s26, $0x1;
	_ =	strace $0x80000046;
	[dreg:$0x1] =	wrdreg $0xFFFFFFFF  }
0xa7: {  	s28 =	simm.s32 $_size_execute0_lowered;
	s3 =	sadd.s32 s3, s5;
	[dreg:$0x0] =	wrdreg $0x0  }
0xa8: {  	s5 =	sshll.u32 s28, $0x1;
	[dreg:$0x2] =	wrdreg s3  }
0xa9: {  	[dreg:$0x3] =	wrdreg s5  }
0xaa: {  	[dreg:$0x4] =	wrdreg $0xC0  }
0xab: {  	_ =	task [dreg:s7], $0x5FFFF  }
0xac: {  	[dreg:$0x1] =	wrdreg $0xFFFFFFFF  }
0xad: {  	[dreg:$0x0] =	wrdreg $0x60  }
0xae: {  	[dreg:$0x2] =	wrdreg s2  }
0xaf: {  	[dreg:$0x3] =	wrdreg s24  }
0xb0: {  	[dreg:$0x4] =	wrdreg $0xC0000  }
0xb1: {  	[dreg:$0x5] =	wrdreg $0x9  }
0xb2: {  	_ =	task.clear_ibuf [dreg:s7], $0x6FFFF;
	_ =	strace $0x90000046  }
0xb3: {  	s29 =	simm.s32 $0x9;
	_ =	strace $0x80000048  }
0xb4: {  	_ =	swait.ge [sflag:s29], $0x1  }
0xb5: {  	[sflag:s29] =	ssyncadd.s32 $0xFFFFFFFF  }
0xb6: {  	_ =	strace $0x90000048  }
0xb7: {  	_ =	sfence  }
0xb8: {  	s30 =	sld [smem:$0x0];
	_ =	sdelay $0x2  }
0xb9: {  	s31 =	sshll.u32 s1, $0xD;
	s1 =	sshrl.u32 s1, $0x2  }
0xba: {  	s3 =	sand.u32 $0x4000, s31;
	s1 =	sadd.s32 s1, s30  }
0xbb: {  	s0 =	sor.u32 s3, s0;
	s1 =	sshll.u32 s1, $0x11  }
0xbc: {  	s0 =	sor.u32 s1, s0  }
0xbd: {  	s0 =	sadd.s32 $0x8F2B, s0  }
0xbe: {  	[sflag:s0] =	ssyncadd.remote.s32 $0x1  }
0xbf: {  	_ =	sfence.sel $0xFFFF  }
0xc0: {  	[dreg:$0x0] =	wrdreg $0xFFFFFFFF;
	(pc) =	sbr.abs _section_cstart, $3  }
0xc1: {  	[dreg:$0x1] =	wrdreg $0xFFFFFFFF  }
0xc2: {  	_ =	task.clear_ibuf [dreg:s7], $0x2FFFF;
	_ =	strace $0x9FFFFFFF  }
0xc3: {  	(tm) =	ssettm $0x7FFFFFFF  }
tec
execute0_lowered:
.L_overlay_start_1:
0x0: {  	(tag) =	ssettag $0x1  }
0x1: {  	s1 =	rddreg [dreg:$0x0]  }
0x2: {  	s4 =	rddreg [dreg:$0x1]  }
0x3: {  	s2 =	rddreg [dreg:$0x2];
	s3 =	simm.s32 $0x0;
	s15 =	stileid.u32  }
0x4: {  	s8 =	srdreg.scid;
	[smem:$0x7FF] =	sst s3  }
0x5: {  	s5 =	sadd.s32 $0x24400, s4;
	s0 =	sadd.s32 $0x4B600, s4;
	s9 =	smul.u32 $0xA00, s15  }
0x6: {  	s6 =	sadd.s32 $0x1A400, s4;
	s7 =	sadd.s32 $0x10400, s4;
	s10 =	smul.u32 $0x5000, s15  }
0x7: {  	s25 =	sadd.s32 $0x72800, s4;
	s13 =	smul.u32 $0xA000, s15;
	s12 =	sor.u32 $0x10, s15  }
0x8: {  	s8 =	sand.u32 $0x1, s8;
	s26 =	sadd.s32 $0x99A00, s4;
	s21 =	smul.u32 $0x500, s12  }
0x9: {  	s14 =	sor.u32 $0x20, s15;
	s23 =	sor.u32 $0x30, s15;
	s19 =	smul.u32 $0xA000, s12  }
0xa: {  	s16 =	sor.u32 $0x40, s15;
	_ =	strace $0x80000047;
	s22 =	smul.u32 $0xA000, s14  }
0xb: {  	s11 =	ssub.s32 $0x2, s8;
	s17 =	smul.u32 $0xA000, s23;
	[dreg:$0x5] =	wrdreg s26  }
0xc: {  	s30 =	smul.u32 $0xA000, s16;
	p0 =	sne.s32 s8, $0x0;
	[dreg:$0x4] =	wrdreg s25  }
0xd: {  	s18 =	sshrl.u32 s11, $0x1;
	s20 =	sadd.s32 s6, s9;
	s9 =	sadd.s32 s7, s9  }
0xe: {  	s12 =	sadd.s32 $0x1000, s10;
	s24 =	sshrl.u32 s13, $0x2;
	s13 =	smul.u32 $0x500, s23  }
0xf: {  	s23 =	smul.u32 $0x500, s15;
	s4 =	ssub.s32 s11, s18;
	[dreg:$0x6] =	wrdreg s20  }
0x10: {  	[dreg:$0x7] =	wrdreg s9;
	s9 =	smul.u32 $0x500, s14;
	s11 =	sshrl.u32 s19, $0x2  }
0x11: {  	s28 =	sadd.s32 s24, s2;
	s10 =	sshrl.u32 s22, $0x2;
	s18 =	sor.u32 $0x50, s15  }
0x12: {  	s31 =	sshrl.u32 s17, $0x2;
	s20 =	sor.u32 $0x60, s15;
	s8 =	smul.u32 $0x500, s18  }
0x13: {  	s24 =	sor.u32 $0x70, s15;
	s4 =	smax.u32 s4, $0x1;
	s19 =	smul.u32 $0xA000, s18  }
0x14: {  	s29 =	sadd.s32 s11, s2;
	s17 =	sadd.s32 s31, s2;
	s14 =	smul.u32 $0xA000, s20  }
0x15: {  	s11 =	sshrl.u32 s30, $0x2;
	s22 =	smul.u32 $0x500, s20;
	[dreg:$0x9] =	wrdreg s28  }
0x16: {  	p1 =	sgt.u32 s24, $0x7C;
	s30 =	sadd.s32 s0, s21;
	[dreg:$0x8] =	wrdreg s4  }
0x17: {  	p2 =	slt.u32 s24, $0x7D;
	s15 =	sadd.s32 s0, s13;
	[dreg:$0xd] =	wrdreg s30  }
0x18: {  	s4 =	smul.u32 $0x500, s16;
	s16 =	sadd.s32 s10, s2;
	[dreg:$0xf] =	wrdreg s15  }
0x19: {  	s18 =	sadd.s32 s11, s2;
	s31 =	sadd.s32 s0, s9;
	[dreg:$0xa] =	wrdreg s29  }
0x1a: {  	s10 =	smul.u32 $0xA000, s24;
	s15 =	sadd.s32 s26, s23;
	[dreg:$0xe] =	wrdreg s31  }
0x1b: {  	s11 =	sshrl.u32 s14, $0x2;
	s30 =	sadd.s32 s0, s8;
	[dreg:$0x15] =	wrdreg s15  }
0x1c: {  	s31 =	sadd.s32 s0, s22;
	s20 =	sadd.s32 s11, s2;
	[dreg:$0x11] =	wrdreg s30  }
0x1d: {  	s11 =	smul.u32 $0x500, s24;
	s24 =	sadd.s32 s0, s23;
	[dreg:$0x12] =	wrdreg s31  }
0x1e: {  	s23 =	sadd.s32 s25, s23;
	[dreg:$0xc] =	wrdreg s24  }
0x1f: {  	s30 =	sadd.s32 s25, s21;
	[dreg:$0x16] =	wrdreg s23  }
0x20: {  	s31 =	sadd.s32 s26, s9;
	[dreg:$0x18] =	wrdreg s30  }
0x21: {  	s14 =	sshrl.u32 s10, $0x2;
	s10 =	sadd.s32 s25, s9;
	[dreg:$0x19] =	wrdreg s31  }
0x22: {  	s15 =	sadd.s32 s26, s4;
	[dreg:$0x1a] =	wrdreg s10  }
0x23: {  	s19 =	sshrl.u32 s19, $0x2;
	s24 =	sadd.s32 s0, s4;
	[dreg:$0x1d] =	wrdreg s15  }
0x24: {  	s19 =	sadd.s32 s19, s2;
	s9 =	simm.s32 $0x4;
	[dreg:$0x10] =	wrdreg s24  }
0x25: {  	s23 =	sadd.s32 s26, s8;
	s30 =	sadd.s32 s26, s22;
	[dreg:$0xb] =	wrdreg s11  }
0x26: {  	s31 =	sadd.s32 s25, s22;
	s10 =	simm.s32 $0x7D;
	[dreg:$0x1f] =	wrdreg s23  }
0x27: {  	s22 =	simm.s32 $0x1;
	s0 =	sadd.s32 s0, s11;
	[smem:$0x7FC] =	sst s30  }
0x28: {  	s24 =	sadd.s32 s26, s21;
	s11 =	sadd.s32 s26, s13;
	[smem:$0x7FD] =	sst s31  }
0x29: {  	s21 =	sadd.s32 s25, s4;
	s4 =	simm.s32 $0x8000;
	[dreg:$0x13] =	wrdreg s0  }
0x2a: {  	s23 =	simm.s32 $0x2;
	s0 =	sadd.s32 s14, s2;
	[dreg:$0x17] =	wrdreg s24  }
.Ltmp0:
0x2b: {  	[dreg:$0x1b] =	wrdreg s11;
	s14 =	sadd.s32 s25, s13;
	(pc) =	sbr.rel .LBB2_1-.Ltmp0, $4  }
0x2c: {  	[dreg:$0x1e] =	wrdreg s21;
	s24 =	sadd.s32 s25, s8;
	s21 =	simm.s32 $0x6  }
0x2d: {  	s8 =	simm.s32 $0x5;
	s11 =	simm.s32 $0x2000;
	[dreg:$0x14] =	wrdreg s0  }
0x2e: {  	s13 =	simm.s32 $0x4000;
	s25 =	simm.s32 $0x0;
	[dreg:$0x1c] =	wrdreg s14  }
0x2f: {  	[smem:$0x7FB] =	sst s24;
	s0 =	simm.s32 $0x1000;
	s24 =	simm.s32 $0x3  }
.LBB2_24:
0x30: {  	s14 =	rddreg [dreg:$0x14]  }
0x31: {  	[tilespmem:s4], [sflag:$0x6] =	stream.linear.gather [spmem:s14], $0x2800, $0x38;
	[tilespmem:$0x1F880] =	vst v63  }
0x32: {  	_ =	swait.ge [sflag:s21], $0x2800  }
0x33: {  	[sflag:s21] =	ssyncset.done $0x0;
	s31 =	rddreg [dreg:$0xb]  }
0x34: {  	s14 =	sadd.s32 s26, s31;
	[sflag:s21] =	ssyncadd.s32 $0xFFFFD800  }
0x35: {  	[hbm4b:s14+s3] =	stream.linear.scatter [tilespmem:s4], [sflag:$0x5], $0x2800, $0x38;
	[tilespmem:$0x1F880] =	vst v63  }
0x36: {  	_ =	swait.ge [sflag:s8], $0x2800  }
0x37: {  	[sflag:s8] =	ssyncset.done $0x0  }
0x38: {  	[sflag:s8] =	ssyncadd.s32 $0xFFFFD800  }
.LBB2_25:
0x39: {  	s25 =	sadd.s32 $0x1, s25;
	s14 =	rddreg [dreg:$0x8]  }
0x3a: {  	p3 =	sne.s32 s25, s14  }
.Ltmp1:
0x3b: {  	_ = 	snop;
	(pc) =	sbr.rel @!p3 .LBB2_26-.Ltmp1, $1  }
0x3c: {  	_ =	sdelay $0x3  }
.LBB2_1:
.Ltmp2:
0x3d: {  	(pc) =	sbr.rel @p0 .LBB2_13-.Ltmp2, $4  }
0x3e: {  	s14 =	rddreg [dreg:$0x6]  }
0x3f: {  	[tilespmem:s3], [sflag:$0x3] =	stream.linear.gather [hbm4b:s14+s3], $0x1000, $0x38;
	[tilespmem:$0x1F880] =	vst v63  }
0x40: {  	s31 =	rddreg [dreg:$0x7]  }
0x41: {  	[tilespmem:s0], [sflag:$0x3] =	stream.linear.gather [hbm4b:s31+s3], $0x1000, $0x38;
	[tilespmem:$0x1F880] =	vst v63  }
0x42: {  	s14 =	rddreg [dreg:$0xc]  }
0x43: {  	[tilespmem:s4], [sflag:$0x6] =	stream.linear.gather [hbm4b:s14+s3], $0x2800, $0x38;
	[tilespmem:$0x1F880] =	vst v63  }
0x44: {  	_ =	swait.ge [sflag:s21], $0x2800  }
0x45: {  	[sflag:s21] =	ssyncset.done $0x0  }
0x46: {  	[sflag:s21] =	ssyncadd.s32 $0xFFFFD800  }
0x47: {  	[spmem:s28] =	stream.linear.scatter [tilespmem:s4], [sflag:$0x5], $0x2800, $0x38;
	[tilespmem:$0x1F880] =	vst v63  }
0x48: {  	_ =	swait.ge [sflag:s8], $0x2800  }
0x49: {  	[sflag:s8] =	ssyncset.done $0x0  }
0x4a: {  	s15 =	rddreg [dreg:$0xd];
	[sflag:s8] =	ssyncadd.s32 $0xFFFFD800  }
0x4b: {  	[tilespmem:s4], [sflag:$0x6] =	stream.linear.gather [hbm4b:s15+s3], $0x2800, $0x38;
	[tilespmem:$0x1F880] =	vst v63  }
0x4c: {  	_ =	swait.ge [sflag:s21], $0x2800  }
0x4d: {  	[sflag:s21] =	ssyncset.done $0x0  }
0x4e: {  	[sflag:s21] =	ssyncadd.s32 $0xFFFFD800  }
0x4f: {  	[spmem:s29] =	stream.linear.scatter [tilespmem:s4], [sflag:$0x5], $0x2800, $0x38;
	[tilespmem:$0x1F880] =	vst v63  }
0x50: {  	_ =	swait.ge [sflag:s8], $0x2800  }
0x51: {  	[sflag:s8] =	ssyncset.done $0x0  }
0x52: {  	s26 =	rddreg [dreg:$0xe];
	[sflag:s8] =	ssyncadd.s32 $0xFFFFD800  }
0x53: {  	[tilespmem:s4], [sflag:$0x6] =	stream.linear.gather [hbm4b:s26+s3], $0x2800, $0x38;
	[tilespmem:$0x1F880] =	vst v63  }
0x54: {  	_ =	swait.ge [sflag:s21], $0x2800  }
0x55: {  	[sflag:s21] =	ssyncset.done $0x0  }
0x56: {  	[sflag:s21] =	ssyncadd.s32 $0xFFFFD800  }
0x57: {  	[spmem:s16] =	stream.linear.scatter [tilespmem:s4], [sflag:$0x5], $0x2800, $0x38;
	[tilespmem:$0x1F880] =	vst v63  }
0x58: {  	_ =	swait.ge [sflag:s8], $0x2800  }
0x59: {  	[sflag:s8] =	ssyncset.done $0x0  }
0x5a: {  	s28 =	rddreg [dreg:$0xf];
	[sflag:s8] =	ssyncadd.s32 $0xFFFFD800  }
0x5b: {  	[tilespmem:s4], [sflag:$0x6] =	stream.linear.gather [hbm4b:s28+s3], $0x2800, $0x38;
	[tilespmem:$0x1F880] =	vst v63  }
0x5c: {  	_ =	swait.ge [sflag:s21], $0x2800  }
0x5d: {  	[sflag:s21] =	ssyncset.done $0x0  }
0x5e: {  	[sflag:s21] =	ssyncadd.s32 $0xFFFFD800  }
0x5f: {  	[spmem:s17] =	stream.linear.scatter [tilespmem:s4], [sflag:$0x5], $0x2800, $0x38;
	[tilespmem:$0x1F880] =	vst v63  }
0x60: {  	_ =	swait.ge [sflag:s8], $0x2800  }
0x61: {  	[sflag:s8] =	ssyncset.done $0x0  }
0x62: {  	s29 =	rddreg [dreg:$0x10];
	[sflag:s8] =	ssyncadd.s32 $0xFFFFD800  }
0x63: {  	[tilespmem:s4], [sflag:$0x6] =	stream.linear.gather [hbm4b:s29+s3], $0x2800, $0x38;
	[tilespmem:$0x1F880] =	vst v63  }
0x64: {  	_ =	swait.ge [sflag:s21], $0x2800  }
0x65: {  	[sflag:s21] =	ssyncset.done $0x0  }
0x66: {  	[sflag:s21] =	ssyncadd.s32 $0xFFFFD800  }
0x67: {  	[spmem:s18] =	stream.linear.scatter [tilespmem:s4], [sflag:$0x5], $0x2800, $0x38;
	[tilespmem:$0x1F880] =	vst v63  }
0x68: {  	_ =	swait.ge [sflag:s8], $0x2800  }
0x69: {  	[sflag:s8] =	ssyncset.done $0x0  }
0x6a: {  	s30 =	rddreg [dreg:$0x11];
	[sflag:s8] =	ssyncadd.s32 $0xFFFFD800  }
0x6b: {  	[tilespmem:s4], [sflag:$0x6] =	stream.linear.gather [hbm4b:s30+s3], $0x2800, $0x38;
	[tilespmem:$0x1F880] =	vst v63  }
0x6c: {  	_ =	swait.ge [sflag:s21], $0x2800  }
0x6d: {  	[sflag:s21] =	ssyncset.done $0x0  }
0x6e: {  	[sflag:s21] =	ssyncadd.s32 $0xFFFFD800  }
0x6f: {  	[spmem:s19] =	stream.linear.scatter [tilespmem:s4], [sflag:$0x5], $0x2800, $0x38;
	[tilespmem:$0x1F880] =	vst v63  }
0x70: {  	_ =	swait.ge [sflag:s8], $0x2800  }
0x71: {  	[sflag:s8] =	ssyncset.done $0x0  }
0x72: {  	s31 =	rddreg [dreg:$0x12];
	[sflag:s8] =	ssyncadd.s32 $0xFFFFD800  }
0x73: {  	[tilespmem:s4], [sflag:$0x6] =	stream.linear.gather [hbm4b:s31+s3], $0x2800, $0x38;
	[tilespmem:$0x1F880] =	vst v63  }
0x74: {  	_ =	swait.ge [sflag:s21], $0x2800  }
0x75: {  	[sflag:s21] =	ssyncset.done $0x0  }
0x76: {  	[sflag:s21] =	ssyncadd.s32 $0xFFFFD800  }
0x77: {  	[spmem:s20] =	stream.linear.scatter [tilespmem:s4], [sflag:$0x5], $0x2800, $0x38;
	[tilespmem:$0x1F880] =	vst v63  }
0x78: {  	_ =	swait.ge [sflag:s8], $0x2800  }
0x79: {  	s26 =	simm.s32 @!p1 $0x0;
	[sflag:s8] =	ssyncset.done $0x0  }
0x7a: {  	s28 =	simm.s32 @!p1 $0x8000;
	s14 =	rddreg [dreg:$0x13];
	[sflag:s8] =	ssyncadd.s32 $0xFFFFD800  }
0x7b: {  	[tilespmem:s28], [sflag:$0x6] =	stream.linear.gather @!p1 [hbm4b:s14+s26], $0x2800, $0x38;
	[tilespmem:$0x1F880] =	vst v63  }
0x7c: {  	s26 =	simm.s32 @!p1 $0x6  }
0x7d: {  	_ =	swait.ge @!p1 [sflag:s26], $0x2800  }
0x7e: {  	[sflag:s26] =	ssyncset.done @!p1 $0x0  }
0x7f: {  	s14 =	rddreg [dreg:$0x14];
	[sflag:s26] =	ssyncadd.s32 @!p1 $0xFFFFD800;
	s26 =	simm.s32 @!p1 $0x5  }
0x80: {  	[spmem:s14] =	stream.linear.scatter @!p1 [tilespmem:s28], [sflag:$0x5], $0x2800, $0x38;
	[tilespmem:$0x1F880] =	vst v63  }
.Ltmp3:
0x81: {  	_ =	swait.ge @!p1 [sflag:s26], $0x2800;
	(pc) =	sbr.rel .LBB2_3-.Ltmp3, $4  }
0x82: {  	[sflag:s26] =	ssyncset.done @!p1 $0x0  }
0x83: {  	[sflag:s26] =	ssyncadd.s32 @!p1 $0xFFFFD800  }
0x84: {  	[bflag:$0x0] =	sbarrier.arrive $0xFFFF  }
0x85: {  	s26 =	simm.s32 $0x0  }
.LBB2_7:
0x86: {  	s14 =	sadd.s32 $0x80, s29;
	[sflag:s8] =	ssyncadd.s32 @p3 $0xFFFFC180  }
0x87: {  	[tilespmem:s4], [sflag:$0x2] =	stream.indirect.gather [hbm4b:s1+s10], $0x80, s14, s10, $0xb8;
	[tilespmem:$0x1F880] =	vst v63  }
0x88: {  	_ =	swait.ge [sflag:s22], $0x3E80  }
0x89: {  	[sflag:s22] =	ssyncset.done $0x0  }
0x8a: {  	s15 =	sadd.s32 $0x1000, s29;
	[sflag:s22] =	ssyncadd.s32 $0xFFFFC180  }
0x8b: {  	[spmem:s2] =	stream.indirect.scatter.add.f32 [tilespmem:s13], [sflag:$0x5], $0x80, s15, s10, $0xb8;
	[tilespmem:$0x1F880] =	vst v63  }
0x8c: {  	_ =	swait.ge [sflag:s8], $0x3E80  }
0x8d: {  	[sflag:s8] =	ssyncset.done $0x0  }
0x8e: {  	s30 =	sadd.s32 $0x100, s29;
	[sflag:s8] =	ssyncadd.s32 $0xFFFFC180  }
0x8f: {  	[tilespmem:s13], [sflag:$0x1] =	stream.indirect.gather [hbm4b:s1+s10], $0x80, s30, s10, $0xb8;
	[tilespmem:$0x1F880] =	vst v63  }
0x90: {  	_ =	swait.ge [sflag:s23], $0x3E80  }
0x91: {  	[sflag:s23] =	ssyncset.done $0x0  }
0x92: {  	s31 =	sadd.s32 $0x1080, s29;
	[sflag:s23] =	ssyncadd.s32 $0xFFFFC180  }
0x93: {  	[spmem:s2] =	stream.indirect.scatter.add.f32 [tilespmem:s4], [sflag:$0x5], $0x80, s31, s10, $0xb8;
	[tilespmem:$0x1F880] =	vst v63  }
0x94: {  	_ =	swait.ge [sflag:s8], $0x3E80  }
0x95: {  	[sflag:s8] =	ssyncset.done $0x0  }
0x96: {  	s29 =	simm.s32 $0x1000;
	[sflag:s8] =	ssyncadd.s32 $0xFFFFC180  }
.LBB2_11:
0x97: {  	s14 =	sadd.s32 $0xF80, s28  }
0x98: {  	[tilespmem:s4], [sflag:$0x2] =	stream.indirect.gather [hbm4b:s1+s10], $0x80, s14, s10, $0xb8;
	[tilespmem:$0x1F880] =	vst v63  }
0x99: {  	_ =	swait.ge [sflag:s22], $0x3E80  }
0x9a: {  	[sflag:s22] =	ssyncset.done $0x0  }
0x9b: {  	s30 =	sadd.s32 $0xF00, s29;
	[sflag:s22] =	ssyncadd.s32 $0xFFFFC180  }
0x9c: {  	[spmem:s2] =	stream.indirect.scatter.add.f32 [tilespmem:s13], [sflag:$0x5], $0x80, s30, s10, $0xb8;
	[tilespmem:$0x1F880] =	vst v63  }
0x9d: {  	_ =	swait.ge [sflag:s8], $0x3E80  }
0x9e: {  	[sflag:s8] =	ssyncset.done $0x0  }
0x9f: {  	[sflag:s8] =	ssyncadd.s32 $0xFFFFC180  }
0xa0: {  	s26 =	sadd.s32 $0x1, s26;
	_ =	swait.ge [sflag:s23], $0x3E80  }
0xa1: {  	p3 =	seq.s32 s26, $0x5;
	[sflag:s23] =	ssyncset.done $0x0  }
.Ltmp4:
0xa2: {  	s31 =	sadd.s32 $0xF80, s29;
	[sflag:s23] =	ssyncadd.s32 $0xFFFFC180;
	(pc) =	sbr.rel @p3 .LBB2_12-.Ltmp4, $4  }
0xa3: {  	[spmem:s2] =	stream.indirect.scatter.add.f32 [tilespmem:s4], [sflag:$0x5], $0x80, s31, s10, $0xb8;
	[tilespmem:$0x1F880] =	vst v63  }
0xa4: {  	_ =	swait.ge [sflag:s8], $0x3E80  }
0xa5: {  	[sflag:s8] =	ssyncset.done $0x0  }
0xa6: {  	[sflag:s8] =	ssyncadd.s32 $0xFFFFC180  }
.LBB2_3:
0xa7: {  	s28 =	sand.u32 $0x1, s26  }
0xa8: {  	p3 =	seq.s32 s28, $0x1  }
.Ltmp5:
0xa9: {  	_ = 	snop;
	(pc) =	sbr.rel @!p3 .LBB2_4-.Ltmp5, $1  }
0xaa: {  	_ =	sdelay $0x3  }
0xab: {  	_ =	swait.ge [sflag:s9], $0x1000  }
0xac: {  	[sflag:s9] =	ssyncset.done $0x0  }
0xad: {  	s14 =	sshll.u32 s26, $0xC;
	[sflag:s9] =	ssyncadd.s32 $0xFFFFF000  }
0xae: {  	s14 =	sadd.s32 s14, s12;
	_ =	swait.ge [sflag:s9], $0x1000  }
0xaf: {  	s14 =	sshrl.u32 s14, $0x3;
	[sflag:s9] =	ssyncset.done $0x0  }
0xb0: {  	s28 =	simm.s32 $0x0;
	s15 =	sadd.s32 s6, s14;
	[sflag:s9] =	ssyncadd.s32 $0xFFFFF000  }
0xb1: {  	[tilespmem:s28], [sflag:$0x3] =	stream.linear.gather [hbm4b:s15+s28], $0x1000, $0x38;
	[tilespmem:$0x1F880] =	vst v63  }
0xb2: {  	s14 =	sadd.s32 s7, s14  }
0xb3: {  	[tilespmem:s0], [sflag:$0x3] =	stream.linear.gather [hbm4b:s14+s28], $0x1000, $0x38;
	[tilespmem:$0x1F880] =	vst v63  }
0xb4: {  	_ = 	snop  }
0xb5: {  	[tilespmem:s13], [sflag:$0x1] =	stream.indirect.gather [hbm4b:s1+s10], $0x80, s11, s10, $0xb8;
	[tilespmem:$0x1F880] =	vst v63  }
0xb6: {  	s31 =	simm.s32 $0x2080  }
0xb7: {  	[tilespmem:s4], [sflag:$0x2] =	stream.indirect.gather [hbm4b:s1+s10], $0x80, s31, s10, $0xb8;
	[tilespmem:$0x1F880] =	vst v63  }
0xb8: {  	_ =	swait.ge [sflag:s22], $0x3E80  }
0xb9: {  	[sflag:s22] =	ssyncset.done $0x0  }
0xba: {  	s15 =	simm.s32 $0x3000;
	[sflag:s22] =	ssyncadd.s32 $0xFFFFC180  }
0xbb: {  	[spmem:s2] =	stream.indirect.scatter.add.f32 [tilespmem:s13], [sflag:$0x5], $0x80, s15, s10, $0xb8;
	[tilespmem:$0x1F880] =	vst v63  }
0xbc: {  	_ =	swait.ge [sflag:s8], $0x3E80  }
0xbd: {  	[sflag:s8] =	ssyncset.done $0x0  }
0xbe: {  	s30 =	simm.s32 $0x2100;
	[sflag:s8] =	ssyncadd.s32 $0xFFFFC180  }
0xbf: {  	[tilespmem:s13], [sflag:$0x1] =	stream.indirect.gather [hbm4b:s1+s10], $0x80, s30, s10, $0xb8;
	[tilespmem:$0x1F880] =	vst v63  }
0xc0: {  	_ =	swait.ge [sflag:s23], $0x3E80  }
0xc1: {  	[sflag:s23] =	ssyncset.done $0x0  }
0xc2: {  	s31 =	simm.s32 $0x3080;
	[sflag:s23] =	ssyncadd.s32 $0xFFFFC180  }
0xc3: {  	[spmem:s2] =	stream.indirect.scatter.add.f32 [tilespmem:s4], [sflag:$0x5], $0x80, s31, s10, $0xb8;
	[tilespmem:$0x1F880] =	vst v63  }
0xc4: {  	_ =	swait.ge [sflag:s8], $0x3E80  }
0xc5: {  	s29 =	simm.s32 $0x800;
	s28 =	simm.s32 $0x100;
	[sflag:s8] =	ssyncset.done $0x0  }
.LBB2_9:
0xc6: {  	s14 =	sadd.s32 $0x2080, s28  }
0xc7: {  	[sflag:s8] =	ssyncadd.s32 $0xFFFFC180;
	s15 =	smov.u32 s29;
	s30 =	sadd.s32 $0x400, s29  }
0xc8: {  	[tilespmem:s4], [sflag:$0x2] =	stream.indirect.gather [hbm4b:s1+s10], $0x80, s14, s10, $0xb8;
	[tilespmem:$0x1F880] =	vst v63  }
0xc9: {  	p3 =	sne.s32 s29, $0x3800;
	_ =	swait.ge [sflag:s22], $0x3E80  }
0xca: {  	[sflag:s22] =	ssyncset.done $0x0  }
0xcb: {  	s14 =	sadd.s32 $0x3000, s28;
	[sflag:s22] =	ssyncadd.s32 $0xFFFFC180  }
0xcc: {  	[spmem:s2] =	stream.indirect.scatter.add.f32 [tilespmem:s13], [sflag:$0x5], $0x80, s14, s10, $0xb8;
	[tilespmem:$0x1F880] =	vst v63  }
0xcd: {  	_ =	swait.ge [sflag:s8], $0x3E80  }
0xce: {  	[sflag:s8] =	ssyncset.done $0x0  }
0xcf: {  	s14 =	sadd.s32 $0x2100, s28;
	[sflag:s8] =	ssyncadd.s32 $0xFFFFC180  }
0xd0: {  	[tilespmem:s13], [sflag:$0x1] =	stream.indirect.gather [hbm4b:s1+s10], $0x80, s14, s10, $0xb8;
	[tilespmem:$0x1F880] =	vst v63  }
0xd1: {  	_ =	swait.ge [sflag:s23], $0x3E80  }
.Ltmp6:
0xd2: {  	[sflag:s23] =	ssyncset.done $0x0;
	(pc) =	sbr.rel @p3 .LBB2_9-.Ltmp6, $4  }
0xd3: {  	s14 =	sadd.s32 $0x3080, s28;
	[sflag:s23] =	ssyncadd.s32 $0xFFFFC180  }
0xd4: {  	[spmem:s2] =	stream.indirect.scatter.add.f32 [tilespmem:s4], [sflag:$0x5], $0x80, s14, s10, $0xb8;
	[tilespmem:$0x1F880] =	vst v63  }
0xd5: {  	_ =	swait.ge [sflag:s8], $0x3E80  }
0xd6: {  	s29 =	smov.u32 s30;
	s28 =	sshra.s32 s15, $0x2;
	[sflag:s8] =	ssyncset.done $0x0  }
0xd7: {  	s14 =	sadd.s32 $0x2080, s28;
	[sflag:s8] =	ssyncadd.s32 $0xFFFFC180  }
0xd8: {  	[tilespmem:s4], [sflag:$0x2] =	stream.indirect.gather [hbm4b:s1+s10], $0x80, s14, s10, $0xb8;
	[tilespmem:$0x1F880] =	vst v63  }
0xd9: {  	_ =	swait.ge [sflag:s22], $0x3E80  }
0xda: {  	[sflag:s22] =	ssyncset.done $0x0  }
0xdb: {  	s15 =	sadd.s32 $0x3000, s28;
	[sflag:s22] =	ssyncadd.s32 $0xFFFFC180  }
0xdc: {  	[spmem:s2] =	stream.indirect.scatter.add.f32 [tilespmem:s13], [sflag:$0x5], $0x80, s15, s10, $0xb8;
	[tilespmem:$0x1F880] =	vst v63  }
0xdd: {  	_ =	swait.ge [sflag:s8], $0x3E80  }
0xde: {  	[sflag:s8] =	ssyncset.done $0x0  }
0xdf: {  	s30 =	sadd.s32 $0x2100, s28;
	[sflag:s8] =	ssyncadd.s32 $0xFFFFC180  }
0xe0: {  	[tilespmem:s13], [sflag:$0x1] =	stream.indirect.gather [hbm4b:s1+s10], $0x80, s30, s10, $0xb8;
	[tilespmem:$0x1F880] =	vst v63  }
0xe1: {  	_ =	swait.ge [sflag:s23], $0x3E80  }
0xe2: {  	[sflag:s23] =	ssyncset.done $0x0  }
.Ltmp7:
0xe3: {  	s31 =	sadd.s32 $0x3080, s28;
	[sflag:s23] =	ssyncadd.s32 $0xFFFFC180;
	(pc) =	sbr.rel .LBB2_11-.Ltmp7, $4  }
0xe4: {  	[spmem:s2] =	stream.indirect.scatter.add.f32 [tilespmem:s4], [sflag:$0x5], $0x80, s31, s10, $0xb8;
	[tilespmem:$0x1F880] =	vst v63  }
0xe5: {  	_ =	swait.ge [sflag:s8], $0x3E80  }
0xe6: {  	[sflag:s8] =	ssyncset.done $0x0  }
0xe7: {  	s29 =	simm.s32 $0x3000;
	s28 =	simm.s32 $0x2000;
	[sflag:s8] =	ssyncadd.s32 $0xFFFFC180  }
.LBB2_4:
0xe8: {  	_ =	swait.ge [sflag:s24], $0x1000  }
0xe9: {  	p3 =	seq.s32 s26, $0x4;
	[sflag:s24] =	ssyncset.done $0x0  }
0xea: {  	s28 =	sshll.u32 @!p3 s26, $0xC;
	[sflag:s24] =	ssyncadd.s32 $0xFFFFF000  }
0xeb: {  	p4 =	por $0x0, $0x0;
	s28 =	sadd.s32 @!p3 s28, s12;
	_ =	swait.ge [sflag:s24], $0x1000  }
0xec: {  	s30 =	simm.s32 @!p3 $0x0;
	s28 =	sshrl.u32 @!p3 s28, $0x3;
	[sflag:s24] =	ssyncset.done $0x0  }
0xed: {  	s31 =	simm.s32 @!p3 $0x2000;
	s29 =	sadd.s32 @!p3 s6, s28;
	[sflag:s24] =	ssyncadd.s32 $0xFFFFF000  }
0xee: {  	[tilespmem:s31], [sflag:$0x4] =	stream.linear.gather @!p3 [hbm4b:s29+s30], $0x1000, $0x38;
	[tilespmem:$0x1F880] =	vst v63  }
.Ltmp8:
0xef: {  	_ = 	snop;
	(pc) =	sbr.rel @p4 .LBB2_7-.Ltmp8, $4  }
0xf0: {  	s28 =	sadd.s32 @!p3 s7, s28;
	s29 =	simm.s32 @!p3 $0x3000  }
0xf1: {  	[tilespmem:s29], [sflag:$0x4] =	stream.linear.gather @!p3 [hbm4b:s28+s30], $0x1000, $0x38;
	[tilespmem:$0x1F880] =	vst v63  }
0xf2: {  	s28 =	simm.s32 $0x0;
	s29 =	simm.s32 $0x0;
	p3 =	por $0x0, $0x0  }
0xf3: {  	[tilespmem:s13], [sflag:$0x1] =	stream.indirect.gather [hbm4b:s1+s10], $0x80, s28, s10, $0xb8;
	[tilespmem:$0x1F880] =	vst v63  }
0xf4: {  	s29 =	simm.s32 $0x80  }
0xf5: {  	[tilespmem:s4], [sflag:$0x2] =	stream.indirect.gather [hbm4b:s1+s10], $0x80, s29, s10, $0xb8;
	[tilespmem:$0x1F880] =	vst v63  }
0xf6: {  	_ =	swait.ge [sflag:s22], $0x3E80  }
0xf7: {  	[sflag:s22] =	ssyncset.done $0x0  }
0xf8: {  	s29 =	simm.s32 $0x1000;
	[sflag:s22] =	ssyncadd.s32 $0xFFFFC180  }
0xf9: {  	[spmem:s2] =	stream.indirect.scatter.add.f32 [tilespmem:s13], [sflag:$0x5], $0x80, s29, s10, $0xb8;
	[tilespmem:$0x1F880] =	vst v63  }
0xfa: {  	_ =	swait.ge [sflag:s8], $0x3E80  }
0xfb: {  	[sflag:s8] =	ssyncset.done $0x0  }
0xfc: {  	s29 =	simm.s32 $0x100;
	[sflag:s8] =	ssyncadd.s32 $0xFFFFC180  }
0xfd: {  	[tilespmem:s13], [sflag:$0x1] =	stream.indirect.gather [hbm4b:s1+s10], $0x80, s29, s10, $0xb8;
	[tilespmem:$0x1F880] =	vst v63  }
0xfe: {  	p4 =	por $0x0, $0x0;
	_ =	swait.ge [sflag:s23], $0x3E80  }
.Ltmp9:
0xff: {  	[sflag:s23] =	ssyncset.done $0x0;
	(pc) =	sbr.rel @p4 .LBB2_7-.Ltmp9, $4  }
0x100: {  	s29 =	simm.s32 $0x1080;
	[sflag:s23] =	ssyncadd.s32 $0xFFFFC180  }
0x101: {  	[spmem:s2] =	stream.indirect.scatter.add.f32 [tilespmem:s4], [sflag:$0x5], $0x80, s29, s10, $0xb8;
	[tilespmem:$0x1F880] =	vst v63  }
0x102: {  	s30 =	simm.s32 $0x800;
	_ =	swait.ge [sflag:s8], $0x3E80  }
0x103: {  	p3 =	por $0x1, $0x1;
	s29 =	simm.s32 $0x100;
	[sflag:s8] =	ssyncset.done $0x0  }
.LBB2_6:
0x104: {  	s31 =	sadd.s32 $0x80, s29  }
0x105: {  	[sflag:s8] =	ssyncadd.s32 $0xFFFFC180;
	s14 =	smov.u32 s30;
	s15 =	sadd.s32 $0x400, s30  }
0x106: {  	[tilespmem:s4], [sflag:$0x2] =	stream.indirect.gather [hbm4b:s1+s10], $0x80, s31, s10, $0xb8;
	[tilespmem:$0x1F880] =	vst v63  }
0x107: {  	p4 =	seq.s32 s30, $0x3800;
	_ =	swait.ge [sflag:s22], $0x3E80  }
0x108: {  	[sflag:s22] =	ssyncset.done $0x0  }
0x109: {  	s30 =	sadd.s32 $0x1000, s29;
	[sflag:s22] =	ssyncadd.s32 $0xFFFFC180  }
0x10a: {  	[spmem:s2] =	stream.indirect.scatter.add.f32 [tilespmem:s13], [sflag:$0x5], $0x80, s30, s10, $0xb8;
	[tilespmem:$0x1F880] =	vst v63  }
0x10b: {  	_ =	swait.ge [sflag:s8], $0x3E80  }
0x10c: {  	[sflag:s8] =	ssyncset.done $0x0  }
0x10d: {  	s30 =	sadd.s32 $0x100, s29;
	[sflag:s8] =	ssyncadd.s32 $0xFFFFC180  }
0x10e: {  	[tilespmem:s13], [sflag:$0x1] =	stream.indirect.gather [hbm4b:s1+s10], $0x80, s30, s10, $0xb8;
	[tilespmem:$0x1F880] =	vst v63  }
0x10f: {  	_ =	swait.ge [sflag:s23], $0x3E80  }
.Ltmp10:
0x110: {  	[sflag:s23] =	ssyncset.done $0x0;
	(pc) =	sbr.rel @!p4 .LBB2_6-.Ltmp10, $4  }
0x111: {  	s29 =	sadd.s32 $0x1080, s29;
	[sflag:s23] =	ssyncadd.s32 $0xFFFFC180  }
0x112: {  	[spmem:s2] =	stream.indirect.scatter.add.f32 [tilespmem:s4], [sflag:$0x5], $0x80, s29, s10, $0xb8;
	[tilespmem:$0x1F880] =	vst v63  }
0x113: {  	_ =	swait.ge [sflag:s8], $0x3E80  }
0x114: {  	s30 =	smov.u32 s15;
	s29 =	sshra.s32 s14, $0x2;
	[sflag:s8] =	ssyncset.done $0x0  }
.Ltmp11:
0x115: {  	_ = 	snop;
	(pc) =	sbr.rel .LBB2_7-.Ltmp11, $1  }
0x116: {  	_ =	sdelay $0x3  }
.LBB2_13:
0x117: {  	s14 =	rddreg [dreg:$0xc]  }
0x118: {  	[tilespmem:s4], [sflag:$0x6] =	stream.linear.gather [hbm4b:s14+s3], $0x2800, $0x38;
	[tilespmem:$0x1F880] =	vst v63  }
0x119: {  	_ =	swait.ge [sflag:s21], $0x2800  }
0x11a: {  	[sflag:s21] =	ssyncset.done $0x0  }
0x11b: {  	[sflag:s21] =	ssyncadd.s32 $0xFFFFD800  }
0x11c: {  	[spmem:s28] =	stream.linear.scatter [tilespmem:s4], [sflag:$0x5], $0x2800, $0x38;
	[tilespmem:$0x1F880] =	vst v63  }
0x11d: {  	_ =	swait.ge [sflag:s8], $0x2800  }
0x11e: {  	[sflag:s8] =	ssyncset.done $0x0  }
0x11f: {  	s15 =	rddreg [dreg:$0xd];
	[sflag:s8] =	ssyncadd.s32 $0xFFFFD800  }
0x120: {  	[tilespmem:s4], [sflag:$0x6] =	stream.linear.gather [hbm4b:s15+s3], $0x2800, $0x38;
	[tilespmem:$0x1F880] =	vst v63  }
0x121: {  	_ =	swait.ge [sflag:s21], $0x2800  }
0x122: {  	[sflag:s21] =	ssyncset.done $0x0  }
0x123: {  	[sflag:s21] =	ssyncadd.s32 $0xFFFFD800  }
0x124: {  	[spmem:s29] =	stream.linear.scatter [tilespmem:s4], [sflag:$0x5], $0x2800, $0x38;
	[tilespmem:$0x1F880] =	vst v63  }
0x125: {  	_ =	swait.ge [sflag:s8], $0x2800  }
0x126: {  	[sflag:s8] =	ssyncset.done $0x0  }
0x127: {  	s26 =	rddreg [dreg:$0xe];
	[sflag:s8] =	ssyncadd.s32 $0xFFFFD800  }
0x128: {  	[tilespmem:s4], [sflag:$0x6] =	stream.linear.gather [hbm4b:s26+s3], $0x2800, $0x38;
	[tilespmem:$0x1F880] =	vst v63  }
0x129: {  	_ =	swait.ge [sflag:s21], $0x2800  }
0x12a: {  	[sflag:s21] =	ssyncset.done $0x0  }
0x12b: {  	[sflag:s21] =	ssyncadd.s32 $0xFFFFD800  }
0x12c: {  	[spmem:s16] =	stream.linear.scatter [tilespmem:s4], [sflag:$0x5], $0x2800, $0x38;
	[tilespmem:$0x1F880] =	vst v63  }
0x12d: {  	_ =	swait.ge [sflag:s8], $0x2800  }
0x12e: {  	[sflag:s8] =	ssyncset.done $0x0  }
0x12f: {  	s28 =	rddreg [dreg:$0xf];
	[sflag:s8] =	ssyncadd.s32 $0xFFFFD800  }
0x130: {  	[tilespmem:s4], [sflag:$0x6] =	stream.linear.gather [hbm4b:s28+s3], $0x2800, $0x38;
	[tilespmem:$0x1F880] =	vst v63  }
0x131: {  	_ =	swait.ge [sflag:s21], $0x2800  }
0x132: {  	[sflag:s21] =	ssyncset.done $0x0  }
0x133: {  	[sflag:s21] =	ssyncadd.s32 $0xFFFFD800  }
0x134: {  	[spmem:s17] =	stream.linear.scatter [tilespmem:s4], [sflag:$0x5], $0x2800, $0x38;
	[tilespmem:$0x1F880] =	vst v63  }
0x135: {  	_ =	swait.ge [sflag:s8], $0x2800  }
0x136: {  	[sflag:s8] =	ssyncset.done $0x0  }
0x137: {  	s29 =	rddreg [dreg:$0x10];
	[sflag:s8] =	ssyncadd.s32 $0xFFFFD800  }
0x138: {  	[tilespmem:s4], [sflag:$0x6] =	stream.linear.gather [hbm4b:s29+s3], $0x2800, $0x38;
	[tilespmem:$0x1F880] =	vst v63  }
0x139: {  	_ =	swait.ge [sflag:s21], $0x2800  }
0x13a: {  	[sflag:s21] =	ssyncset.done $0x0  }
0x13b: {  	[sflag:s21] =	ssyncadd.s32 $0xFFFFD800  }
0x13c: {  	[spmem:s18] =	stream.linear.scatter [tilespmem:s4], [sflag:$0x5], $0x2800, $0x38;
	[tilespmem:$0x1F880] =	vst v63  }
0x13d: {  	_ =	swait.ge [sflag:s8], $0x2800  }
0x13e: {  	[sflag:s8] =	ssyncset.done $0x0  }
0x13f: {  	s30 =	rddreg [dreg:$0x11];
	[sflag:s8] =	ssyncadd.s32 $0xFFFFD800  }
0x140: {  	[tilespmem:s4], [sflag:$0x6] =	stream.linear.gather [hbm4b:s30+s3], $0x2800, $0x38;
	[tilespmem:$0x1F880] =	vst v63  }
0x141: {  	_ =	swait.ge [sflag:s21], $0x2800  }
0x142: {  	[sflag:s21] =	ssyncset.done $0x0  }
0x143: {  	[sflag:s21] =	ssyncadd.s32 $0xFFFFD800  }
0x144: {  	[spmem:s19] =	stream.linear.scatter [tilespmem:s4], [sflag:$0x5], $0x2800, $0x38;
	[tilespmem:$0x1F880] =	vst v63  }
0x145: {  	_ =	swait.ge [sflag:s8], $0x2800  }
0x146: {  	[sflag:s8] =	ssyncset.done $0x0  }
0x147: {  	s31 =	rddreg [dreg:$0x12];
	[sflag:s8] =	ssyncadd.s32 $0xFFFFD800  }
0x148: {  	[tilespmem:s4], [sflag:$0x6] =	stream.linear.gather [hbm4b:s31+s3], $0x2800, $0x38;
	[tilespmem:$0x1F880] =	vst v63  }
0x149: {  	_ =	swait.ge [sflag:s21], $0x2800  }
0x14a: {  	[sflag:s21] =	ssyncset.done $0x0  }
0x14b: {  	[sflag:s21] =	ssyncadd.s32 $0xFFFFD800  }
0x14c: {  	[spmem:s20] =	stream.linear.scatter [tilespmem:s4], [sflag:$0x5], $0x2800, $0x38;
	[tilespmem:$0x1F880] =	vst v63  }
0x14d: {  	_ =	swait.ge [sflag:s8], $0x2800  }
0x14e: {  	s14 =	simm.s32 @!p1 $0x0;
	[sflag:s8] =	ssyncset.done $0x0  }
0x14f: {  	s15 =	simm.s32 @!p1 $0x8000;
	s26 =	rddreg [dreg:$0x13];
	[sflag:s8] =	ssyncadd.s32 $0xFFFFD800  }
0x150: {  	[tilespmem:s15], [sflag:$0x6] =	stream.linear.gather @!p1 [hbm4b:s26+s14], $0x2800, $0x38;
	[tilespmem:$0x1F880] =	vst v63  }
0x151: {  	s14 =	simm.s32 @!p1 $0x6  }
0x152: {  	_ =	swait.ge @!p1 [sflag:s14], $0x2800  }
0x153: {  	[sflag:s14] =	ssyncset.done @!p1 $0x0  }
0x154: {  	[sflag:s14] =	ssyncadd.s32 @!p1 $0xFFFFD800;
	s14 =	rddreg [dreg:$0x14]  }
0x155: {  	[spmem:s14] =	stream.linear.scatter @!p1 [tilespmem:s15], [sflag:$0x5], $0x2800, $0x38;
	[tilespmem:$0x1F880] =	vst v63  }
0x156: {  	s14 =	simm.s32 @!p1 $0x5  }
.Ltmp12:
0x157: {  	_ =	swait.ge @!p1 [sflag:s14], $0x2800;
	(pc) =	sbr.rel .LBB2_14-.Ltmp12, $4  }
0x158: {  	[sflag:s14] =	ssyncset.done @!p1 $0x0  }
0x159: {  	[sflag:s14] =	ssyncadd.s32 @!p1 $0xFFFFD800  }
0x15a: {  	[bflag:$0x0] =	sbarrier.arrive $0xFFFF  }
0x15b: {  	s26 =	simm.s32 $0x0  }
.LBB2_18:
0x15c: {  	s14 =	sadd.s32 $0x80, s29;
	[sflag:s8] =	ssyncadd.s32 @p3 $0xFFFFC180  }
0x15d: {  	[tilespmem:s4], [sflag:$0x2] =	stream.indirect.gather [hbm4b:s5+s10], $0x80, s14, s10, $0xb8;
	[tilespmem:$0x1F880] =	vst v63  }
0x15e: {  	_ =	swait.ge [sflag:s22], $0x3E80  }
0x15f: {  	[sflag:s22] =	ssyncset.done $0x0  }
0x160: {  	s15 =	sadd.s32 $0x1000, s29;
	[sflag:s22] =	ssyncadd.s32 $0xFFFFC180  }
0x161: {  	[spmem:s2] =	stream.indirect.scatter.add.f32 [tilespmem:s13], [sflag:$0x5], $0x80, s15, s10, $0xb8;
	[tilespmem:$0x1F880] =	vst v63  }
0x162: {  	_ =	swait.ge [sflag:s8], $0x3E80  }
0x163: {  	[sflag:s8] =	ssyncset.done $0x0  }
0x164: {  	s30 =	sadd.s32 $0x100, s29;
	[sflag:s8] =	ssyncadd.s32 $0xFFFFC180  }
0x165: {  	[tilespmem:s13], [sflag:$0x1] =	stream.indirect.gather [hbm4b:s5+s10], $0x80, s30, s10, $0xb8;
	[tilespmem:$0x1F880] =	vst v63  }
0x166: {  	_ =	swait.ge [sflag:s23], $0x3E80  }
0x167: {  	[sflag:s23] =	ssyncset.done $0x0  }
0x168: {  	s31 =	sadd.s32 $0x1080, s29;
	[sflag:s23] =	ssyncadd.s32 $0xFFFFC180  }
0x169: {  	[spmem:s2] =	stream.indirect.scatter.add.f32 [tilespmem:s4], [sflag:$0x5], $0x80, s31, s10, $0xb8;
	[tilespmem:$0x1F880] =	vst v63  }
0x16a: {  	_ =	swait.ge [sflag:s8], $0x3E80  }
0x16b: {  	[sflag:s8] =	ssyncset.done $0x0  }
0x16c: {  	s29 =	simm.s32 $0x1000;
	[sflag:s8] =	ssyncadd.s32 $0xFFFFC180  }
.LBB2_22:
0x16d: {  	s14 =	sadd.s32 $0xF80, s28  }
0x16e: {  	[tilespmem:s4], [sflag:$0x2] =	stream.indirect.gather [hbm4b:s5+s10], $0x80, s14, s10, $0xb8;
	[tilespmem:$0x1F880] =	vst v63  }
0x16f: {  	_ =	swait.ge [sflag:s22], $0x3E80  }
0x170: {  	[sflag:s22] =	ssyncset.done $0x0  }
0x171: {  	s30 =	sadd.s32 $0xF00, s29;
	[sflag:s22] =	ssyncadd.s32 $0xFFFFC180  }
0x172: {  	[spmem:s2] =	stream.indirect.scatter.add.f32 [tilespmem:s13], [sflag:$0x5], $0x80, s30, s10, $0xb8;
	[tilespmem:$0x1F880] =	vst v63  }
0x173: {  	_ =	swait.ge [sflag:s8], $0x3E80  }
0x174: {  	[sflag:s8] =	ssyncset.done $0x0  }
0x175: {  	[sflag:s8] =	ssyncadd.s32 $0xFFFFC180  }
0x176: {  	s26 =	sadd.s32 $0x1, s26;
	_ =	swait.ge [sflag:s23], $0x3E80  }
0x177: {  	p3 =	seq.s32 s26, $0x5;
	[sflag:s23] =	ssyncset.done $0x0  }
.Ltmp13:
0x178: {  	s31 =	sadd.s32 $0xF80, s29;
	[sflag:s23] =	ssyncadd.s32 $0xFFFFC180;
	(pc) =	sbr.rel @p3 .LBB2_23-.Ltmp13, $4  }
0x179: {  	[spmem:s2] =	stream.indirect.scatter.add.f32 [tilespmem:s4], [sflag:$0x5], $0x80, s31, s10, $0xb8;
	[tilespmem:$0x1F880] =	vst v63  }
0x17a: {  	_ =	swait.ge [sflag:s8], $0x3E80  }
0x17b: {  	[sflag:s8] =	ssyncset.done $0x0  }
0x17c: {  	[sflag:s8] =	ssyncadd.s32 $0xFFFFC180  }
.LBB2_14:
0x17d: {  	s14 =	sand.u32 $0x1, s26  }
0x17e: {  	p3 =	seq.s32 s14, $0x1  }
.Ltmp14:
0x17f: {  	_ = 	snop;
	(pc) =	sbr.rel @!p3 .LBB2_15-.Ltmp14, $1  }
0x180: {  	_ =	sdelay $0x3  }
0x181: {  	_ =	swait.ge [sflag:s9], $0x1000  }
0x182: {  	[sflag:s9] =	ssyncset.done $0x0  }
0x183: {  	s14 =	sshll.u32 s26, $0xC;
	[sflag:s9] =	ssyncadd.s32 $0xFFFFF000  }
0x184: {  	s14 =	sadd.s32 s14, s12;
	_ =	swait.ge [sflag:s9], $0x1000  }
0x185: {  	s14 =	sshrl.u32 s14, $0x3;
	[sflag:s9] =	ssyncset.done $0x0  }
0x186: {  	s28 =	simm.s32 $0x0;
	s15 =	sadd.s32 s6, s14;
	[sflag:s9] =	ssyncadd.s32 $0xFFFFF000  }
0x187: {  	[tilespmem:s28], [sflag:$0x3] =	stream.linear.gather [hbm4b:s15+s28], $0x1000, $0x38;
	[tilespmem:$0x1F880] =	vst v63  }
0x188: {  	s14 =	sadd.s32 s7, s14  }
0x189: {  	[tilespmem:s0], [sflag:$0x3] =	stream.linear.gather [hbm4b:s14+s28], $0x1000, $0x38;
	[tilespmem:$0x1F880] =	vst v63  }
0x18a: {  	_ = 	snop  }
0x18b: {  	[tilespmem:s13], [sflag:$0x1] =	stream.indirect.gather [hbm4b:s5+s10], $0x80, s11, s10, $0xb8;
	[tilespmem:$0x1F880] =	vst v63  }
0x18c: {  	s31 =	simm.s32 $0x2080  }
0x18d: {  	[tilespmem:s4], [sflag:$0x2] =	stream.indirect.gather [hbm4b:s5+s10], $0x80, s31, s10, $0xb8;
	[tilespmem:$0x1F880] =	vst v63  }
0x18e: {  	_ =	swait.ge [sflag:s22], $0x3E80  }
0x18f: {  	[sflag:s22] =	ssyncset.done $0x0  }
0x190: {  	s15 =	simm.s32 $0x3000;
	[sflag:s22] =	ssyncadd.s32 $0xFFFFC180  }
0x191: {  	[spmem:s2] =	stream.indirect.scatter.add.f32 [tilespmem:s13], [sflag:$0x5], $0x80, s15, s10, $0xb8;
	[tilespmem:$0x1F880] =	vst v63  }
0x192: {  	_ =	swait.ge [sflag:s8], $0x3E80  }
0x193: {  	[sflag:s8] =	ssyncset.done $0x0  }
0x194: {  	s30 =	simm.s32 $0x2100;
	[sflag:s8] =	ssyncadd.s32 $0xFFFFC180  }
0x195: {  	[tilespmem:s13], [sflag:$0x1] =	stream.indirect.gather [hbm4b:s5+s10], $0x80, s30, s10, $0xb8;
	[tilespmem:$0x1F880] =	vst v63  }
0x196: {  	_ =	swait.ge [sflag:s23], $0x3E80  }
0x197: {  	[sflag:s23] =	ssyncset.done $0x0  }
0x198: {  	s31 =	simm.s32 $0x3080;
	[sflag:s23] =	ssyncadd.s32 $0xFFFFC180  }
0x199: {  	[spmem:s2] =	stream.indirect.scatter.add.f32 [tilespmem:s4], [sflag:$0x5], $0x80, s31, s10, $0xb8;
	[tilespmem:$0x1F880] =	vst v63  }
0x19a: {  	_ =	swait.ge [sflag:s8], $0x3E80  }
0x19b: {  	s29 =	simm.s32 $0x800;
	s28 =	simm.s32 $0x100;
	[sflag:s8] =	ssyncset.done $0x0  }
.LBB2_20:
0x19c: {  	s14 =	sadd.s32 $0x2080, s28  }
0x19d: {  	[sflag:s8] =	ssyncadd.s32 $0xFFFFC180;
	s15 =	smov.u32 s29;
	s30 =	sadd.s32 $0x400, s29  }
0x19e: {  	[tilespmem:s4], [sflag:$0x2] =	stream.indirect.gather [hbm4b:s5+s10], $0x80, s14, s10, $0xb8;
	[tilespmem:$0x1F880] =	vst v63  }
0x19f: {  	p3 =	sne.s32 s29, $0x3800;
	_ =	swait.ge [sflag:s22], $0x3E80  }
0x1a0: {  	[sflag:s22] =	ssyncset.done $0x0  }
0x1a1: {  	s14 =	sadd.s32 $0x3000, s28;
	[sflag:s22] =	ssyncadd.s32 $0xFFFFC180  }
0x1a2: {  	[spmem:s2] =	stream.indirect.scatter.add.f32 [tilespmem:s13], [sflag:$0x5], $0x80, s14, s10, $0xb8;
	[tilespmem:$0x1F880] =	vst v63  }
0x1a3: {  	_ =	swait.ge [sflag:s8], $0x3E80  }
0x1a4: {  	[sflag:s8] =	ssyncset.done $0x0  }
0x1a5: {  	s14 =	sadd.s32 $0x2100, s28;
	[sflag:s8] =	ssyncadd.s32 $0xFFFFC180  }
0x1a6: {  	[tilespmem:s13], [sflag:$0x1] =	stream.indirect.gather [hbm4b:s5+s10], $0x80, s14, s10, $0xb8;
	[tilespmem:$0x1F880] =	vst v63  }
0x1a7: {  	_ =	swait.ge [sflag:s23], $0x3E80  }
.Ltmp15:
0x1a8: {  	[sflag:s23] =	ssyncset.done $0x0;
	(pc) =	sbr.rel @p3 .LBB2_20-.Ltmp15, $4  }
0x1a9: {  	s14 =	sadd.s32 $0x3080, s28;
	[sflag:s23] =	ssyncadd.s32 $0xFFFFC180  }
0x1aa: {  	[spmem:s2] =	stream.indirect.scatter.add.f32 [tilespmem:s4], [sflag:$0x5], $0x80, s14, s10, $0xb8;
	[tilespmem:$0x1F880] =	vst v63  }
0x1ab: {  	_ =	swait.ge [sflag:s8], $0x3E80  }
0x1ac: {  	s29 =	smov.u32 s30;
	s28 =	sshra.s32 s15, $0x2;
	[sflag:s8] =	ssyncset.done $0x0  }
0x1ad: {  	s14 =	sadd.s32 $0x2080, s28;
	[sflag:s8] =	ssyncadd.s32 $0xFFFFC180  }
0x1ae: {  	[tilespmem:s4], [sflag:$0x2] =	stream.indirect.gather [hbm4b:s5+s10], $0x80, s14, s10, $0xb8;
	[tilespmem:$0x1F880] =	vst v63  }
0x1af: {  	_ =	swait.ge [sflag:s22], $0x3E80  }
0x1b0: {  	[sflag:s22] =	ssyncset.done $0x0  }
0x1b1: {  	s15 =	sadd.s32 $0x3000, s28;
	[sflag:s22] =	ssyncadd.s32 $0xFFFFC180  }
0x1b2: {  	[spmem:s2] =	stream.indirect.scatter.add.f32 [tilespmem:s13], [sflag:$0x5], $0x80, s15, s10, $0xb8;
	[tilespmem:$0x1F880] =	vst v63  }
0x1b3: {  	_ =	swait.ge [sflag:s8], $0x3E80  }
0x1b4: {  	[sflag:s8] =	ssyncset.done $0x0  }
0x1b5: {  	s30 =	sadd.s32 $0x2100, s28;
	[sflag:s8] =	ssyncadd.s32 $0xFFFFC180  }
0x1b6: {  	[tilespmem:s13], [sflag:$0x1] =	stream.indirect.gather [hbm4b:s5+s10], $0x80, s30, s10, $0xb8;
	[tilespmem:$0x1F880] =	vst v63  }
0x1b7: {  	_ =	swait.ge [sflag:s23], $0x3E80  }
0x1b8: {  	[sflag:s23] =	ssyncset.done $0x0  }
.Ltmp16:
0x1b9: {  	s31 =	sadd.s32 $0x3080, s28;
	[sflag:s23] =	ssyncadd.s32 $0xFFFFC180;
	(pc) =	sbr.rel .LBB2_22-.Ltmp16, $4  }
0x1ba: {  	[spmem:s2] =	stream.indirect.scatter.add.f32 [tilespmem:s4], [sflag:$0x5], $0x80, s31, s10, $0xb8;
	[tilespmem:$0x1F880] =	vst v63  }
0x1bb: {  	_ =	swait.ge [sflag:s8], $0x3E80  }
0x1bc: {  	[sflag:s8] =	ssyncset.done $0x0  }
0x1bd: {  	s29 =	simm.s32 $0x3000;
	s28 =	simm.s32 $0x2000;
	[sflag:s8] =	ssyncadd.s32 $0xFFFFC180  }
.LBB2_15:
0x1be: {  	_ =	swait.ge [sflag:s24], $0x1000  }
0x1bf: {  	p3 =	seq.s32 s26, $0x4;
	[sflag:s24] =	ssyncset.done $0x0  }
0x1c0: {  	s14 =	sshll.u32 @!p3 s26, $0xC;
	[sflag:s24] =	ssyncadd.s32 $0xFFFFF000  }
0x1c1: {  	p4 =	por $0x0, $0x0;
	s14 =	sadd.s32 @!p3 s14, s12;
	_ =	swait.ge [sflag:s24], $0x1000  }
0x1c2: {  	s28 =	simm.s32 @!p3 $0x0;
	s14 =	sshrl.u32 @!p3 s14, $0x3;
	[sflag:s24] =	ssyncset.done $0x0  }
0x1c3: {  	s29 =	simm.s32 @!p3 $0x2000;
	s15 =	sadd.s32 @!p3 s6, s14;
	[sflag:s24] =	ssyncadd.s32 $0xFFFFF000  }
0x1c4: {  	[tilespmem:s29], [sflag:$0x4] =	stream.linear.gather @!p3 [hbm4b:s15+s28], $0x1000, $0x38;
	[tilespmem:$0x1F880] =	vst v63  }
.Ltmp17:
0x1c5: {  	_ = 	snop;
	(pc) =	sbr.rel @p4 .LBB2_18-.Ltmp17, $4  }
0x1c6: {  	s14 =	sadd.s32 @!p3 s7, s14;
	s15 =	simm.s32 @!p3 $0x3000  }
0x1c7: {  	[tilespmem:s15], [sflag:$0x4] =	stream.linear.gather @!p3 [hbm4b:s14+s28], $0x1000, $0x38;
	[tilespmem:$0x1F880] =	vst v63  }
0x1c8: {  	s29 =	simm.s32 $0x0;
	s28 =	simm.s32 $0x0;
	p3 =	por $0x0, $0x0  }
0x1c9: {  	[tilespmem:s13], [sflag:$0x1] =	stream.indirect.gather [hbm4b:s5+s10], $0x80, s28, s10, $0xb8;
	[tilespmem:$0x1F880] =	vst v63  }
0x1ca: {  	s14 =	simm.s32 $0x80  }
0x1cb: {  	[tilespmem:s4], [sflag:$0x2] =	stream.indirect.gather [hbm4b:s5+s10], $0x80, s14, s10, $0xb8;
	[tilespmem:$0x1F880] =	vst v63  }
0x1cc: {  	_ =	swait.ge [sflag:s22], $0x3E80  }
0x1cd: {  	[sflag:s22] =	ssyncset.done $0x0  }
0x1ce: {  	s31 =	simm.s32 $0x1000;
	[sflag:s22] =	ssyncadd.s32 $0xFFFFC180  }
0x1cf: {  	[spmem:s2] =	stream.indirect.scatter.add.f32 [tilespmem:s13], [sflag:$0x5], $0x80, s31, s10, $0xb8;
	[tilespmem:$0x1F880] =	vst v63  }
0x1d0: {  	_ =	swait.ge [sflag:s8], $0x3E80  }
0x1d1: {  	[sflag:s8] =	ssyncset.done $0x0  }
0x1d2: {  	s15 =	simm.s32 $0x100;
	[sflag:s8] =	ssyncadd.s32 $0xFFFFC180  }
0x1d3: {  	[tilespmem:s13], [sflag:$0x1] =	stream.indirect.gather [hbm4b:s5+s10], $0x80, s15, s10, $0xb8;
	[tilespmem:$0x1F880] =	vst v63  }
0x1d4: {  	p4 =	por $0x0, $0x0;
	_ =	swait.ge [sflag:s23], $0x3E80  }
.Ltmp18:
0x1d5: {  	[sflag:s23] =	ssyncset.done $0x0;
	(pc) =	sbr.rel @p4 .LBB2_18-.Ltmp18, $4  }
0x1d6: {  	s31 =	simm.s32 $0x1080;
	[sflag:s23] =	ssyncadd.s32 $0xFFFFC180  }
0x1d7: {  	[spmem:s2] =	stream.indirect.scatter.add.f32 [tilespmem:s4], [sflag:$0x5], $0x80, s31, s10, $0xb8;
	[tilespmem:$0x1F880] =	vst v63  }
0x1d8: {  	s30 =	simm.s32 $0x800;
	_ =	swait.ge [sflag:s8], $0x3E80  }
0x1d9: {  	s29 =	simm.s32 $0x100;
	p3 =	por $0x1, $0x1;
	[sflag:s8] =	ssyncset.done $0x0  }
.LBB2_17:
0x1da: {  	s14 =	sadd.s32 $0x80, s29  }
0x1db: {  	[sflag:s8] =	ssyncadd.s32 $0xFFFFC180;
	s15 =	smov.u32 s30;
	s31 =	sadd.s32 $0x400, s30  }
0x1dc: {  	[tilespmem:s4], [sflag:$0x2] =	stream.indirect.gather [hbm4b:s5+s10], $0x80, s14, s10, $0xb8;
	[tilespmem:$0x1F880] =	vst v63  }
0x1dd: {  	p4 =	seq.s32 s30, $0x3800;
	_ =	swait.ge [sflag:s22], $0x3E80  }
0x1de: {  	[sflag:s22] =	ssyncset.done $0x0  }
0x1df: {  	s14 =	sadd.s32 $0x1000, s29;
	[sflag:s22] =	ssyncadd.s32 $0xFFFFC180  }
0x1e0: {  	[spmem:s2] =	stream.indirect.scatter.add.f32 [tilespmem:s13], [sflag:$0x5], $0x80, s14, s10, $0xb8;
	[tilespmem:$0x1F880] =	vst v63  }
0x1e1: {  	_ =	swait.ge [sflag:s8], $0x3E80  }
0x1e2: {  	[sflag:s8] =	ssyncset.done $0x0  }
0x1e3: {  	s14 =	sadd.s32 $0x100, s29;
	[sflag:s8] =	ssyncadd.s32 $0xFFFFC180  }
0x1e4: {  	[tilespmem:s13], [sflag:$0x1] =	stream.indirect.gather [hbm4b:s5+s10], $0x80, s14, s10, $0xb8;
	[tilespmem:$0x1F880] =	vst v63  }
0x1e5: {  	_ =	swait.ge [sflag:s23], $0x3E80  }
.Ltmp19:
0x1e6: {  	[sflag:s23] =	ssyncset.done $0x0;
	(pc) =	sbr.rel @!p4 .LBB2_17-.Ltmp19, $4  }
0x1e7: {  	s14 =	sadd.s32 $0x1080, s29;
	[sflag:s23] =	ssyncadd.s32 $0xFFFFC180  }
0x1e8: {  	[spmem:s2] =	stream.indirect.scatter.add.f32 [tilespmem:s4], [sflag:$0x5], $0x80, s14, s10, $0xb8;
	[tilespmem:$0x1F880] =	vst v63  }
0x1e9: {  	_ =	swait.ge [sflag:s8], $0x3E80  }
0x1ea: {  	s30 =	smov.u32 s31;
	s29 =	sshra.s32 s15, $0x2;
	[sflag:s8] =	ssyncset.done $0x0  }
.Ltmp20:
0x1eb: {  	_ = 	snop;
	(pc) =	sbr.rel .LBB2_18-.Ltmp20, $1  }
0x1ec: {  	_ =	sdelay $0x3  }
.LBB2_12:
0x1ed: {  	[bflag:$0x0] =	sbarrier.arrive $0xFFFF  }
0x1ee: {  	s28 =	rddreg [dreg:$0x9]  }
0x1ef: {  	[tilespmem:s4], [sflag:$0x6] =	stream.linear.gather [spmem:s28], $0x2800, $0x38;
	[tilespmem:$0x1F880] =	vst v63  }
0x1f0: {  	_ =	swait.ge [sflag:s21], $0x2800  }
0x1f1: {  	[sflag:s21] =	ssyncset.done $0x0  }
0x1f2: {  	s14 =	rddreg [dreg:$0x16];
	[sflag:s21] =	ssyncadd.s32 $0xFFFFD800  }
0x1f3: {  	[hbm4b:s14+s3] =	stream.linear.scatter [tilespmem:s4], [sflag:$0x5], $0x2800, $0x38;
	[tilespmem:$0x1F880] =	vst v63  }
0x1f4: {  	_ =	swait.ge [sflag:s8], $0x2800  }
0x1f5: {  	[sflag:s8] =	ssyncset.done $0x0  }
0x1f6: {  	s29 =	rddreg [dreg:$0xa];
	[sflag:s8] =	ssyncadd.s32 $0xFFFFD800  }
0x1f7: {  	[tilespmem:s4], [sflag:$0x6] =	stream.linear.gather [spmem:s29], $0x2800, $0x38;
	[tilespmem:$0x1F880] =	vst v63  }
0x1f8: {  	_ =	swait.ge [sflag:s21], $0x2800  }
0x1f9: {  	[sflag:s21] =	ssyncset.done $0x0  }
0x1fa: {  	s30 =	rddreg [dreg:$0x18];
	[sflag:s21] =	ssyncadd.s32 $0xFFFFD800  }
0x1fb: {  	[hbm4b:s30+s3] =	stream.linear.scatter [tilespmem:s4], [sflag:$0x5], $0x2800, $0x38;
	[tilespmem:$0x1F880] =	vst v63  }
0x1fc: {  	_ =	swait.ge [sflag:s8], $0x2800  }
0x1fd: {  	[sflag:s8] =	ssyncset.done $0x0  }
0x1fe: {  	[sflag:s8] =	ssyncadd.s32 $0xFFFFD800  }
0x1ff: {  	[tilespmem:s4], [sflag:$0x6] =	stream.linear.gather [spmem:s16], $0x2800, $0x38;
	[tilespmem:$0x1F880] =	vst v63  }
0x200: {  	_ =	swait.ge [sflag:s21], $0x2800  }
0x201: {  	[sflag:s21] =	ssyncset.done $0x0  }
0x202: {  	s31 =	rddreg [dreg:$0x1a];
	[sflag:s21] =	ssyncadd.s32 $0xFFFFD800  }
0x203: {  	[hbm4b:s31+s3] =	stream.linear.scatter [tilespmem:s4], [sflag:$0x5], $0x2800, $0x38;
	[tilespmem:$0x1F880] =	vst v63  }
0x204: {  	_ =	swait.ge [sflag:s8], $0x2800  }
0x205: {  	[sflag:s8] =	ssyncset.done $0x0  }
0x206: {  	[sflag:s8] =	ssyncadd.s32 $0xFFFFD800  }
0x207: {  	[tilespmem:s4], [sflag:$0x6] =	stream.linear.gather [spmem:s17], $0x2800, $0x38;
	[tilespmem:$0x1F880] =	vst v63  }
0x208: {  	_ =	swait.ge [sflag:s21], $0x2800  }
0x209: {  	[sflag:s21] =	ssyncset.done $0x0  }
0x20a: {  	s15 =	rddreg [dreg:$0x1c];
	[sflag:s21] =	ssyncadd.s32 $0xFFFFD800  }
0x20b: {  	[hbm4b:s15+s3] =	stream.linear.scatter [tilespmem:s4], [sflag:$0x5], $0x2800, $0x38;
	[tilespmem:$0x1F880] =	vst v63  }
0x20c: {  	_ =	swait.ge [sflag:s8], $0x2800  }
0x20d: {  	[sflag:s8] =	ssyncset.done $0x0  }
0x20e: {  	[sflag:s8] =	ssyncadd.s32 $0xFFFFD800  }
0x20f: {  	[tilespmem:s4], [sflag:$0x6] =	stream.linear.gather [spmem:s18], $0x2800, $0x38;
	[tilespmem:$0x1F880] =	vst v63  }
0x210: {  	_ =	swait.ge [sflag:s21], $0x2800  }
0x211: {  	[sflag:s21] =	ssyncset.done $0x0  }
0x212: {  	s26 =	rddreg [dreg:$0x1e];
	[sflag:s21] =	ssyncadd.s32 $0xFFFFD800  }
0x213: {  	[hbm4b:s26+s3] =	stream.linear.scatter [tilespmem:s4], [sflag:$0x5], $0x2800, $0x38;
	[tilespmem:$0x1F880] =	vst v63  }
0x214: {  	_ =	swait.ge [sflag:s8], $0x2800  }
0x215: {  	[sflag:s8] =	ssyncset.done $0x0  }
0x216: {  	[sflag:s8] =	ssyncadd.s32 $0xFFFFD800  }
0x217: {  	[tilespmem:s4], [sflag:$0x6] =	stream.linear.gather [spmem:s19], $0x2800, $0x38;
	[tilespmem:$0x1F880] =	vst v63  }
0x218: {  	_ =	swait.ge [sflag:s21], $0x2800  }
0x219: {  	s30 =	sld [smem:$0x7FB]  }
0x21a: {  	[sflag:s21] =	ssyncset.done $0x0  }
0x21b: {  	[sflag:s21] =	ssyncadd.s32 $0xFFFFD800  }
0x21c: {  	[hbm4b:s30+s3] =	stream.linear.scatter [tilespmem:s4], [sflag:$0x5], $0x2800, $0x38;
	[tilespmem:$0x1F880] =	vst v63  }
0x21d: {  	_ =	swait.ge [sflag:s8], $0x2800  }
0x21e: {  	[sflag:s8] =	ssyncset.done $0x0  }
0x21f: {  	[sflag:s8] =	ssyncadd.s32 $0xFFFFD800  }
0x220: {  	[tilespmem:s4], [sflag:$0x6] =	stream.linear.gather [spmem:s20], $0x2800, $0x38;
	[tilespmem:$0x1F880] =	vst v63  }
0x221: {  	_ =	swait.ge [sflag:s21], $0x2800  }
0x222: {  	s31 =	sld [smem:$0x7FD]  }
0x223: {  	[sflag:s21] =	ssyncset.done $0x0  }
0x224: {  	[sflag:s21] =	ssyncadd.s32 $0xFFFFD800  }
0x225: {  	[hbm4b:s31+s3] =	stream.linear.scatter [tilespmem:s4], [sflag:$0x5], $0x2800, $0x38;
	[tilespmem:$0x1F880] =	vst v63  }
.Ltmp21:
0x226: {  	_ = 	snop;
	(pc) =	sbr.rel @p2 .LBB2_24-.Ltmp21, $4  }
.Ltmp22:
0x227: {  	_ = 	snop;
	(pc) =	sbr.rel @!p2 .LBB2_25-.Ltmp22, $4  }
0x228: {  	_ =	swait.ge [sflag:s8], $0x2800  }
0x229: {  	[sflag:s8] =	ssyncset.done $0x0  }
0x22a: {  	s26 =	rddreg [dreg:$0x4];
	[sflag:s8] =	ssyncadd.s32 $0xFFFFD800  }
0x22b: {  	_ = 	snop  }
.LBB2_23:
0x22c: {  	[bflag:$0x0] =	sbarrier.arrive $0xFFFF  }
0x22d: {  	s28 =	rddreg [dreg:$0x9]  }
0x22e: {  	[tilespmem:s4], [sflag:$0x6] =	stream.linear.gather [spmem:s28], $0x2800, $0x38;
	[tilespmem:$0x1F880] =	vst v63  }
0x22f: {  	_ =	swait.ge [sflag:s21], $0x2800  }
0x230: {  	[sflag:s21] =	ssyncset.done $0x0  }
0x231: {  	s14 =	rddreg [dreg:$0x15];
	[sflag:s21] =	ssyncadd.s32 $0xFFFFD800  }
0x232: {  	[hbm4b:s14+s3] =	stream.linear.scatter [tilespmem:s4], [sflag:$0x5], $0x2800, $0x38;
	[tilespmem:$0x1F880] =	vst v63  }
0x233: {  	_ =	swait.ge [sflag:s8], $0x2800  }
0x234: {  	[sflag:s8] =	ssyncset.done $0x0  }
0x235: {  	s29 =	rddreg [dreg:$0xa];
	[sflag:s8] =	ssyncadd.s32 $0xFFFFD800  }
0x236: {  	[tilespmem:s4], [sflag:$0x6] =	stream.linear.gather [spmem:s29], $0x2800, $0x38;
	[tilespmem:$0x1F880] =	vst v63  }
0x237: {  	_ =	swait.ge [sflag:s21], $0x2800  }
0x238: {  	[sflag:s21] =	ssyncset.done $0x0  }
0x239: {  	s30 =	rddreg [dreg:$0x17];
	[sflag:s21] =	ssyncadd.s32 $0xFFFFD800  }
0x23a: {  	[hbm4b:s30+s3] =	stream.linear.scatter [tilespmem:s4], [sflag:$0x5], $0x2800, $0x38;
	[tilespmem:$0x1F880] =	vst v63  }
0x23b: {  	_ =	swait.ge [sflag:s8], $0x2800  }
0x23c: {  	[sflag:s8] =	ssyncset.done $0x0  }
0x23d: {  	[sflag:s8] =	ssyncadd.s32 $0xFFFFD800  }
0x23e: {  	[tilespmem:s4], [sflag:$0x6] =	stream.linear.gather [spmem:s16], $0x2800, $0x38;
	[tilespmem:$0x1F880] =	vst v63  }
0x23f: {  	_ =	swait.ge [sflag:s21], $0x2800  }
0x240: {  	[sflag:s21] =	ssyncset.done $0x0  }
0x241: {  	s31 =	rddreg [dreg:$0x19];
	[sflag:s21] =	ssyncadd.s32 $0xFFFFD800  }
0x242: {  	[hbm4b:s31+s3] =	stream.linear.scatter [tilespmem:s4], [sflag:$0x5], $0x2800, $0x38;
	[tilespmem:$0x1F880] =	vst v63  }
0x243: {  	_ =	swait.ge [sflag:s8], $0x2800  }
0x244: {  	[sflag:s8] =	ssyncset.done $0x0  }
0x245: {  	[sflag:s8] =	ssyncadd.s32 $0xFFFFD800  }
0x246: {  	[tilespmem:s4], [sflag:$0x6] =	stream.linear.gather [spmem:s17], $0x2800, $0x38;
	[tilespmem:$0x1F880] =	vst v63  }
0x247: {  	_ =	swait.ge [sflag:s21], $0x2800  }
0x248: {  	[sflag:s21] =	ssyncset.done $0x0  }
0x249: {  	s15 =	rddreg [dreg:$0x1b];
	[sflag:s21] =	ssyncadd.s32 $0xFFFFD800  }
0x24a: {  	[hbm4b:s15+s3] =	stream.linear.scatter [tilespmem:s4], [sflag:$0x5], $0x2800, $0x38;
	[tilespmem:$0x1F880] =	vst v63  }
0x24b: {  	_ =	swait.ge [sflag:s8], $0x2800  }
0x24c: {  	[sflag:s8] =	ssyncset.done $0x0  }
0x24d: {  	[sflag:s8] =	ssyncadd.s32 $0xFFFFD800  }
0x24e: {  	[tilespmem:s4], [sflag:$0x6] =	stream.linear.gather [spmem:s18], $0x2800, $0x38;
	[tilespmem:$0x1F880] =	vst v63  }
0x24f: {  	_ =	swait.ge [sflag:s21], $0x2800  }
0x250: {  	[sflag:s21] =	ssyncset.done $0x0  }
0x251: {  	s26 =	rddreg [dreg:$0x1d];
	[sflag:s21] =	ssyncadd.s32 $0xFFFFD800  }
0x252: {  	[hbm4b:s26+s3] =	stream.linear.scatter [tilespmem:s4], [sflag:$0x5], $0x2800, $0x38;
	[tilespmem:$0x1F880] =	vst v63  }
0x253: {  	_ =	swait.ge [sflag:s8], $0x2800  }
0x254: {  	[sflag:s8] =	ssyncset.done $0x0  }
0x255: {  	[sflag:s8] =	ssyncadd.s32 $0xFFFFD800  }
0x256: {  	[tilespmem:s4], [sflag:$0x6] =	stream.linear.gather [spmem:s19], $0x2800, $0x38;
	[tilespmem:$0x1F880] =	vst v63  }
0x257: {  	_ =	swait.ge [sflag:s21], $0x2800  }
0x258: {  	[sflag:s21] =	ssyncset.done $0x0  }
0x259: {  	s30 =	rddreg [dreg:$0x1f];
	[sflag:s21] =	ssyncadd.s32 $0xFFFFD800  }
0x25a: {  	[hbm4b:s30+s3] =	stream.linear.scatter [tilespmem:s4], [sflag:$0x5], $0x2800, $0x38;
	[tilespmem:$0x1F880] =	vst v63  }
0x25b: {  	_ =	swait.ge [sflag:s8], $0x2800  }
0x25c: {  	[sflag:s8] =	ssyncset.done $0x0  }
0x25d: {  	[sflag:s8] =	ssyncadd.s32 $0xFFFFD800  }
0x25e: {  	[tilespmem:s4], [sflag:$0x6] =	stream.linear.gather [spmem:s20], $0x2800, $0x38;
	[tilespmem:$0x1F880] =	vst v63  }
0x25f: {  	_ =	swait.ge [sflag:s21], $0x2800  }
0x260: {  	s31 =	sld [smem:$0x7FC]  }
0x261: {  	[sflag:s21] =	ssyncset.done $0x0  }
0x262: {  	[sflag:s21] =	ssyncadd.s32 $0xFFFFD800  }
0x263: {  	[hbm4b:s31+s3] =	stream.linear.scatter [tilespmem:s4], [sflag:$0x5], $0x2800, $0x38;
	[tilespmem:$0x1F880] =	vst v63  }
.Ltmp23:
0x264: {  	_ = 	snop;
	(pc) =	sbr.rel @p1 .LBB2_25-.Ltmp23, $4  }
.Ltmp24:
0x265: {  	_ = 	snop;
	(pc) =	sbr.rel @!p1 .LBB2_24-.Ltmp24, $4  }
0x266: {  	_ =	swait.ge [sflag:s8], $0x2800  }
0x267: {  	[sflag:s8] =	ssyncset.done $0x0  }
0x268: {  	s26 =	rddreg [dreg:$0x5];
	[sflag:s8] =	ssyncadd.s32 $0xFFFFD800  }
0x269: {  	_ = 	snop  }
.LBB2_26:
0x26a: {  	_ =	sfence.sel $0x180000  }
0x26b: {  	[bflag:$0x0] =	sbarrier.arrive $0xFFFF  }
0x26c: {  	_ =	strace $0x90000047  }
0x26d: {  	s0 =	stileid.u32;
	[bflag:$0x2] =	sbarrier.arrive $0xFFFF  }
0x26e: {  	p0 =	sne.s32 s0, $0x0;
	s0 =	rddreg [dreg:$0x3]  }
0x26f: {  	s0 =	sadd.s32 @!p0 $0x100000, s0  }
0x270: {  	[sflag:s0] =	ssyncadd.tile.s32 @!p0 $0x1;
	_ =	shalt  }
.Lfunc_end2:
_tile_overlayer_lowered:
.L_overlay_start_2:
0x271: {  	(tag) =	ssettag $0x2  }
0x272: {  	s0 =	rddreg [dreg:$0x0];
	s2 =	stileid.u32  }
0x273: {  	s1 =	rddreg [dreg:$0x1];
	p0 =	sne.s32 s2, $0x0  }
0x274: {  	s3 =	rddreg [dreg:$0x2];
	[bflag:$0x3] =	sbarrier.arrive $0xFFFF;
	s2 =	simm.s32 @!p0 $0x1C05  }
0x275: {  	[timem:s3], [sflag:s2] =	dma.local @!p0 [hbm:s0], s1  }
0x276: {  	s0 =	simm.s32 @!p0 $0x5  }
0x277: {  	_ =	swait.ge @!p0 [sflag:s0], s1  }
0x278: {  	s1 =	ssub.s32 @!p0 $0x0, s1;
	[sflag:s0] =	ssyncset.done @!p0 $0x0  }
0x279: {  	[sflag:s0] =	ssyncadd.s32 @!p0 s1  }
0x27a: {  	[bflag:$0x3] =	sbarrier.arrive $0xFFFF  }
0x27b: {  	_ =	shalt  }

// kernel: kernel.9.cloned.1.call-start
scs
__scs_entry_jumppad:
0x0: {  	(pc) =	sbr.rel $0x88, $3  }
0x1: {  	(tag) =	ssettag $0x0;
	lr =	simm.s32 $0x1  }
0x2: {  	[smem:$0x3F77] =	sst lr;
	_ =	strace $0xD0000000  }
0x3: {  	_ = 	snop  }
0x4: {  	_ = 	snop  }
0x5: {  	_ = 	snop  }
0x6: {  	_ = 	snop  }
0x7: {  	_ = 	snop  }
__scs_overlays_trampoline_lowered:
0x8: {  	[smem:$0x3F86] =	sst s0  }
0x9: {  	[smem:$0x3F87] =	sst s1  }
0xa: {  	[smem:$0x3F88] =	sst s2  }
0xb: {  	[smem:$0x3F89] =	sst s3  }
0xc: {  	[smem:$0x3F8A] =	sst s4  }
0xd: {  	[smem:$0x3F8B] =	sst s5  }
0xe: {  	[smem:$0x3F8C] =	sst s6  }
0xf: {  	[smem:$0x3F8D] =	sst s7  }
0x10: {  	[smem:$0x3F8E] =	sst s8  }
0x11: {  	[smem:$0x3F8F] =	sst s9;
	s0 =	simm.s32 @!p0 $0x0  }
0x12: {  	s1 =	sld [smem:$0x3F75];
	s0 =	simm.s32 @p0 $0x1  }
0x13: {  	[smem:$0x3F90] =	sst s0;
	s0 =	simm.s32 @!p1 $0x0  }
0x14: {  	s2 =	sld [smem:$0x3F74];
	s0 =	simm.s32 @p1 $0x1  }
0x15: {  	[smem:$0x3F91] =	sst s0;
	s0 =	simm.s32 @!p2 $0x0  }
0x16: {  	s3 =	sld [smem:$0x3FDB];
	s0 =	simm.s32 @p2 $0x1  }
0x17: {  	s4 =	simm.s32 $0x1BF5;
	[smem:$0x3F93] =	sst s0  }
0x18: {  	s0 =	sld [smem:$0x3F76];
	_ =	swait.ge [sflag:s4], $0x0  }
0x19: {  	s7 =	sld [smem:$0x3F77]  }
0x1a: {  	s8 =	sadd.s32 $0xFFFFE003, lr  }
0x1b: {  	s9 =	sadd.s32 $0xFFFFFEF7, lr;
	s5 =	simm.s32 $0xFFFFFFFF;
	p2 =	slt.u32 s8, $0xFFFFF086  }
0x1c: {  	p1 =	slt.u32 s9, $0xF7A;
	s5 =	simm.s32 @!p2 $0x0  }
0x1d: {  	s5 =	simm.s32 @p1 $0x1;
	p0 =	seq.s32 s7, s2  }
0x1e: {  	s7 =	smul.u32 @!p0 $0xF7A, s2;
	p2 =	seq.s32 @!p0 s5, $0x0  }
0x1f: {  	s9 =	smul.u32 $0xF7A, s1;
	s8 =	simm.s32 @!p0 $0x1BF5;
	p2 =	por !p2, p0  }
0x20: {  	[sflag:s8] =	ssyncset.s32 @!p0 $0xFFFFF086;
	s6 =	sadd.s32 @!p0 s3, s7;
	s7 =	simm.s32 @!p0 $0x108  }
0x21: {  	s3 =	sadd.s32 s3, s9;
	s6 =	sadd.s32 @!p0 $0x88, s6;
	s7 =	simm.s32 @p2 $0x1082  }
0x22: {  	[simem:s7], [sflag:s8] =	dma.local @!p0 [hbm:s6], $0xF7A  }
0x23: {  	s9 =	sor.u32 $0xD0000000, s2;
	s6 =	simm.s32 $0x108;
	_ =	swait.ge @!p0 [sflag:s8], $0x0  }
0x24: {  	s3 =	sadd.s32 $0x88, s3;
	s6 =	simm.s32 @!p1 $0x1082;
	[sflag:s4] =	ssyncset.s32 $0xFFFFF086  }
0x25: {  	[simem:s6], [sflag:s4] =	dma.local [hbm:s3], $0xF7A  }
0x26: {  	[smem:$0x3F77] =	sst s1;
	(tag) =	ssettag s2;
	_ =	strace s9  }
0x27: {  	s1 =	sld [smem:$0x3F87]  }
0x28: {  	s2 =	sld [smem:$0x3F88]  }
0x29: {  	s4 =	sld [smem:$0x3F8A]  }
0x2a: {  	p0 =	seq.s32 s5, $0x0;
	s5 =	sld [smem:$0x3F8B]  }
0x2b: {  	s6 =	sld [smem:$0x3F8C]  }
0x2c: {  	s7 =	sld [smem:$0x3F8D]  }
0x2d: {  	s3 =	simm.s32 $0x108;
	s8 =	sld [smem:$0x3F8E]  }
0x2e: {  	s3 =	simm.s32 @!p0 $0x1082;
	s9 =	sld [smem:$0x3F8F]  }
0x2f: {  	lr =	sadd.s32 s0, s3;
	s0 =	sld [smem:$0x3F86]  }
0x30: {  	s3 =	sld [smem:$0x3F89]  }
0x31: {  	[smem:$0x3F92] =	sst s10  }
0x32: {  	s10 =	sld [smem:$0x3F90];
	_ =	sdelay $0x3  }
0x33: {  	p0 =	seq.s32 s10, $0x1;
	s10 =	sld [smem:$0x3F92];
	_ =	sdelay $0x3  }
0x34: {  	[smem:$0x3F92] =	sst s10  }
0x35: {  	s10 =	sld [smem:$0x3F91];
	_ =	sdelay $0x3  }
0x36: {  	p1 =	seq.s32 s10, $0x1;
	s10 =	sld [smem:$0x3F92];
	_ =	sdelay $0x3  }
0x37: {  	[smem:$0x3F92] =	sst s10  }
0x38: {  	s10 =	sld [smem:$0x3F93]  }
0x39: {  	_ = 	snop;
	(pc) =	sbr.ind lr, $3  }
0x3a: {  	_ = 	snop  }
0x3b: {  	_ = 	snop  }
0x3c: {  	p2 =	seq.s32 s10, $0x1;
	s10 =	sld [smem:$0x3F92]  }
0x3d: {  	_ =	shalt  }
0x3e: {  	_ =	shalt  }
0x3f: {  	_ =	shalt  }
0x40: {  	_ =	shalt  }
0x41: {  	_ =	shalt  }
0x42: {  	_ =	shalt  }
0x43: {  	_ =	shalt  }
0x44: {  	_ =	shalt  }
0x45: {  	_ =	shalt  }
0x46: {  	_ =	shalt  }
0x47: {  	_ =	shalt  }
0x48: {  	_ =	shalt  }
0x49: {  	_ =	shalt  }
0x4a: {  	_ =	shalt  }
0x4b: {  	_ =	shalt  }
0x4c: {  	_ =	shalt  }
0x4d: {  	_ =	shalt  }
0x4e: {  	_ =	shalt  }
0x4f: {  	_ =	shalt  }
0x50: {  	_ =	shalt  }
0x51: {  	_ =	shalt  }
0x52: {  	_ =	shalt  }
0x53: {  	_ =	shalt  }
0x54: {  	_ =	shalt  }
0x55: {  	_ =	shalt  }
0x56: {  	_ =	shalt  }
0x57: {  	_ =	shalt  }
0x58: {  	_ =	shalt  }
0x59: {  	_ =	shalt  }
0x5a: {  	_ =	shalt  }
0x5b: {  	_ =	shalt  }
0x5c: {  	_ =	shalt  }
0x5d: {  	_ =	shalt  }
0x5e: {  	_ =	shalt  }
0x5f: {  	_ =	shalt  }
0x60: {  	_ =	shalt  }
0x61: {  	_ =	shalt  }
0x62: {  	_ =	shalt  }
0x63: {  	_ =	shalt  }
0x64: {  	_ =	shalt  }
0x65: {  	_ =	shalt  }
0x66: {  	_ =	shalt  }
0x67: {  	_ =	shalt  }
0x68: {  	_ =	shalt  }
0x69: {  	_ =	shalt  }
0x6a: {  	_ =	shalt  }
0x6b: {  	_ =	shalt  }
0x6c: {  	_ =	shalt  }
0x6d: {  	_ =	shalt  }
0x6e: {  	_ =	shalt  }
0x6f: {  	_ =	shalt  }
0x70: {  	_ =	shalt  }
0x71: {  	_ =	shalt  }
0x72: {  	_ =	shalt  }
0x73: {  	_ =	shalt  }
0x74: {  	_ =	shalt  }
0x75: {  	_ =	shalt  }
0x76: {  	_ =	shalt  }
0x77: {  	_ =	shalt  }
0x78: {  	_ =	shalt  }
0x79: {  	_ =	shalt  }
0x7a: {  	_ =	shalt  }
0x7b: {  	_ =	shalt  }
0x7c: {  	_ =	shalt  }
0x7d: {  	_ =	shalt  }
0x7e: {  	_ =	shalt  }
0x7f: {  	_ =	shalt  }
0x80: {  	_ =	shalt  }
0x81: {  	_ =	shalt  }
0x82: {  	_ =	shalt  }
0x83: {  	_ =	shalt  }
0x84: {  	_ =	shalt  }
0x85: {  	_ =	shalt  }
0x86: {  	_ =	shalt  }
0x87: {  	_ =	shalt  }
.Lfunc_end0:
.L_simem_size_0:
called_computation.1_lowered:
.L_overlay_start_0:
0x88: {  	s2 =	sld [smem:$0x3FD9]  }
0x89: {  	s3 =	sld [smem:$0x3FFE];
	_ =	sdelay $0x1  }
0x8a: {  	s1 =	srdreg.scid  }
0x8b: {  	s0 =	sand.u32 $0x1, s1  }
0x8c: {  	s17 =	sshll.u32 s0, $0xA;
	s2 =	sadd.s32 s3, s2  }
0x8d: {  	s2 =	sadd.s32 s2, s17  }
0x8e: {  	[smem:$0x3F9E] =	sst s2  }
0x8f: {  	_ = 	snop  }
0x90: {  	s2 =	sld [smem:$0x3FD0];
	(tm) =	ssettm $0x1  }
0x91: {  	s18 =	sld [smem:$0x3FFB];
	_ =	sdelay $0x3  }
0x92: {  	_ =	strace s18  }
0x93: {  	s3 =	sld [smem:$0x3FFC];
	_ =	sdelay $0x3  }
0x94: {  	_ =	strace s3  }
0x95: {  	s3 =	sld [smem:$0x3FFD];
	_ =	sdelay $0x3  }
0x96: {  	_ =	strace s3  }
0x97: {  	_ =	strace $0x8FFFFFFF  }
0x98: {  	s19 =	sld [smem:$0x3FDB];
	_ =	sdelay $0x1  }
0x99: {  	s4 =	simm.s32 $_scs_section_size  }
0x9a: {  	s5 =	simm.s32 $_size__tile_overlayer_lowered;
	s6 =	simm.s32 $_tile_overlayer_lowered  }
0x9b: {  	s22 =	simm.s32 $0x1BFF;
	s21 =	sshll.u32 s6, $0x1;
	s3 =	sadd.s32 s4, s19  }
0x9c: {  	s7 =	simm.s32 $0x0;
	s20 =	sshll.u32 s5, $0x1;
	s5 =	sadd.s32 s21, s3  }
0x9d: {  	[timem:s7], [sflag:s22] =	dma.local [hbm:s5], s20  }
0x9e: {  	_ =	swait.ge [sflag:s22], s20  }
0x9f: {  	s4 =	ssub.s32 $0x0, s20;
	[sflag:s22] =	ssyncset.done $0x0  }
0xa0: {  	[sflag:s22] =	ssyncadd.s32 s4;
	_ =	sdelay $0x1  }
0xa1: {  	s23 =	simm.s32 $0x1B8B  }
0xa2: {  	_ =	swait.ge [sflag:s23], $0x1  }
0xa3: {  	[sflag:s23] =	ssyncset.done $0x0  }
0xa4: {  	s25 =	simm.s32 $0x1B8E;
	s24 =	sld [smem:$0x3FFE];
	[sflag:s23] =	ssyncadd.s32 $0xFFFFFFFF  }
0xa5: {  	s26 =	simm.s32 $execute0_lowered;
	[smem:$0x3FD2] =	sst s25  }
0xa6: {  	s5 =	sshll.u32 s26, $0x1;
	_ =	strace $0x80000049;
	[dreg:$0x1] =	wrdreg $0xFFFFFFFF  }
0xa7: {  	s28 =	simm.s32 $_size_execute0_lowered;
	s3 =	sadd.s32 s3, s5;
	[dreg:$0x0] =	wrdreg $0x0  }
0xa8: {  	s5 =	sshll.u32 s28, $0x1;
	[dreg:$0x2] =	wrdreg s3  }
0xa9: {  	[dreg:$0x3] =	wrdreg s5  }
0xaa: {  	[dreg:$0x4] =	wrdreg $0xC0  }
0xab: {  	_ =	task [dreg:s7], $0x5FFFF  }
0xac: {  	[dreg:$0x1] =	wrdreg $0xFFFFFFFF  }
0xad: {  	[dreg:$0x0] =	wrdreg $0x60  }
0xae: {  	[dreg:$0x2] =	wrdreg s24  }
0xaf: {  	[dreg:$0x3] =	wrdreg s2  }
0xb0: {  	[dreg:$0x4] =	wrdreg $0x9  }
0xb1: {  	_ =	task.clear_ibuf [dreg:s7], $0x5FFFF;
	_ =	strace $0x90000049  }
0xb2: {  	s29 =	simm.s32 $0x9;
	_ =	strace $0x8000004B  }
0xb3: {  	_ =	swait.ge [sflag:s29], $0x1  }
0xb4: {  	[sflag:s29] =	ssyncadd.s32 $0xFFFFFFFF  }
0xb5: {  	_ =	strace $0x9000004B  }
0xb6: {  	_ =	sfence  }
0xb7: {  	s30 =	sld [smem:$0x0];
	_ =	sdelay $0x2  }
0xb8: {  	s31 =	sshll.u32 s1, $0xD;
	s1 =	sshrl.u32 s1, $0x2  }
0xb9: {  	s3 =	sand.u32 $0x4000, s31;
	s1 =	sadd.s32 s1, s30  }
0xba: {  	s0 =	sor.u32 s3, s0;
	s1 =	sshll.u32 s1, $0x11  }
0xbb: {  	s0 =	sor.u32 s1, s0  }
0xbc: {  	s0 =	sadd.s32 $0x8F2B, s0  }
0xbd: {  	[sflag:s0] =	ssyncadd.remote.s32 $0x1  }
0xbe: {  	_ =	sfence.sel $0xFFFF  }
0xbf: {  	[dreg:$0x0] =	wrdreg $0xFFFFFFFF;
	(pc) =	sbr.abs _section_cstart, $3  }
0xc0: {  	[dreg:$0x1] =	wrdreg $0xFFFFFFFF  }
0xc1: {  	_ =	task.clear_ibuf [dreg:s7], $0x2FFFF;
	_ =	strace $0x9FFFFFFF  }
0xc2: {  	(tm) =	ssettm $0x7FFFFFFF  }
0xc3: {  	_ =	shalt  }
tec
execute0_lowered:
.L_overlay_start_1:
0x0: {  	(tag) =	ssettag $0x1  }
0x1: {  	s0 =	rddreg [dreg:$0x0]  }
0x2: {  	s1 =	rddreg [dreg:$0x1];
	s3 =	srdreg.scid  }
0x3: {  	s7 =	stileid.u32;
	s2 =	simm.s32 $0x0;
	s18 =	simm.s32 $0x7780  }
0x4: {  	s29 =	simm.s32 $0xC780;
	s12 =	simm.s32 $0x11780;
	s19 =	simm.s32 $0x14780  }
0x5: {  	s20 =	simm.s32 $0x14F80;
	s21 =	simm.s32 $0x15780;
	s22 =	simm.s32 $0x15F80  }
0x6: {  	s23 =	simm.s32 $0x16780;
	s28 =	simm.s32 $0x18780;
	s30 =	simm.s32 $0x18F80  }
0x7: {  	s31 =	simm.s32 $0x19780;
	s9 =	simm.s32 $0x2;
	s10 =	simm.s32 $0x3  }
0x8: {  	s11 =	simm.s32 $0x4;
	s13 =	simm.s32 $0x5;
	s15 =	simm.s32 $0x0  }
0x9: {  	s4 =	sand.u32 $0x1, s3;
	s24 =	sshll.u32 s7, $0x1;
	[smem:$0x7FF] =	sst s2  }
0xa: {  	s7 =	smul.u32 $0x9C400, s7;
	s3 =	sor.u32 s4, s24;
	_ =	strace $0x8000004A  }
0xb: {  	s6 =	ssub.s32 $0x2, s4;
	s4 =	smul.u32 $0x4E200, s4;
	s24 =	simm.s32 $0x16F80  }
0xc: {  	s5 =	smul.u32 $0x2710, s3;
	s3 =	sadd.s32 $0x10400, s0;
	s8 =	sshrl.u32 s6, $0x1  }
0xd: {  	s1 =	sadd.s32 s7, s1;
	s7 =	simm.s32 $0x6;
	s25 =	ssub.s32 s6, s8  }
.Ltmp0:
0xe: {  	s6 =	sadd.s32 s4, s1;
	s8 =	simm.s32 $0x2780;
	(pc) =	sbr.rel .LBB2_1-.Ltmp0, $4  }
0xf: {  	s1 =	simm.s32 $0x1A780;
	s4 =	simm.s32 $0x1AF80;
	s5 =	sshrl.u32 s5, $0x3  }
0x10: {  	v2 =	vlaneseq.u32;
	s26 =	smax.u32 s25, $0x1;
	s25 =	simm.s32 $0x17780;
	s0 =	sadd.s32 s5, s0  }
0x11: {  	vm0 =	vmmov $0xffff;
	v1 =	vshrl.u32 v2, $0x3;
	[dreg:$0x4] =	wrdreg s26;
	s26 =	simm.s32 $0x17F80;
	s0 =	sadd.s32 $0x6600, s0  }
0x12: {  	v0 =	vand.u32 $0x7, v2;
	v2 =	vor.u32 $0x8, v2;
	v1 =	vmul.u32 $0x8, v1;
	s5 =	simm.s32 $0x1;
	[dreg:$0x3] =	wrdreg s0;
	s0 =	simm.s32 $0x19F80  }
.LBB2_11:
0x13: {  	s15 =	rddreg [dreg:$0x5]  }
0x14: {  	s14 =	rddreg [dreg:$0x4];
	s15 =	sadd.s32 $0x1, s15  }
0x15: {  	p0 =	sne.s32 s15, s14  }
.Ltmp1:
0x16: {  	_ = 	snop;
	(pc) =	sbr.rel @!p0 .LBB2_12-.Ltmp1, $1  }
0x17: {  	_ =	sdelay $0x3  }
.LBB2_1:
0x18: {  	[dreg:$0x5] =	wrdreg s15  }
0x19: {  	s14 =	rddreg [dreg:$0x3]  }
0x1a: {  	[tilespmem:s2], [sflag:$0x6] =	stream.linear.gather [hbm4b:s14+s2], $0x2710, $0x38;
	[tilespmem:$0x1B780] =	vst v63  }
0x1b: {  	_ =	swait.ge [sflag:s7], $0x2710  }
0x1c: {  	[sflag:s7] =	ssyncset.done $0x0  }
0x1d: {  	[sflag:s7] =	ssyncadd.s32 $0xFFFFD8F0  }
0x1e: {  	v3 =	vld [tilespmem:$0x0];
	_ =	sdelay $0x4  }
0x1f: {  	v4 =	vshll.u32 v3, $0x1  }
0x20: {  	v3 =	vand.u32 $0x7, v3;
	v4 =	vand.u32 $0xFFFFFFF0, v4  }
0x21: {  	v3 =	vor.u32 v3, v4  }
0x22: {  	v4 =	vperm.xlane v3, v0;
	_ =	sdelay $0x1  }
0x23: {  	v3 =	vperm.xlane v3, v2;
	v4 =	vadd.s32 v1, v4;
	_ =	sdelay $0x1  }
0x24: {  	v3 =	vadd.s32 v1, v3;
	_ =	sdelay $0x2  }
0x25: {  	[tilespmem:s8], [sflag:$0x1] =	stream.indirect_vreg.gather [hbm4b:s3+s2], $0x80, v4, vm0, $0xb8;
	[tilespmem:$0x1B780] =	vst v63  }
0x26: {  	s16 =	simm.s32 $0x2F80  }
0x27: {  	[tilespmem:s16], [sflag:$0x1] =	stream.indirect_vreg.gather [hbm4b:s3+s2], $0x80, v3, vm0, $0xb8;
	[tilespmem:$0x1B780] =	vst v63  }
0x28: {  	v3 =	vld [tilespmem:$0x10];
	_ =	sdelay $0x4  }
0x29: {  	v45 =	vshll.u32 v3, $0x1  }
0x2a: {  	v3 =	vand.u32 $0x7, v3;
	v4 =	vand.u32 $0xFFFFFFF0, v45  }
0x2b: {  	v3 =	vor.u32 v3, v4  }
0x2c: {  	v4 =	vperm.xlane v3, v0;
	_ =	sdelay $0x1  }
0x2d: {  	v3 =	vperm.xlane v3, v2;
	v4 =	vadd.s32 v1, v4;
	_ =	sdelay $0x1  }
0x2e: {  	v3 =	vadd.s32 v1, v3;
	_ =	sdelay $0x1  }
0x2f: {  	s17 =	simm.s32 $0x3780  }
0x30: {  	[tilespmem:s17], [sflag:$0x1] =	stream.indirect_vreg.gather [hbm4b:s3+s2], $0x80, v4, vm0, $0xb8;
	[tilespmem:$0x1B780] =	vst v63  }
0x31: {  	s15 =	simm.s32 $0x3F80  }
0x32: {  	[tilespmem:s15], [sflag:$0x1] =	stream.indirect_vreg.gather [hbm4b:s3+s2], $0x80, v3, vm0, $0xb8;
	[tilespmem:$0x1B780] =	vst v63  }
0x33: {  	v3 =	vld [tilespmem:$0x20];
	_ =	sdelay $0x4  }
0x34: {  	v46 =	vshll.u32 v3, $0x1  }
0x35: {  	v3 =	vand.u32 $0x7, v3;
	v4 =	vand.u32 $0xFFFFFFF0, v46  }
0x36: {  	v3 =	vor.u32 v3, v4  }
0x37: {  	v4 =	vperm.xlane v3, v0;
	_ =	sdelay $0x1  }
0x38: {  	v3 =	vperm.xlane v3, v2;
	v4 =	vadd.s32 v1, v4;
	_ =	sdelay $0x1  }
0x39: {  	v3 =	vadd.s32 v1, v3;
	_ =	sdelay $0x1  }
0x3a: {  	s16 =	simm.s32 $0x4780  }
0x3b: {  	[tilespmem:s16], [sflag:$0x1] =	stream.indirect_vreg.gather [hbm4b:s3+s2], $0x80, v4, vm0, $0xb8;
	[tilespmem:$0x1B780] =	vst v63  }
0x3c: {  	s17 =	simm.s32 $0x4F80  }
0x3d: {  	[tilespmem:s17], [sflag:$0x1] =	stream.indirect_vreg.gather [hbm4b:s3+s2], $0x80, v3, vm0, $0xb8;
	[tilespmem:$0x1B780] =	vst v63  }
0x3e: {  	v3 =	vld [tilespmem:$0x30];
	_ =	sdelay $0x4  }
0x3f: {  	v47 =	vshll.u32 v3, $0x1  }
0x40: {  	v3 =	vand.u32 $0x7, v3;
	v4 =	vand.u32 $0xFFFFFFF0, v47  }
0x41: {  	v3 =	vor.u32 v3, v4  }
0x42: {  	v4 =	vperm.xlane v3, v0;
	_ =	sdelay $0x1  }
0x43: {  	v3 =	vperm.xlane v3, v2;
	v4 =	vadd.s32 v1, v4;
	_ =	sdelay $0x1  }
0x44: {  	v3 =	vadd.s32 v1, v3;
	_ =	sdelay $0x1  }
0x45: {  	s15 =	simm.s32 $0x5780  }
0x46: {  	[tilespmem:s15], [sflag:$0x1] =	stream.indirect_vreg.gather [hbm4b:s3+s2], $0x80, v4, vm0, $0xb8;
	[tilespmem:$0x1B780] =	vst v63  }
0x47: {  	s16 =	simm.s32 $0x5F80  }
0x48: {  	[tilespmem:s16], [sflag:$0x1] =	stream.indirect_vreg.gather [hbm4b:s3+s2], $0x80, v3, vm0, $0xb8;
	[tilespmem:$0x1B780] =	vst v63  }
0x49: {  	v3 =	vld [tilespmem:$0x40];
	_ =	sdelay $0x4  }
0x4a: {  	v48 =	vshll.u32 v3, $0x1  }
0x4b: {  	v3 =	vand.u32 $0x7, v3;
	v4 =	vand.u32 $0xFFFFFFF0, v48  }
0x4c: {  	v3 =	vor.u32 v3, v4  }
0x4d: {  	v4 =	vperm.xlane v3, v0;
	_ =	sdelay $0x1  }
0x4e: {  	v3 =	vperm.xlane v3, v2;
	v4 =	vadd.s32 v1, v4;
	_ =	sdelay $0x1  }
0x4f: {  	v3 =	vadd.s32 v1, v3;
	_ =	sdelay $0x1  }
0x50: {  	s17 =	simm.s32 $0x6780  }
0x51: {  	[tilespmem:s17], [sflag:$0x1] =	stream.indirect_vreg.gather [hbm4b:s3+s2], $0x80, v4, vm0, $0xb8;
	[tilespmem:$0x1B780] =	vst v63  }
0x52: {  	s15 =	simm.s32 $0x6F80  }
0x53: {  	[tilespmem:s15], [sflag:$0x1] =	stream.indirect_vreg.gather [hbm4b:s3+s2], $0x80, v3, vm0, $0xb8;
	[tilespmem:$0x1B780] =	vst v63  }
0x54: {  	v3 =	vld [tilespmem:$0x50];
	_ =	sdelay $0x4  }
0x55: {  	v49 =	vshll.u32 v3, $0x1  }
0x56: {  	v3 =	vand.u32 $0x7, v3;
	v4 =	vand.u32 $0xFFFFFFF0, v49  }
0x57: {  	v3 =	vor.u32 v3, v4  }
0x58: {  	v4 =	vperm.xlane v3, v0;
	_ =	sdelay $0x1  }
0x59: {  	v3 =	vperm.xlane v3, v2;
	v4 =	vadd.s32 v1, v4;
	_ =	sdelay $0x1  }
0x5a: {  	v3 =	vadd.s32 v1, v3;
	_ =	sdelay $0x2  }
0x5b: {  	[tilespmem:s18], [sflag:$0x2] =	stream.indirect_vreg.gather [hbm4b:s3+s2], $0x80, v4, vm0, $0xb8;
	[tilespmem:$0x1B780] =	vst v63  }
0x5c: {  	s16 =	simm.s32 $0x7F80  }
0x5d: {  	[tilespmem:s16], [sflag:$0x2] =	stream.indirect_vreg.gather [hbm4b:s3+s2], $0x80, v3, vm0, $0xb8;
	[tilespmem:$0x1B780] =	vst v63  }
0x5e: {  	v3 =	vld [tilespmem:$0x60];
	_ =	sdelay $0x4  }
0x5f: {  	v50 =	vshll.u32 v3, $0x1  }
0x60: {  	v3 =	vand.u32 $0x7, v3;
	v4 =	vand.u32 $0xFFFFFFF0, v50  }
0x61: {  	v3 =	vor.u32 v3, v4  }
0x62: {  	v4 =	vperm.xlane v3, v0;
	_ =	sdelay $0x1  }
0x63: {  	v3 =	vperm.xlane v3, v2;
	v4 =	vadd.s32 v1, v4;
	_ =	sdelay $0x1  }
0x64: {  	v3 =	vadd.s32 v1, v3;
	_ =	sdelay $0x1  }
0x65: {  	s17 =	simm.s32 $0x8780  }
0x66: {  	[tilespmem:s17], [sflag:$0x2] =	stream.indirect_vreg.gather [hbm4b:s3+s2], $0x80, v4, vm0, $0xb8;
	[tilespmem:$0x1B780] =	vst v63  }
0x67: {  	s15 =	simm.s32 $0x8F80  }
0x68: {  	[tilespmem:s15], [sflag:$0x2] =	stream.indirect_vreg.gather [hbm4b:s3+s2], $0x80, v3, vm0, $0xb8;
	[tilespmem:$0x1B780] =	vst v63  }
0x69: {  	v3 =	vld [tilespmem:$0x70];
	_ =	sdelay $0x4  }
0x6a: {  	v51 =	vshll.u32 v3, $0x1  }
0x6b: {  	v3 =	vand.u32 $0x7, v3;
	v4 =	vand.u32 $0xFFFFFFF0, v51  }
0x6c: {  	v3 =	vor.u32 v3, v4  }
0x6d: {  	v4 =	vperm.xlane v3, v0;
	_ =	sdelay $0x1  }
0x6e: {  	v3 =	vperm.xlane v3, v2;
	v4 =	vadd.s32 v1, v4;
	_ =	sdelay $0x1  }
0x6f: {  	v3 =	vadd.s32 v1, v3;
	_ =	sdelay $0x1  }
0x70: {  	s16 =	simm.s32 $0x9780  }
0x71: {  	[tilespmem:s16], [sflag:$0x2] =	stream.indirect_vreg.gather [hbm4b:s3+s2], $0x80, v4, vm0, $0xb8;
	[tilespmem:$0x1B780] =	vst v63  }
0x72: {  	s17 =	simm.s32 $0x9F80  }
0x73: {  	[tilespmem:s17], [sflag:$0x2] =	stream.indirect_vreg.gather [hbm4b:s3+s2], $0x80, v3, vm0, $0xb8;
	[tilespmem:$0x1B780] =	vst v63  }
0x74: {  	v3 =	vld [tilespmem:$0x80];
	_ =	sdelay $0x4  }
0x75: {  	v52 =	vshll.u32 v3, $0x1  }
0x76: {  	v3 =	vand.u32 $0x7, v3;
	v4 =	vand.u32 $0xFFFFFFF0, v52  }
0x77: {  	v3 =	vor.u32 v3, v4  }
0x78: {  	v4 =	vperm.xlane v3, v0;
	_ =	sdelay $0x1  }
0x79: {  	v3 =	vperm.xlane v3, v2;
	v4 =	vadd.s32 v1, v4;
	_ =	sdelay $0x1  }
0x7a: {  	v3 =	vadd.s32 v1, v3;
	_ =	sdelay $0x1  }
0x7b: {  	s15 =	simm.s32 $0xA780  }
0x7c: {  	[tilespmem:s15], [sflag:$0x2] =	stream.indirect_vreg.gather [hbm4b:s3+s2], $0x80, v4, vm0, $0xb8;
	[tilespmem:$0x1B780] =	vst v63  }
0x7d: {  	s16 =	simm.s32 $0xAF80  }
0x7e: {  	[tilespmem:s16], [sflag:$0x2] =	stream.indirect_vreg.gather [hbm4b:s3+s2], $0x80, v3, vm0, $0xb8;
	[tilespmem:$0x1B780] =	vst v63  }
0x7f: {  	v3 =	vld [tilespmem:$0x90];
	_ =	sdelay $0x4  }
0x80: {  	v53 =	vshll.u32 v3, $0x1  }
0x81: {  	v3 =	vand.u32 $0x7, v3;
	v4 =	vand.u32 $0xFFFFFFF0, v53  }
0x82: {  	v3 =	vor.u32 v3, v4  }
0x83: {  	v4 =	vperm.xlane v3, v0;
	_ =	sdelay $0x1  }
0x84: {  	v3 =	vperm.xlane v3, v2;
	v4 =	vadd.s32 v1, v4;
	_ =	sdelay $0x1  }
0x85: {  	v3 =	vadd.s32 v1, v3;
	_ =	sdelay $0x1  }
0x86: {  	s17 =	simm.s32 $0xB780  }
0x87: {  	[tilespmem:s17], [sflag:$0x2] =	stream.indirect_vreg.gather [hbm4b:s3+s2], $0x80, v4, vm0, $0xb8;
	[tilespmem:$0x1B780] =	vst v63  }
0x88: {  	s15 =	simm.s32 $0xBF80  }
0x89: {  	[tilespmem:s15], [sflag:$0x2] =	stream.indirect_vreg.gather [hbm4b:s3+s2], $0x80, v3, vm0, $0xb8;
	[tilespmem:$0x1B780] =	vst v63  }
0x8a: {  	v3 =	vld [tilespmem:$0xA0];
	_ =	sdelay $0x4  }
0x8b: {  	v54 =	vshll.u32 v3, $0x1  }
0x8c: {  	v3 =	vand.u32 $0x7, v3;
	v4 =	vand.u32 $0xFFFFFFF0, v54  }
0x8d: {  	v3 =	vor.u32 v3, v4  }
0x8e: {  	v4 =	vperm.xlane v3, v0;
	_ =	sdelay $0x1  }
0x8f: {  	v3 =	vperm.xlane v3, v2;
	v4 =	vadd.s32 v1, v4;
	_ =	sdelay $0x1  }
0x90: {  	v3 =	vadd.s32 v1, v3;
	_ =	sdelay $0x2  }
0x91: {  	[tilespmem:s29], [sflag:$0x3] =	stream.indirect_vreg.gather [hbm4b:s3+s2], $0x80, v4, vm0, $0xb8;
	[tilespmem:$0x1B780] =	vst v63  }
0x92: {  	s16 =	simm.s32 $0xCF80  }
0x93: {  	[tilespmem:s16], [sflag:$0x3] =	stream.indirect_vreg.gather [hbm4b:s3+s2], $0x80, v3, vm0, $0xb8;
	[tilespmem:$0x1B780] =	vst v63  }
0x94: {  	v3 =	vld [tilespmem:$0xB0];
	_ =	sdelay $0x4  }
0x95: {  	v55 =	vshll.u32 v3, $0x1  }
0x96: {  	v3 =	vand.u32 $0x7, v3;
	v4 =	vand.u32 $0xFFFFFFF0, v55  }
0x97: {  	v3 =	vor.u32 v3, v4  }
0x98: {  	v4 =	vperm.xlane v3, v0;
	_ =	sdelay $0x1  }
0x99: {  	v3 =	vperm.xlane v3, v2;
	v4 =	vadd.s32 v1, v4;
	_ =	sdelay $0x1  }
0x9a: {  	v3 =	vadd.s32 v1, v3;
	_ =	sdelay $0x1  }
0x9b: {  	s17 =	simm.s32 $0xD780  }
0x9c: {  	[tilespmem:s17], [sflag:$0x3] =	stream.indirect_vreg.gather [hbm4b:s3+s2], $0x80, v4, vm0, $0xb8;
	[tilespmem:$0x1B780] =	vst v63  }
0x9d: {  	s15 =	simm.s32 $0xDF80  }
0x9e: {  	[tilespmem:s15], [sflag:$0x3] =	stream.indirect_vreg.gather [hbm4b:s3+s2], $0x80, v3, vm0, $0xb8;
	[tilespmem:$0x1B780] =	vst v63  }
0x9f: {  	v3 =	vld [tilespmem:$0xC0];
	_ =	sdelay $0x4  }
0xa0: {  	v56 =	vshll.u32 v3, $0x1  }
0xa1: {  	v3 =	vand.u32 $0x7, v3;
	v4 =	vand.u32 $0xFFFFFFF0, v56  }
0xa2: {  	v3 =	vor.u32 v3, v4  }
0xa3: {  	v4 =	vperm.xlane v3, v0;
	_ =	sdelay $0x1  }
0xa4: {  	v3 =	vperm.xlane v3, v2;
	v4 =	vadd.s32 v1, v4;
	_ =	sdelay $0x1  }
0xa5: {  	v3 =	vadd.s32 v1, v3;
	_ =	sdelay $0x1  }
0xa6: {  	s16 =	simm.s32 $0xE780  }
0xa7: {  	[tilespmem:s16], [sflag:$0x3] =	stream.indirect_vreg.gather [hbm4b:s3+s2], $0x80, v4, vm0, $0xb8;
	[tilespmem:$0x1B780] =	vst v63  }
0xa8: {  	s17 =	simm.s32 $0xEF80  }
0xa9: {  	[tilespmem:s17], [sflag:$0x3] =	stream.indirect_vreg.gather [hbm4b:s3+s2], $0x80, v3, vm0, $0xb8;
	[tilespmem:$0x1B780] =	vst v63  }
0xaa: {  	v3 =	vld [tilespmem:$0xD0];
	_ =	sdelay $0x4  }
0xab: {  	v57 =	vshll.u32 v3, $0x1  }
0xac: {  	v3 =	vand.u32 $0x7, v3;
	v4 =	vand.u32 $0xFFFFFFF0, v57  }
0xad: {  	v3 =	vor.u32 v3, v4  }
0xae: {  	v4 =	vperm.xlane v3, v0;
	_ =	sdelay $0x1  }
0xaf: {  	v3 =	vperm.xlane v3, v2;
	v4 =	vadd.s32 v1, v4;
	_ =	sdelay $0x1  }
0xb0: {  	v3 =	vadd.s32 v1, v3;
	_ =	sdelay $0x1  }
0xb1: {  	s15 =	simm.s32 $0xF780  }
0xb2: {  	[tilespmem:s15], [sflag:$0x3] =	stream.indirect_vreg.gather [hbm4b:s3+s2], $0x80, v4, vm0, $0xb8;
	[tilespmem:$0x1B780] =	vst v63  }
0xb3: {  	s16 =	simm.s32 $0xFF80  }
0xb4: {  	[tilespmem:s16], [sflag:$0x3] =	stream.indirect_vreg.gather [hbm4b:s3+s2], $0x80, v3, vm0, $0xb8;
	[tilespmem:$0x1B780] =	vst v63  }
0xb5: {  	v3 =	vld [tilespmem:$0xE0];
	_ =	sdelay $0x4  }
0xb6: {  	v58 =	vshll.u32 v3, $0x1  }
0xb7: {  	v3 =	vand.u32 $0x7, v3;
	v4 =	vand.u32 $0xFFFFFFF0, v58  }
0xb8: {  	v3 =	vor.u32 v3, v4  }
0xb9: {  	v4 =	vperm.xlane v3, v0;
	_ =	sdelay $0x1  }
0xba: {  	v3 =	vperm.xlane v3, v2;
	v4 =	vadd.s32 v1, v4;
	_ =	sdelay $0x1  }
0xbb: {  	v3 =	vadd.s32 v1, v3;
	_ =	sdelay $0x1  }
0xbc: {  	s17 =	simm.s32 $0x10780  }
0xbd: {  	[tilespmem:s17], [sflag:$0x3] =	stream.indirect_vreg.gather [hbm4b:s3+s2], $0x80, v4, vm0, $0xb8;
	[tilespmem:$0x1B780] =	vst v63  }
0xbe: {  	s15 =	simm.s32 $0x10F80  }
0xbf: {  	[tilespmem:s15], [sflag:$0x3] =	stream.indirect_vreg.gather [hbm4b:s3+s2], $0x80, v3, vm0, $0xb8;
	[tilespmem:$0x1B780] =	vst v63  }
0xc0: {  	v3 =	vld [tilespmem:$0xF0];
	_ =	sdelay $0x4  }
0xc1: {  	v59 =	vshll.u32 v3, $0x1  }
0xc2: {  	v3 =	vand.u32 $0x7, v3;
	v4 =	vand.u32 $0xFFFFFFF0, v59  }
0xc3: {  	v3 =	vor.u32 v3, v4  }
0xc4: {  	v4 =	vperm.xlane v3, v0;
	_ =	sdelay $0x1  }
0xc5: {  	v3 =	vperm.xlane v3, v2;
	v4 =	vadd.s32 v1, v4;
	_ =	sdelay $0x1  }
0xc6: {  	v3 =	vadd.s32 v1, v3;
	_ =	sdelay $0x2  }
0xc7: {  	[tilespmem:s12], [sflag:$0x4] =	stream.indirect_vreg.gather [hbm4b:s3+s2], $0x80, v4, vm0, $0xb8;
	[tilespmem:$0x1B780] =	vst v63  }
0xc8: {  	s16 =	simm.s32 $0x11F80  }
0xc9: {  	[tilespmem:s16], [sflag:$0x4] =	stream.indirect_vreg.gather [hbm4b:s3+s2], $0x80, v3, vm0, $0xb8;
	[tilespmem:$0x1B780] =	vst v63  }
0xca: {  	v3 =	vld [tilespmem:$0x100];
	_ =	sdelay $0x4  }
0xcb: {  	v60 =	vshll.u32 v3, $0x1  }
0xcc: {  	v3 =	vand.u32 $0x7, v3;
	v4 =	vand.u32 $0xFFFFFFF0, v60  }
0xcd: {  	v3 =	vor.u32 v3, v4  }
0xce: {  	v4 =	vperm.xlane v3, v0;
	_ =	sdelay $0x1  }
0xcf: {  	v3 =	vperm.xlane v3, v2;
	v4 =	vadd.s32 v1, v4;
	_ =	sdelay $0x1  }
0xd0: {  	v3 =	vadd.s32 v1, v3;
	_ =	sdelay $0x1  }
0xd1: {  	s17 =	simm.s32 $0x12780  }
0xd2: {  	[tilespmem:s17], [sflag:$0x4] =	stream.indirect_vreg.gather [hbm4b:s3+s2], $0x80, v4, vm0, $0xb8;
	[tilespmem:$0x1B780] =	vst v63  }
0xd3: {  	s15 =	simm.s32 $0x12F80  }
0xd4: {  	[tilespmem:s15], [sflag:$0x4] =	stream.indirect_vreg.gather [hbm4b:s3+s2], $0x80, v3, vm0, $0xb8;
	[tilespmem:$0x1B780] =	vst v63  }
0xd5: {  	v3 =	vld [tilespmem:$0x110];
	_ =	sdelay $0x4  }
0xd6: {  	v61 =	vshll.u32 v3, $0x1  }
0xd7: {  	v3 =	vand.u32 $0x7, v3;
	v4 =	vand.u32 $0xFFFFFFF0, v61  }
0xd8: {  	v3 =	vor.u32 v3, v4  }
0xd9: {  	v4 =	vperm.xlane v3, v0;
	_ =	sdelay $0x1  }
0xda: {  	v3 =	vperm.xlane v3, v2;
	v4 =	vadd.s32 v1, v4;
	_ =	sdelay $0x1  }
0xdb: {  	v3 =	vadd.s32 v1, v3;
	_ =	sdelay $0x1  }
0xdc: {  	s16 =	simm.s32 $0x13780  }
0xdd: {  	[tilespmem:s16], [sflag:$0x4] =	stream.indirect_vreg.gather [hbm4b:s3+s2], $0x80, v4, vm0, $0xb8;
	[tilespmem:$0x1B780] =	vst v63  }
0xde: {  	s17 =	simm.s32 $0x13F80  }
0xdf: {  	[tilespmem:s17], [sflag:$0x4] =	stream.indirect_vreg.gather [hbm4b:s3+s2], $0x80, v3, vm0, $0xb8;
	[tilespmem:$0x1B780] =	vst v63  }
0xe0: {  	v3 =	vld [tilespmem:$0x120];
	_ =	sdelay $0x4  }
0xe1: {  	v62 =	vshll.u32 v3, $0x1  }
0xe2: {  	v3 =	vand.u32 $0x7, v3;
	v4 =	vand.u32 $0xFFFFFFF0, v62  }
0xe3: {  	v3 =	vor.u32 v3, v4  }
0xe4: {  	v4 =	vperm.xlane v3, v0;
	_ =	sdelay $0x1  }
0xe5: {  	v3 =	vperm.xlane v3, v2;
	v4 =	vadd.s32 v1, v4;
	_ =	sdelay $0x1  }
0xe6: {  	v3 =	vadd.s32 v1, v3;
	_ =	sdelay $0x2  }
0xe7: {  	[tilespmem:s19], [sflag:$0x4] =	stream.indirect_vreg.gather [hbm4b:s3+s2], $0x80, v4, vm0, $0xb8;
	[tilespmem:$0x1B780] =	vst v63  }
0xe8: {  	_ = 	snop  }
0xe9: {  	[tilespmem:s20], [sflag:$0x4] =	stream.indirect_vreg.gather [hbm4b:s3+s2], $0x80, v3, vm0, $0xb8;
	[tilespmem:$0x1B780] =	vst v63  }
0xea: {  	v3 =	vld [tilespmem:$0x130];
	_ =	sdelay $0x4  }
0xeb: {  	v63 =	vshll.u32 v3, $0x1  }
0xec: {  	v3 =	vand.u32 $0x7, v3;
	v4 =	vand.u32 $0xFFFFFFF0, v63  }
0xed: {  	v3 =	vor.u32 v3, v4  }
0xee: {  	v4 =	vperm.xlane v3, v0;
	_ =	sdelay $0x1  }
0xef: {  	v3 =	vperm.xlane v3, v2;
	v4 =	vadd.s32 v1, v4;
	_ =	sdelay $0x1  }
0xf0: {  	v3 =	vadd.s32 v1, v3  }
.Ltmp2:
0xf1: {  	_ = 	snop;
	(pc) =	sbr.rel .LBB2_2-.Ltmp2, $4  }
0xf2: {  	_ = 	snop  }
0xf3: {  	[tilespmem:s21], [sflag:$0x4] =	stream.indirect_vreg.gather [hbm4b:s3+s2], $0x80, v4, vm0, $0xb8;
	[tilespmem:$0x1B780] =	vst v63  }
0xf4: {  	s14 =	simm.s32 $0x160;
	s15 =	simm.s32 $0x0  }
0xf5: {  	[tilespmem:s22], [sflag:$0x4] =	stream.indirect_vreg.gather [hbm4b:s3+s2], $0x80, v3, vm0, $0xb8;
	[tilespmem:$0x1B780] =	vst v63  }
.LBB2_10:
0xf6: {  	_ =	swait.ge [sflag:s13], $0x5000;
	s15 =	sadd.s32 $0x3200, s15  }
0xf7: {  	[sflag:s13] =	ssyncset.done $0x0;
	p0 =	sne.s32 s15, $0x4E200  }
.Ltmp3:
0xf8: {  	s16 =	sadd.s32 $0x2800, s16;
	[sflag:s13] =	ssyncadd.s32 $0xFFFFB000;
	(pc) =	sbr.rel @!p0 .LBB2_11-.Ltmp3, $4  }
0xf9: {  	[hbm4b:s16+s2] =	stream.linear.scatter [tilespmem:s23], [sflag:$0x6], $0x5000, $0x38;
	[tilespmem:$0x1B780] =	vst v63  }
0xfa: {  	_ =	swait.ge [sflag:s7], $0x5000  }
0xfb: {  	[sflag:s7] =	ssyncset.done $0x0  }
0xfc: {  	s14 =	sadd.s32 $0x190, s14;
	[sflag:s7] =	ssyncadd.s32 $0xFFFFB000  }
.LBB2_2:
0xfd: {  	v3 =	vld [tilespmem:s14+$0xFFFFFFE0];
	_ =	sdelay $0x4  }
0xfe: {  	v4 =	vshll.u32 v3, $0x1  }
0xff: {  	v3 =	vand.u32 $0x7, v3;
	v4 =	vand.u32 $0xFFFFFFF0, v4  }
0x100: {  	v3 =	vor.u32 v3, v4  }
0x101: {  	v4 =	vperm.xlane v3, v0;
	_ =	sdelay $0x1  }
0x102: {  	v3 =	vperm.xlane v3, v2;
	v4 =	vadd.s32 v1, v4;
	_ =	sdelay $0x1  }
0x103: {  	v3 =	vadd.s32 v1, v3;
	_ =	sdelay $0x2  }
0x104: {  	[tilespmem:s23], [sflag:$0x5] =	stream.indirect_vreg.gather [hbm4b:s3+s2], $0x80, v4, vm0, $0xb8;
	[tilespmem:$0x1B780] =	vst v63  }
0x105: {  	_ = 	snop  }
0x106: {  	[tilespmem:s24], [sflag:$0x5] =	stream.indirect_vreg.gather [hbm4b:s3+s2], $0x80, v3, vm0, $0xb8;
	[tilespmem:$0x1B780] =	vst v63  }
0x107: {  	v3 =	vld [tilespmem:s14+$0xFFFFFFF0];
	_ =	sdelay $0x4  }
0x108: {  	v60 =	vshll.u32 v3, $0x1  }
0x109: {  	v3 =	vand.u32 $0x7, v3;
	v4 =	vand.u32 $0xFFFFFFF0, v60  }
0x10a: {  	v3 =	vor.u32 v3, v4  }
0x10b: {  	v4 =	vperm.xlane v3, v0;
	_ =	sdelay $0x1  }
0x10c: {  	v3 =	vperm.xlane v3, v2;
	v4 =	vadd.s32 v1, v4;
	_ =	sdelay $0x1  }
0x10d: {  	v3 =	vadd.s32 v1, v3;
	_ =	sdelay $0x2  }
0x10e: {  	[tilespmem:s25], [sflag:$0x5] =	stream.indirect_vreg.gather [hbm4b:s3+s2], $0x80, v4, vm0, $0xb8;
	[tilespmem:$0x1B780] =	vst v63  }
0x10f: {  	_ = 	snop  }
0x110: {  	[tilespmem:s26], [sflag:$0x5] =	stream.indirect_vreg.gather [hbm4b:s3+s2], $0x80, v3, vm0, $0xb8;
	[tilespmem:$0x1B780] =	vst v63  }
0x111: {  	v3 =	vld [tilespmem:s14+$0x0];
	_ =	sdelay $0x4  }
0x112: {  	v61 =	vshll.u32 v3, $0x1  }
0x113: {  	v3 =	vand.u32 $0x7, v3;
	v4 =	vand.u32 $0xFFFFFFF0, v61  }
0x114: {  	v3 =	vor.u32 v3, v4  }
0x115: {  	v4 =	vperm.xlane v3, v0;
	_ =	sdelay $0x1  }
0x116: {  	v3 =	vperm.xlane v3, v2;
	v4 =	vadd.s32 v1, v4;
	_ =	sdelay $0x1  }
0x117: {  	v3 =	vadd.s32 v1, v3;
	_ =	sdelay $0x2  }
0x118: {  	[tilespmem:s28], [sflag:$0x5] =	stream.indirect_vreg.gather [hbm4b:s3+s2], $0x80, v4, vm0, $0xb8;
	[tilespmem:$0x1B780] =	vst v63  }
0x119: {  	_ = 	snop  }
0x11a: {  	[tilespmem:s30], [sflag:$0x5] =	stream.indirect_vreg.gather [hbm4b:s3+s2], $0x80, v3, vm0, $0xb8;
	[tilespmem:$0x1B780] =	vst v63  }
0x11b: {  	v3 =	vld [tilespmem:s14+$0x10];
	_ =	sdelay $0x4  }
0x11c: {  	v62 =	vshll.u32 v3, $0x1  }
0x11d: {  	v3 =	vand.u32 $0x7, v3;
	v4 =	vand.u32 $0xFFFFFFF0, v62  }
0x11e: {  	v3 =	vor.u32 v3, v4  }
0x11f: {  	v4 =	vperm.xlane v3, v0;
	_ =	sdelay $0x1  }
0x120: {  	v3 =	vperm.xlane v3, v2;
	v4 =	vadd.s32 v1, v4;
	_ =	sdelay $0x1  }
0x121: {  	v3 =	vadd.s32 v1, v3;
	_ =	sdelay $0x2  }
0x122: {  	[tilespmem:s31], [sflag:$0x5] =	stream.indirect_vreg.gather [hbm4b:s3+s2], $0x80, v4, vm0, $0xb8;
	[tilespmem:$0x1B780] =	vst v63  }
0x123: {  	_ = 	snop  }
0x124: {  	[tilespmem:s0], [sflag:$0x5] =	stream.indirect_vreg.gather [hbm4b:s3+s2], $0x80, v3, vm0, $0xb8;
	[tilespmem:$0x1B780] =	vst v63  }
0x125: {  	v3 =	vld [tilespmem:s14+$0x20];
	_ =	sdelay $0x4  }
0x126: {  	v63 =	vshll.u32 v3, $0x1  }
0x127: {  	v3 =	vand.u32 $0x7, v3;
	v4 =	vand.u32 $0xFFFFFFF0, v63  }
0x128: {  	v3 =	vor.u32 v3, v4  }
0x129: {  	v4 =	vperm.xlane v3, v0;
	_ =	sdelay $0x1  }
0x12a: {  	v3 =	vperm.xlane v3, v2;
	v4 =	vadd.s32 v1, v4;
	_ =	sdelay $0x1  }
0x12b: {  	v3 =	vadd.s32 v1, v3;
	_ =	sdelay $0x2  }
0x12c: {  	[tilespmem:s1], [sflag:$0x5] =	stream.indirect_vreg.gather [hbm4b:s3+s2], $0x80, v4, vm0, $0xb8;
	[tilespmem:$0x1B780] =	vst v63  }
0x12d: {  	_ = 	snop  }
0x12e: {  	[tilespmem:s4], [sflag:$0x5] =	stream.indirect_vreg.gather [hbm4b:s3+s2], $0x80, v3, vm0, $0xb8;
	[tilespmem:$0x1B780] =	vst v63  }
0x12f: {  	_ =	swait.ge [sflag:s5], $0x5000  }
0x130: {  	p0 =	seq.s32 s15, $0x4B000;
	[sflag:s5] =	ssyncset.done $0x0  }
.Ltmp4:
0x131: {  	s16 =	sadd.s32 s15, s6;
	[sflag:s5] =	ssyncadd.s32 $0xFFFFB000;
	(pc) =	sbr.rel @p0 .LBB2_4-.Ltmp4, $4  }
0x132: {  	[hbm4b:s16+s2] =	stream.linear.scatter [tilespmem:s8], [sflag:$0x6], $0x5000, $0x38;
	[tilespmem:$0x1B780] =	vst v63  }
0x133: {  	_ =	swait.ge [sflag:s7], $0x5000  }
0x134: {  	[sflag:s7] =	ssyncset.done $0x0  }
0x135: {  	[sflag:s7] =	ssyncadd.s32 $0xFFFFB000  }
0x136: {  	v3 =	vld [tilespmem:s14+$0x30];
	_ =	sdelay $0x4  }
0x137: {  	v4 =	vshll.u32 v3, $0x1  }
0x138: {  	v3 =	vand.u32 $0x7, v3;
	v4 =	vand.u32 $0xFFFFFFF0, v4  }
0x139: {  	v3 =	vor.u32 v3, v4  }
0x13a: {  	v4 =	vperm.xlane v3, v0;
	_ =	sdelay $0x1  }
0x13b: {  	v3 =	vperm.xlane v3, v2;
	v4 =	vadd.s32 v1, v4;
	_ =	sdelay $0x1  }
0x13c: {  	v3 =	vadd.s32 v1, v3;
	_ =	sdelay $0x2  }
0x13d: {  	[tilespmem:s8], [sflag:$0x1] =	stream.indirect_vreg.gather [hbm4b:s3+s2], $0x80, v4, vm0, $0xb8;
	[tilespmem:$0x1B780] =	vst v63  }
0x13e: {  	s17 =	simm.s32 $0x2F80  }
0x13f: {  	[tilespmem:s17], [sflag:$0x1] =	stream.indirect_vreg.gather [hbm4b:s3+s2], $0x80, v3, vm0, $0xb8;
	[tilespmem:$0x1B780] =	vst v63  }
0x140: {  	v3 =	vld [tilespmem:s14+$0x40];
	_ =	sdelay $0x4  }
0x141: {  	v60 =	vshll.u32 v3, $0x1  }
0x142: {  	v3 =	vand.u32 $0x7, v3;
	v4 =	vand.u32 $0xFFFFFFF0, v60  }
0x143: {  	v3 =	vor.u32 v3, v4  }
0x144: {  	v4 =	vperm.xlane v3, v0;
	_ =	sdelay $0x1  }
0x145: {  	v3 =	vperm.xlane v3, v2;
	v4 =	vadd.s32 v1, v4;
	_ =	sdelay $0x1  }
0x146: {  	v3 =	vadd.s32 v1, v3;
	_ =	sdelay $0x1  }
0x147: {  	s17 =	simm.s32 $0x3780  }
0x148: {  	[tilespmem:s17], [sflag:$0x1] =	stream.indirect_vreg.gather [hbm4b:s3+s2], $0x80, v4, vm0, $0xb8;
	[tilespmem:$0x1B780] =	vst v63  }
0x149: {  	s17 =	simm.s32 $0x3F80  }
0x14a: {  	[tilespmem:s17], [sflag:$0x1] =	stream.indirect_vreg.gather [hbm4b:s3+s2], $0x80, v3, vm0, $0xb8;
	[tilespmem:$0x1B780] =	vst v63  }
0x14b: {  	v3 =	vld [tilespmem:s14+$0x50];
	_ =	sdelay $0x4  }
0x14c: {  	v61 =	vshll.u32 v3, $0x1  }
0x14d: {  	v3 =	vand.u32 $0x7, v3;
	v4 =	vand.u32 $0xFFFFFFF0, v61  }
0x14e: {  	v3 =	vor.u32 v3, v4  }
0x14f: {  	v4 =	vperm.xlane v3, v0;
	_ =	sdelay $0x1  }
0x150: {  	v3 =	vperm.xlane v3, v2;
	v4 =	vadd.s32 v1, v4;
	_ =	sdelay $0x1  }
0x151: {  	v3 =	vadd.s32 v1, v3;
	_ =	sdelay $0x1  }
0x152: {  	s17 =	simm.s32 $0x4780  }
0x153: {  	[tilespmem:s17], [sflag:$0x1] =	stream.indirect_vreg.gather [hbm4b:s3+s2], $0x80, v4, vm0, $0xb8;
	[tilespmem:$0x1B780] =	vst v63  }
0x154: {  	s17 =	simm.s32 $0x4F80  }
0x155: {  	[tilespmem:s17], [sflag:$0x1] =	stream.indirect_vreg.gather [hbm4b:s3+s2], $0x80, v3, vm0, $0xb8;
	[tilespmem:$0x1B780] =	vst v63  }
0x156: {  	v3 =	vld [tilespmem:s14+$0x60];
	_ =	sdelay $0x4  }
0x157: {  	v62 =	vshll.u32 v3, $0x1  }
0x158: {  	v3 =	vand.u32 $0x7, v3;
	v4 =	vand.u32 $0xFFFFFFF0, v62  }
0x159: {  	v3 =	vor.u32 v3, v4  }
0x15a: {  	v4 =	vperm.xlane v3, v0;
	_ =	sdelay $0x1  }
0x15b: {  	v3 =	vperm.xlane v3, v2;
	v4 =	vadd.s32 v1, v4;
	_ =	sdelay $0x1  }
0x15c: {  	v3 =	vadd.s32 v1, v3;
	_ =	sdelay $0x1  }
0x15d: {  	s17 =	simm.s32 $0x5780  }
0x15e: {  	[tilespmem:s17], [sflag:$0x1] =	stream.indirect_vreg.gather [hbm4b:s3+s2], $0x80, v4, vm0, $0xb8;
	[tilespmem:$0x1B780] =	vst v63  }
0x15f: {  	s17 =	simm.s32 $0x5F80  }
0x160: {  	[tilespmem:s17], [sflag:$0x1] =	stream.indirect_vreg.gather [hbm4b:s3+s2], $0x80, v3, vm0, $0xb8;
	[tilespmem:$0x1B780] =	vst v63  }
0x161: {  	v3 =	vld [tilespmem:s14+$0x70];
	_ =	sdelay $0x4  }
0x162: {  	v63 =	vshll.u32 v3, $0x1  }
0x163: {  	v3 =	vand.u32 $0x7, v3;
	v4 =	vand.u32 $0xFFFFFFF0, v63  }
0x164: {  	v3 =	vor.u32 v3, v4  }
0x165: {  	v4 =	vperm.xlane v3, v0;
	_ =	sdelay $0x1  }
0x166: {  	v3 =	vperm.xlane v3, v2;
	v4 =	vadd.s32 v1, v4;
	_ =	sdelay $0x1  }
0x167: {  	v3 =	vadd.s32 v1, v3;
	_ =	sdelay $0x1  }
0x168: {  	s17 =	simm.s32 $0x6780  }
0x169: {  	[tilespmem:s17], [sflag:$0x1] =	stream.indirect_vreg.gather [hbm4b:s3+s2], $0x80, v4, vm0, $0xb8;
	[tilespmem:$0x1B780] =	vst v63  }
0x16a: {  	s17 =	simm.s32 $0x6F80  }
0x16b: {  	[tilespmem:s17], [sflag:$0x1] =	stream.indirect_vreg.gather [hbm4b:s3+s2], $0x80, v3, vm0, $0xb8;
	[tilespmem:$0x1B780] =	vst v63  }
.LBB2_4:
0x16c: {  	_ =	swait.ge [sflag:s9], $0x5000  }
0x16d: {  	[sflag:s9] =	ssyncset.done $0x0  }
.Ltmp5:
0x16e: {  	s17 =	sadd.s32 $0xA00, s16;
	[sflag:s9] =	ssyncadd.s32 $0xFFFFB000;
	(pc) =	sbr.rel @p0 .LBB2_6-.Ltmp5, $4  }
0x16f: {  	[hbm4b:s17+s2] =	stream.linear.scatter [tilespmem:s18], [sflag:$0x6], $0x5000, $0x38;
	[tilespmem:$0x1B780] =	vst v63  }
0x170: {  	_ =	swait.ge [sflag:s7], $0x5000  }
0x171: {  	[sflag:s7] =	ssyncset.done $0x0  }
0x172: {  	[sflag:s7] =	ssyncadd.s32 $0xFFFFB000  }
0x173: {  	v3 =	vld [tilespmem:s14+$0x80];
	_ =	sdelay $0x4  }
0x174: {  	v4 =	vshll.u32 v3, $0x1  }
0x175: {  	v3 =	vand.u32 $0x7, v3;
	v4 =	vand.u32 $0xFFFFFFF0, v4  }
0x176: {  	v3 =	vor.u32 v3, v4  }
0x177: {  	v4 =	vperm.xlane v3, v0;
	_ =	sdelay $0x1  }
0x178: {  	v3 =	vperm.xlane v3, v2;
	v4 =	vadd.s32 v1, v4;
	_ =	sdelay $0x1  }
0x179: {  	v3 =	vadd.s32 v1, v3;
	_ =	sdelay $0x2  }
0x17a: {  	[tilespmem:s18], [sflag:$0x2] =	stream.indirect_vreg.gather [hbm4b:s3+s2], $0x80, v4, vm0, $0xb8;
	[tilespmem:$0x1B780] =	vst v63  }
0x17b: {  	s17 =	simm.s32 $0x7F80  }
0x17c: {  	[tilespmem:s17], [sflag:$0x2] =	stream.indirect_vreg.gather [hbm4b:s3+s2], $0x80, v3, vm0, $0xb8;
	[tilespmem:$0x1B780] =	vst v63  }
0x17d: {  	v3 =	vld [tilespmem:s14+$0x90];
	_ =	sdelay $0x4  }
0x17e: {  	v60 =	vshll.u32 v3, $0x1  }
0x17f: {  	v3 =	vand.u32 $0x7, v3;
	v4 =	vand.u32 $0xFFFFFFF0, v60  }
0x180: {  	v3 =	vor.u32 v3, v4  }
0x181: {  	v4 =	vperm.xlane v3, v0;
	_ =	sdelay $0x1  }
0x182: {  	v3 =	vperm.xlane v3, v2;
	v4 =	vadd.s32 v1, v4;
	_ =	sdelay $0x1  }
0x183: {  	v3 =	vadd.s32 v1, v3;
	_ =	sdelay $0x1  }
0x184: {  	s17 =	simm.s32 $0x8780  }
0x185: {  	[tilespmem:s17], [sflag:$0x2] =	stream.indirect_vreg.gather [hbm4b:s3+s2], $0x80, v4, vm0, $0xb8;
	[tilespmem:$0x1B780] =	vst v63  }
0x186: {  	s17 =	simm.s32 $0x8F80  }
0x187: {  	[tilespmem:s17], [sflag:$0x2] =	stream.indirect_vreg.gather [hbm4b:s3+s2], $0x80, v3, vm0, $0xb8;
	[tilespmem:$0x1B780] =	vst v63  }
0x188: {  	v3 =	vld [tilespmem:s14+$0xA0];
	_ =	sdelay $0x4  }
0x189: {  	v61 =	vshll.u32 v3, $0x1  }
0x18a: {  	v3 =	vand.u32 $0x7, v3;
	v4 =	vand.u32 $0xFFFFFFF0, v61  }
0x18b: {  	v3 =	vor.u32 v3, v4  }
0x18c: {  	v4 =	vperm.xlane v3, v0;
	_ =	sdelay $0x1  }
0x18d: {  	v3 =	vperm.xlane v3, v2;
	v4 =	vadd.s32 v1, v4;
	_ =	sdelay $0x1  }
0x18e: {  	v3 =	vadd.s32 v1, v3;
	_ =	sdelay $0x1  }
0x18f: {  	s17 =	simm.s32 $0x9780  }
0x190: {  	[tilespmem:s17], [sflag:$0x2] =	stream.indirect_vreg.gather [hbm4b:s3+s2], $0x80, v4, vm0, $0xb8;
	[tilespmem:$0x1B780] =	vst v63  }
0x191: {  	s17 =	simm.s32 $0x9F80  }
0x192: {  	[tilespmem:s17], [sflag:$0x2] =	stream.indirect_vreg.gather [hbm4b:s3+s2], $0x80, v3, vm0, $0xb8;
	[tilespmem:$0x1B780] =	vst v63  }
0x193: {  	v3 =	vld [tilespmem:s14+$0xB0];
	_ =	sdelay $0x4  }
0x194: {  	v62 =	vshll.u32 v3, $0x1  }
0x195: {  	v3 =	vand.u32 $0x7, v3;
	v4 =	vand.u32 $0xFFFFFFF0, v62  }
0x196: {  	v3 =	vor.u32 v3, v4  }
0x197: {  	v4 =	vperm.xlane v3, v0;
	_ =	sdelay $0x1  }
0x198: {  	v3 =	vperm.xlane v3, v2;
	v4 =	vadd.s32 v1, v4;
	_ =	sdelay $0x1  }
0x199: {  	v3 =	vadd.s32 v1, v3;
	_ =	sdelay $0x1  }
0x19a: {  	s17 =	simm.s32 $0xA780  }
0x19b: {  	[tilespmem:s17], [sflag:$0x2] =	stream.indirect_vreg.gather [hbm4b:s3+s2], $0x80, v4, vm0, $0xb8;
	[tilespmem:$0x1B780] =	vst v63  }
0x19c: {  	s17 =	simm.s32 $0xAF80  }
0x19d: {  	[tilespmem:s17], [sflag:$0x2] =	stream.indirect_vreg.gather [hbm4b:s3+s2], $0x80, v3, vm0, $0xb8;
	[tilespmem:$0x1B780] =	vst v63  }
0x19e: {  	v3 =	vld [tilespmem:s14+$0xC0];
	_ =	sdelay $0x4  }
0x19f: {  	v63 =	vshll.u32 v3, $0x1  }
0x1a0: {  	v3 =	vand.u32 $0x7, v3;
	v4 =	vand.u32 $0xFFFFFFF0, v63  }
0x1a1: {  	v3 =	vor.u32 v3, v4  }
0x1a2: {  	v4 =	vperm.xlane v3, v0;
	_ =	sdelay $0x1  }
0x1a3: {  	v3 =	vperm.xlane v3, v2;
	v4 =	vadd.s32 v1, v4;
	_ =	sdelay $0x1  }
0x1a4: {  	v3 =	vadd.s32 v1, v3;
	_ =	sdelay $0x1  }
0x1a5: {  	s17 =	simm.s32 $0xB780  }
0x1a6: {  	[tilespmem:s17], [sflag:$0x2] =	stream.indirect_vreg.gather [hbm4b:s3+s2], $0x80, v4, vm0, $0xb8;
	[tilespmem:$0x1B780] =	vst v63  }
0x1a7: {  	s17 =	simm.s32 $0xBF80  }
0x1a8: {  	[tilespmem:s17], [sflag:$0x2] =	stream.indirect_vreg.gather [hbm4b:s3+s2], $0x80, v3, vm0, $0xb8;
	[tilespmem:$0x1B780] =	vst v63  }
.LBB2_6:
0x1a9: {  	_ =	swait.ge [sflag:s10], $0x5000  }
0x1aa: {  	[sflag:s10] =	ssyncset.done $0x0  }
.Ltmp6:
0x1ab: {  	s17 =	sadd.s32 $0x1400, s16;
	[sflag:s10] =	ssyncadd.s32 $0xFFFFB000;
	(pc) =	sbr.rel @p0 .LBB2_8-.Ltmp6, $4  }
0x1ac: {  	[hbm4b:s17+s2] =	stream.linear.scatter [tilespmem:s29], [sflag:$0x6], $0x5000, $0x38;
	[tilespmem:$0x1B780] =	vst v63  }
0x1ad: {  	_ =	swait.ge [sflag:s7], $0x5000  }
0x1ae: {  	[sflag:s7] =	ssyncset.done $0x0  }
0x1af: {  	[sflag:s7] =	ssyncadd.s32 $0xFFFFB000  }
0x1b0: {  	v3 =	vld [tilespmem:s14+$0xD0];
	_ =	sdelay $0x4  }
0x1b1: {  	v4 =	vshll.u32 v3, $0x1  }
0x1b2: {  	v3 =	vand.u32 $0x7, v3;
	v4 =	vand.u32 $0xFFFFFFF0, v4  }
0x1b3: {  	v3 =	vor.u32 v3, v4  }
0x1b4: {  	v4 =	vperm.xlane v3, v0;
	_ =	sdelay $0x1  }
0x1b5: {  	v3 =	vperm.xlane v3, v2;
	v4 =	vadd.s32 v1, v4;
	_ =	sdelay $0x1  }
0x1b6: {  	v3 =	vadd.s32 v1, v3;
	_ =	sdelay $0x2  }
0x1b7: {  	[tilespmem:s29], [sflag:$0x3] =	stream.indirect_vreg.gather [hbm4b:s3+s2], $0x80, v4, vm0, $0xb8;
	[tilespmem:$0x1B780] =	vst v63  }
0x1b8: {  	s17 =	simm.s32 $0xCF80  }
0x1b9: {  	[tilespmem:s17], [sflag:$0x3] =	stream.indirect_vreg.gather [hbm4b:s3+s2], $0x80, v3, vm0, $0xb8;
	[tilespmem:$0x1B780] =	vst v63  }
0x1ba: {  	v3 =	vld [tilespmem:s14+$0xE0];
	_ =	sdelay $0x4  }
0x1bb: {  	v60 =	vshll.u32 v3, $0x1  }
0x1bc: {  	v3 =	vand.u32 $0x7, v3;
	v4 =	vand.u32 $0xFFFFFFF0, v60  }
0x1bd: {  	v3 =	vor.u32 v3, v4  }
0x1be: {  	v4 =	vperm.xlane v3, v0;
	_ =	sdelay $0x1  }
0x1bf: {  	v3 =	vperm.xlane v3, v2;
	v4 =	vadd.s32 v1, v4;
	_ =	sdelay $0x1  }
0x1c0: {  	v3 =	vadd.s32 v1, v3;
	_ =	sdelay $0x1  }
0x1c1: {  	s17 =	simm.s32 $0xD780  }
0x1c2: {  	[tilespmem:s17], [sflag:$0x3] =	stream.indirect_vreg.gather [hbm4b:s3+s2], $0x80, v4, vm0, $0xb8;
	[tilespmem:$0x1B780] =	vst v63  }
0x1c3: {  	s17 =	simm.s32 $0xDF80  }
0x1c4: {  	[tilespmem:s17], [sflag:$0x3] =	stream.indirect_vreg.gather [hbm4b:s3+s2], $0x80, v3, vm0, $0xb8;
	[tilespmem:$0x1B780] =	vst v63  }
0x1c5: {  	v3 =	vld [tilespmem:s14+$0xF0];
	_ =	sdelay $0x4  }
0x1c6: {  	v61 =	vshll.u32 v3, $0x1  }
0x1c7: {  	v3 =	vand.u32 $0x7, v3;
	v4 =	vand.u32 $0xFFFFFFF0, v61  }
0x1c8: {  	v3 =	vor.u32 v3, v4  }
0x1c9: {  	v4 =	vperm.xlane v3, v0;
	_ =	sdelay $0x1  }
0x1ca: {  	v3 =	vperm.xlane v3, v2;
	v4 =	vadd.s32 v1, v4;
	_ =	sdelay $0x1  }
0x1cb: {  	v3 =	vadd.s32 v1, v3;
	_ =	sdelay $0x1  }
0x1cc: {  	s17 =	simm.s32 $0xE780  }
0x1cd: {  	[tilespmem:s17], [sflag:$0x3] =	stream.indirect_vreg.gather [hbm4b:s3+s2], $0x80, v4, vm0, $0xb8;
	[tilespmem:$0x1B780] =	vst v63  }
0x1ce: {  	s17 =	simm.s32 $0xEF80  }
0x1cf: {  	[tilespmem:s17], [sflag:$0x3] =	stream.indirect_vreg.gather [hbm4b:s3+s2], $0x80, v3, vm0, $0xb8;
	[tilespmem:$0x1B780] =	vst v63  }
0x1d0: {  	v3 =	vld [tilespmem:s14+$0x100];
	_ =	sdelay $0x4  }
0x1d1: {  	v62 =	vshll.u32 v3, $0x1  }
0x1d2: {  	v3 =	vand.u32 $0x7, v3;
	v4 =	vand.u32 $0xFFFFFFF0, v62  }
0x1d3: {  	v3 =	vor.u32 v3, v4  }
0x1d4: {  	v4 =	vperm.xlane v3, v0;
	_ =	sdelay $0x1  }
0x1d5: {  	v3 =	vperm.xlane v3, v2;
	v4 =	vadd.s32 v1, v4;
	_ =	sdelay $0x1  }
0x1d6: {  	v3 =	vadd.s32 v1, v3;
	_ =	sdelay $0x1  }
0x1d7: {  	s17 =	simm.s32 $0xF780  }
0x1d8: {  	[tilespmem:s17], [sflag:$0x3] =	stream.indirect_vreg.gather [hbm4b:s3+s2], $0x80, v4, vm0, $0xb8;
	[tilespmem:$0x1B780] =	vst v63  }
0x1d9: {  	s17 =	simm.s32 $0xFF80  }
0x1da: {  	[tilespmem:s17], [sflag:$0x3] =	stream.indirect_vreg.gather [hbm4b:s3+s2], $0x80, v3, vm0, $0xb8;
	[tilespmem:$0x1B780] =	vst v63  }
0x1db: {  	v3 =	vld [tilespmem:s14+$0x110];
	_ =	sdelay $0x4  }
0x1dc: {  	v63 =	vshll.u32 v3, $0x1  }
0x1dd: {  	v3 =	vand.u32 $0x7, v3;
	v4 =	vand.u32 $0xFFFFFFF0, v63  }
0x1de: {  	v3 =	vor.u32 v3, v4  }
0x1df: {  	v4 =	vperm.xlane v3, v0;
	_ =	sdelay $0x1  }
0x1e0: {  	v3 =	vperm.xlane v3, v2;
	v4 =	vadd.s32 v1, v4;
	_ =	sdelay $0x1  }
0x1e1: {  	v3 =	vadd.s32 v1, v3;
	_ =	sdelay $0x1  }
0x1e2: {  	s17 =	simm.s32 $0x10780  }
0x1e3: {  	[tilespmem:s17], [sflag:$0x3] =	stream.indirect_vreg.gather [hbm4b:s3+s2], $0x80, v4, vm0, $0xb8;
	[tilespmem:$0x1B780] =	vst v63  }
0x1e4: {  	s17 =	simm.s32 $0x10F80  }
0x1e5: {  	[tilespmem:s17], [sflag:$0x3] =	stream.indirect_vreg.gather [hbm4b:s3+s2], $0x80, v3, vm0, $0xb8;
	[tilespmem:$0x1B780] =	vst v63  }
.LBB2_8:
0x1e6: {  	_ =	swait.ge [sflag:s11], $0x5000  }
0x1e7: {  	[sflag:s11] =	ssyncset.done $0x0  }
.Ltmp7:
0x1e8: {  	s17 =	sadd.s32 $0x1E00, s16;
	[sflag:s11] =	ssyncadd.s32 $0xFFFFB000;
	(pc) =	sbr.rel @p0 .LBB2_10-.Ltmp7, $4  }
0x1e9: {  	[hbm4b:s17+s2] =	stream.linear.scatter [tilespmem:s12], [sflag:$0x6], $0x5000, $0x38;
	[tilespmem:$0x1B780] =	vst v63  }
0x1ea: {  	_ =	swait.ge [sflag:s7], $0x5000  }
0x1eb: {  	[sflag:s7] =	ssyncset.done $0x0  }
0x1ec: {  	[sflag:s7] =	ssyncadd.s32 $0xFFFFB000  }
0x1ed: {  	v3 =	vld [tilespmem:s14+$0x120];
	_ =	sdelay $0x4  }
0x1ee: {  	v4 =	vshll.u32 v3, $0x1  }
0x1ef: {  	v3 =	vand.u32 $0x7, v3;
	v4 =	vand.u32 $0xFFFFFFF0, v4  }
0x1f0: {  	v3 =	vor.u32 v3, v4  }
0x1f1: {  	v4 =	vperm.xlane v3, v0;
	_ =	sdelay $0x1  }
0x1f2: {  	v3 =	vperm.xlane v3, v2;
	v4 =	vadd.s32 v1, v4;
	_ =	sdelay $0x1  }
0x1f3: {  	v3 =	vadd.s32 v1, v3;
	_ =	sdelay $0x2  }
0x1f4: {  	[tilespmem:s12], [sflag:$0x4] =	stream.indirect_vreg.gather [hbm4b:s3+s2], $0x80, v4, vm0, $0xb8;
	[tilespmem:$0x1B780] =	vst v63  }
0x1f5: {  	s17 =	simm.s32 $0x11F80  }
0x1f6: {  	[tilespmem:s17], [sflag:$0x4] =	stream.indirect_vreg.gather [hbm4b:s3+s2], $0x80, v3, vm0, $0xb8;
	[tilespmem:$0x1B780] =	vst v63  }
0x1f7: {  	v3 =	vld [tilespmem:s14+$0x130];
	_ =	sdelay $0x4  }
0x1f8: {  	v60 =	vshll.u32 v3, $0x1  }
0x1f9: {  	v3 =	vand.u32 $0x7, v3;
	v4 =	vand.u32 $0xFFFFFFF0, v60  }
0x1fa: {  	v3 =	vor.u32 v3, v4  }
0x1fb: {  	v4 =	vperm.xlane v3, v0;
	_ =	sdelay $0x1  }
0x1fc: {  	v3 =	vperm.xlane v3, v2;
	v4 =	vadd.s32 v1, v4;
	_ =	sdelay $0x1  }
0x1fd: {  	v3 =	vadd.s32 v1, v3;
	_ =	sdelay $0x1  }
0x1fe: {  	s17 =	simm.s32 $0x12780  }
0x1ff: {  	[tilespmem:s17], [sflag:$0x4] =	stream.indirect_vreg.gather [hbm4b:s3+s2], $0x80, v4, vm0, $0xb8;
	[tilespmem:$0x1B780] =	vst v63  }
0x200: {  	s17 =	simm.s32 $0x12F80  }
0x201: {  	[tilespmem:s17], [sflag:$0x4] =	stream.indirect_vreg.gather [hbm4b:s3+s2], $0x80, v3, vm0, $0xb8;
	[tilespmem:$0x1B780] =	vst v63  }
0x202: {  	v3 =	vld [tilespmem:s14+$0x140];
	_ =	sdelay $0x4  }
0x203: {  	v61 =	vshll.u32 v3, $0x1  }
0x204: {  	v3 =	vand.u32 $0x7, v3;
	v4 =	vand.u32 $0xFFFFFFF0, v61  }
0x205: {  	v3 =	vor.u32 v3, v4  }
0x206: {  	v4 =	vperm.xlane v3, v0;
	_ =	sdelay $0x1  }
0x207: {  	v3 =	vperm.xlane v3, v2;
	v4 =	vadd.s32 v1, v4;
	_ =	sdelay $0x1  }
0x208: {  	v3 =	vadd.s32 v1, v3;
	_ =	sdelay $0x1  }
0x209: {  	s17 =	simm.s32 $0x13780  }
0x20a: {  	[tilespmem:s17], [sflag:$0x4] =	stream.indirect_vreg.gather [hbm4b:s3+s2], $0x80, v4, vm0, $0xb8;
	[tilespmem:$0x1B780] =	vst v63  }
0x20b: {  	s17 =	simm.s32 $0x13F80  }
0x20c: {  	[tilespmem:s17], [sflag:$0x4] =	stream.indirect_vreg.gather [hbm4b:s3+s2], $0x80, v3, vm0, $0xb8;
	[tilespmem:$0x1B780] =	vst v63  }
0x20d: {  	v3 =	vld [tilespmem:s14+$0x150];
	_ =	sdelay $0x4  }
0x20e: {  	v62 =	vshll.u32 v3, $0x1  }
0x20f: {  	v3 =	vand.u32 $0x7, v3;
	v4 =	vand.u32 $0xFFFFFFF0, v62  }
0x210: {  	v3 =	vor.u32 v3, v4  }
0x211: {  	v4 =	vperm.xlane v3, v0;
	_ =	sdelay $0x1  }
0x212: {  	v3 =	vperm.xlane v3, v2;
	v4 =	vadd.s32 v1, v4;
	_ =	sdelay $0x1  }
0x213: {  	v3 =	vadd.s32 v1, v3;
	_ =	sdelay $0x2  }
0x214: {  	[tilespmem:s19], [sflag:$0x4] =	stream.indirect_vreg.gather [hbm4b:s3+s2], $0x80, v4, vm0, $0xb8;
	[tilespmem:$0x1B780] =	vst v63  }
0x215: {  	_ = 	snop  }
0x216: {  	[tilespmem:s20], [sflag:$0x4] =	stream.indirect_vreg.gather [hbm4b:s3+s2], $0x80, v3, vm0, $0xb8;
	[tilespmem:$0x1B780] =	vst v63  }
0x217: {  	v3 =	vld [tilespmem:s14+$0x160];
	_ =	sdelay $0x4  }
0x218: {  	v63 =	vshll.u32 v3, $0x1  }
0x219: {  	v3 =	vand.u32 $0x7, v3;
	v4 =	vand.u32 $0xFFFFFFF0, v63  }
0x21a: {  	v3 =	vor.u32 v3, v4  }
0x21b: {  	v4 =	vperm.xlane v3, v0;
	_ =	sdelay $0x1  }
0x21c: {  	v3 =	vperm.xlane v3, v2;
	v4 =	vadd.s32 v1, v4;
	_ =	sdelay $0x1  }
0x21d: {  	v3 =	vadd.s32 v1, v3  }
.Ltmp8:
0x21e: {  	_ = 	snop;
	(pc) =	sbr.rel .LBB2_10-.Ltmp8, $4  }
0x21f: {  	_ = 	snop  }
0x220: {  	[tilespmem:s21], [sflag:$0x4] =	stream.indirect_vreg.gather [hbm4b:s3+s2], $0x80, v4, vm0, $0xb8;
	[tilespmem:$0x1B780] =	vst v63  }
0x221: {  	_ = 	snop  }
0x222: {  	[tilespmem:s22], [sflag:$0x4] =	stream.indirect_vreg.gather [hbm4b:s3+s2], $0x80, v3, vm0, $0xb8;
	[tilespmem:$0x1B780] =	vst v63  }
.LBB2_12:
0x223: {  	_ =	sfence.sel $0x180000  }
0x224: {  	[bflag:$0x0] =	sbarrier.arrive $0xFFFF  }
0x225: {  	_ =	strace $0x9000004A  }
0x226: {  	s0 =	stileid.u32;
	[bflag:$0x2] =	sbarrier.arrive $0xFFFF  }
0x227: {  	p0 =	sne.s32 s0, $0x0;
	s0 =	rddreg [dreg:$0x2]  }
0x228: {  	s0 =	sadd.s32 @!p0 $0x100000, s0  }
0x229: {  	[sflag:s0] =	ssyncadd.tile.s32 @!p0 $0x1;
	_ =	shalt  }
.Lfunc_end2:
_tile_overlayer_lowered:
.L_overlay_start_2:
0x22a: {  	(tag) =	ssettag $0x2  }
0x22b: {  	s0 =	rddreg [dreg:$0x0];
	s2 =	stileid.u32  }
0x22c: {  	s1 =	rddreg [dreg:$0x1];
	p0 =	sne.s32 s2, $0x0  }
0x22d: {  	s3 =	rddreg [dreg:$0x2];
	[bflag:$0x3] =	sbarrier.arrive $0xFFFF;
	s2 =	simm.s32 @!p0 $0x1C06  }
0x22e: {  	[timem:s3], [sflag:s2] =	dma.local @!p0 [hbm:s0], s1  }
0x22f: {  	s0 =	simm.s32 @!p0 $0x6  }
0x230: {  	_ =	swait.ge @!p0 [sflag:s0], s1  }
0x231: {  	s1 =	ssub.s32 @!p0 $0x0, s1;
	[sflag:s0] =	ssyncset.done @!p0 $0x0  }
0x232: {  	[sflag:s0] =	ssyncadd.s32 @!p0 s1  }
0x233: {  	[bflag:$0x3] =	sbarrier.arrive $0xFFFF  }
0x234: {  	_ =	shalt  }

</sc_bundles>
